<compile_context>
chip_gen: v7x
topology: tpu7x:2x2x1
jax: 0.10.2.dev20260603
libtpu: 0.0.44.dev20260713+nightly
codegen_flags: <defaults>
</compile_context>

<pallas_src>
import functools

import jax
import jax.numpy as jnp
from jax import lax
from jax.experimental import pallas as pl
from jax.experimental.pallas import tpu as pltpu
from jax.experimental.pallas import tpu_sc as plsc

N = 10000
NPAD = 10240
E = 320000
NIMG = 100
NPAIR = 1024
NC, NS = 2, 16
NW = NC * NS
CH = 128
NCHUNK = (NPAD * NW) // (NW * CH)
EPAD = NW * 10240
NCHUNK = 10240 // CH
RPT = NPAD // NS

def _mesh():
  return plsc.VectorSubcoreMesh(
      core_axis_name="c", subcore_axis_name="s", num_cores=NC, num_subcores=NS)


@functools.cache
def _get_sc_degree():
  @functools.partial(
      pl.kernel,
      out_type=jax.ShapeDtypeStruct((NW, NPAD), jnp.float32),
      mesh=_mesh(),
      scratch_types=[
          pltpu.VMEM((NCHUNK, CH), jnp.int32),
          pltpu.VMEM((NPAD,), jnp.float32),
      ],
      compiler_params=pltpu.CompilerParams(
          needs_layout_passes=False, use_tc_tiling_on_sc=False),
  )
  def _sc_degree(dst_hbm, out_hbm, idx_v, acc_v):
    c = lax.axis_index("c")
    s = lax.axis_index("s")
    w = c * NS + s
    pltpu.sync_copy(dst_hbm.at[w], idx_v)
    zeros16 = jnp.zeros((16,), jnp.float32)

    def zero_body(i, carry):
      acc_v[pl.ds(i * 16, 16)] = zeros16
      return carry

    lax.fori_loop(0, NPAD // 16, zero_body, 0)
    ones16 = jnp.ones((16,), jnp.float32)

    def chunk_body(j, carry):
      def vec_body(i, carry2):
        idx = idx_v[j, pl.ds(i * 16, 16)]
        plsc.addupdate_scatter(acc_v, [idx], ones16)
        return carry2

      return lax.fori_loop(0, CH // 16, vec_body, carry)

    lax.fori_loop(0, NCHUNK, chunk_body, 0)
    pltpu.sync_copy(acc_v, out_hbm.at[w])

  return _sc_degree


@functools.cache
def _get_msgpass(D):
  nch = NCHUNK * 2
  NB = 2 if D == 64 else 4
  NG = nch // NB

  @functools.partial(
      pl.kernel,
      out_type=jax.ShapeDtypeStruct((NC, NPAD, D), jnp.float32),
      mesh=_mesh(),
      scratch_types=[
          pltpu.VMEM((nch, CH), jnp.int32),
          pltpu.VMEM((nch, CH), jnp.int32),
          pltpu.VMEM((2 * NB, CH, D), jnp.float32),
          pltpu.VMEM_SHARED((NPAD, D), jnp.float32),
          pltpu.SemaphoreType.DMA,
          pltpu.SemaphoreType.DMA,
          pltpu.SemaphoreType.DMA,
      ],
      compiler_params=pltpu.CompilerParams(
          needs_layout_passes=False, use_tc_tiling_on_sc=False),
  )
  def msgpass(hs_hbm, src_hbm, dst_hbm, out_hbm, src_v, dst_v, rows_v,
              acc_sh, gsem0, gsem1, ssem):
    c = lax.axis_index("c")
    s = lax.axis_index("s")
    gsems = (gsem0, gsem1)
    src_slab = src_hbm.at[c, s]
    dst_slab = dst_hbm.at[s]
    pltpu.make_async_copy(src_slab, src_v, gsem0).start()
    pltpu.make_async_copy(dst_slab, dst_v, gsem1).start()

    zeros16 = jnp.zeros((16,), jnp.float32)

    def zero_body(r, carry):
      for q in range(D // 16):
        rows_v[0, r, pl.ds(q * 16, 16)] = zeros16
      return carry

    lax.fori_loop(0, CH, zero_body, 0)
    pltpu.make_async_copy(src_slab, src_v, gsem0).wait()
    pltpu.make_async_copy(dst_slab, dst_v, gsem1).wait()
    for r in range(RPT // CH):
      pltpu.sync_copy(rows_v.at[0], acc_sh.at[pl.ds(s * RPT + r * CH, CH)])

    def gather(j, slot, sem):
      return pltpu.make_async_copy(hs_hbm.at[src_v.at[j]], rows_v.at[slot],
                                   sem)

    def scatter_start(j, slot):
      pltpu.async_copy(rows_v.at[slot], acc_sh.at[dst_v.at[j]], ssem,
                       add=True)

    def scatter_wait(j, slot):
      pltpu.make_async_copy(rows_v.at[slot], acc_sh.at[dst_v.at[j]],
                            ssem).wait()

    for b in range(NB):
      gather(b, b, gsem0).start()
    plsc.subcore_barrier()

    def pair_body(i, carry):
      for bank in range(2):
        g = 2 * i + bank
        other = 1 - bank
        nxt = g + 1

        @pl.when(jnp.logical_and(nxt < NG, g >= 1))
        def _():
          for b in range(NB):
            scatter_wait((g - 1) * NB + b, other * NB + b)

        @pl.when(nxt < NG)
        def _():
          for b in range(NB):
            gather(nxt * NB + b, other * NB + b, gsems[other]).start()

        for b in range(NB):
          gather(g * NB + b, bank * NB + b, gsems[bank]).wait()
        for b in range(NB):
          scatter_start(g * NB + b, bank * NB + b)
      return carry

    lax.fori_loop(0, NG // 2, pair_body, 0)
    for b in range(NB):
      scatter_wait((NG - 2) * NB + b, 0 * NB + b)
    for b in range(NB):
      scatter_wait((NG - 1) * NB + b, 1 * NB + b)
    plsc.subcore_barrier()
    pltpu.sync_copy(acc_sh.at[pl.ds(s * RPT, RPT)],
                    out_hbm.at[c, pl.ds(s * RPT, RPT)])

  return msgpass


def _dinv_col(degp_blk):
  ones = jnp.ones((NW, 1), jnp.float32)
  deg = lax.dot_general(degp_blk, ones, (((0,), (0,)), ((), ())),
                        preferred_element_type=jnp.float32)
  return lax.rsqrt(1.0 + deg)


def _tc1_body(x_ref, w1_ref, degp_ref, hst_ref):
  h0 = jnp.dot(x_ref[...], w1_ref[...], preferred_element_type=jnp.float32)
  hs1 = h0 * _dinv_col(degp_ref[...])
  hst_ref[0] = hs1[:, :64]
  hst_ref[1] = hs1[:, 64:]


def _tc2_body(p_ref, hst_ref, degp_ref, b1_ref, w2_ref, hs2_ref):
  dinv = _dinv_col(degp_ref[...])
  acc = jnp.concatenate(
      [p_ref[0] + hst_ref[0], p_ref[1] + hst_ref[1]], axis=1)
  h1 = jnp.maximum(acc * dinv + b1_ref[...], 0.0)
  hs2 = jnp.dot(h1, w2_ref[...], preferred_element_type=jnp.float32) * dinv
  hs2_ref[0] = hs2[:, :32]
  hs2_ref[1] = hs2[:, 32:]


def _tc3_body(q_ref, hs2_ref, degp_ref, b2_ref, batch_ref, p0_ref, p1_ref,
              fca_ref, fcb_ref, fcb0_ref, out_ref):
  dinv = _dinv_col(degp_ref[...])
  acc = jnp.concatenate(
      [q_ref[0] + hs2_ref[0], q_ref[1] + hs2_ref[1]], axis=1)
  h2 = acc * dinv + b2_ref[...]
  ids = lax.broadcasted_iota(jnp.int32, (NIMG, NPAD), 0).astype(jnp.float32)
  oneh = (batch_ref[...] == ids).astype(jnp.float32)
  counts = jnp.dot(oneh, jnp.ones((NPAD, 1), jnp.float32),
                   preferred_element_type=jnp.float32)
  sums = jnp.dot(oneh, h2, preferred_element_type=jnp.float32)
  img = sums / jnp.maximum(counts, 1.0)
  sv = jnp.dot(img, fca_ref[...], preferred_element_type=jnp.float32)
  tv = jnp.dot(img, fcb_ref[...], preferred_element_type=jnp.float32)
  pid = lax.broadcasted_iota(jnp.int32, (NPAIR, NIMG), 1).astype(jnp.float32)
  oh0 = (p0_ref[...] == pid).astype(jnp.float32)
  oh1 = (p1_ref[...] == pid).astype(jnp.float32)
  z = (jnp.dot(oh0, sv, preferred_element_type=jnp.float32)
       + jnp.dot(oh1, tv, preferred_element_type=jnp.float32)
       + fcb0_ref[...])
  out_ref[...] = 1.0 / (1.0 + jnp.exp(-z))


_BLK = 1024
_GRID = NPAD // _BLK


def _tc1(xp, W1, degp):
  return pl.pallas_call(
      _tc1_body,
      grid=(_GRID,),
      in_specs=[
          pl.BlockSpec((_BLK, 128), lambda i: (i, 0)),
          pl.BlockSpec((128, 128), lambda i: (0, 0)),
          pl.BlockSpec((NW, _BLK), lambda i: (0, i)),
      ],
      out_specs=pl.BlockSpec((2, _BLK, 64), lambda i: (0, i, 0)),
      out_shape=jax.ShapeDtypeStruct((2, NPAD, 64), jnp.float32),
  )(xp, W1, degp)


def _tc2(p, hst, degp, b1, W2):
  return pl.pallas_call(
      _tc2_body,
      grid=(_GRID,),
      in_specs=[
          pl.BlockSpec((2, _BLK, 64), lambda i: (0, i, 0)),
          pl.BlockSpec((2, _BLK, 64), lambda i: (0, i, 0)),
          pl.BlockSpec((NW, _BLK), lambda i: (0, i)),
          pl.BlockSpec((1, 128), lambda i: (0, 0)),
          pl.BlockSpec((128, 64), lambda i: (0, 0)),
      ],
      out_specs=pl.BlockSpec((2, _BLK, 32), lambda i: (0, i, 0)),
      out_shape=jax.ShapeDtypeStruct((2, NPAD, 32), jnp.float32),
  )(p, hst, degp, b1, W2)


def _tc3(q, hs2, degp, b2, batchf, p0f, p1f, fca, fcb, fcb0):
  return pl.pallas_call(
      _tc3_body,
      out_shape=jax.ShapeDtypeStruct((NPAIR, 1), jnp.float32),
  )(q, hs2, degp, b2, batchf, p0f, p1f, fca, fcb, fcb0)


def kernel(x, edge_index, batch, pairs, W1, b1, W2, b2, fc_W, fc_b):
  f32 = jnp.float32
  xp = jnp.concatenate([x, jnp.zeros((NPAD - N, 128), f32)], axis=0)
  pad = N + (jnp.arange(EPAD - E, dtype=jnp.int32) % (NPAD - N))
  src_all = jnp.concatenate([edge_index[0], pad])
  dst_all = jnp.concatenate([edge_index[1], pad])
  src_r = src_all.reshape(NW, NCHUNK, CH)
  dst_r = dst_all.reshape(NW, NCHUNK, CH)
  src_base = src_all.reshape(NS, 2 * NCHUNK, CH)
  src_d = jnp.stack([src_base, src_base + NPAD])
  dst_d = dst_all.reshape(NS, 2 * NCHUNK, CH)
  batchf = jnp.concatenate(
      [batch.astype(f32), jnp.full((NPAD - N,), 1e9, f32)]).reshape(1, NPAD)
  p0f = pairs[:, 0:1].astype(f32)
  p1f = pairs[:, 1:2].astype(f32)

  degp = _get_sc_degree()(dst_r)
  hst = _tc1(xp, W1, degp)
  p = _get_msgpass(64)(hst.reshape(2 * NPAD, 64), src_d, dst_d)
  hst2 = _tc2(p, hst, degp, b1.reshape(1, 128), W2)
  q = _get_msgpass(32)(hst2.reshape(2 * NPAD, 32), src_d, dst_d)
  return _tc3(q, hst2, degp, b2.reshape(1, 64), batchf, p0f, p1f,
              fc_W[:64], fc_W[64:], fc_b.reshape(1, 1))

# --- scband reference (transcript-rebuilt; emitter-appended) ---
"""Pipeline reference for scband-place-recognition-gcn-43430709297955 (READ-ONLY COPY).

The authoritative reference and input builder live on the scoring server;
editing this copy changes nothing except your own understanding.
"""

import jax, jax.numpy as jnp
import numpy as np

N_NODES = 10000
N_IMAGES = 100


def gcn_conv(x, src, dst, W, b):
    # GCNConv with self-loops already appended to (src, dst):
    # out = D^{-1/2} (A+I) D^{-1/2} (X W) + b
    h = x @ W
    deg = jnp.zeros((N_NODES,), dtype=h.dtype).at[dst].add(1.0)
    dinv = jnp.where(deg > 0, deg ** -0.5, 0.0)
    norm = dinv[src] * dinv[dst]
    msgs = h[src] * norm[:, None]
    out = jnp.zeros((N_NODES, h.shape[1]), dtype=h.dtype).at[dst].add(msgs)
    return out + b


def setup_inputs(seed: int = 0) -> dict:
    key = jax.random.key(seed)
    ks = jax.random.split(key, 12)
    x = jax.random.normal(ks[0], (N_NODES, 128), dtype=jnp.float32)
    edge_index = jax.random.randint(ks[1], (2, 320000), 0, N_NODES, dtype=jnp.int32)
    batch = jnp.sort(jax.random.randint(ks[2], (N_NODES,), 0, N_IMAGES, dtype=jnp.int32))
    pairs = jax.random.randint(ks[3], (1024, 2), 0, N_IMAGES, dtype=jnp.int32)
    W1 = jax.random.normal(ks[4], (128, 128), dtype=jnp.float32) * (1.0 / np.sqrt(128))
    b1 = jnp.zeros((128,), dtype=jnp.float32)
    W2 = jax.random.normal(ks[5], (128, 64), dtype=jnp.float32) * (1.0 / np.sqrt(128))
    b2 = jnp.zeros((64,), dtype=jnp.float32)
    fc_W = jax.random.normal(ks[6], (128, 1), dtype=jnp.float32) * (1.0 / np.sqrt(128))
    fc_b = jnp.zeros((1,), dtype=jnp.float32)
    return {"x": x, "edge_index": edge_index, "batch": batch, "pairs": pairs,
            "W1": W1, "b1": b1, "W2": W2, "b2": b2, "fc_W": fc_W, "fc_b": fc_b}


def reference(x, edge_index, batch, pairs, W1, b1, W2, b2, fc_W, fc_b):
    loop = jnp.arange(N_NODES, dtype=edge_index.dtype)
    src = jnp.concatenate([edge_index[0], loop])
    dst = jnp.concatenate([edge_index[1], loop])
    h = jax.nn.relu(gcn_conv(x, src, dst, W1, b1))
    h = gcn_conv(h, src, dst, W2, b2)
    sums = jax.ops.segment_sum(h, batch, num_segments=N_IMAGES)
    counts = jax.ops.segment_sum(jnp.ones((N_NODES,), dtype=h.dtype), batch, num_segments=N_IMAGES)
    img = sums / jnp.maximum(counts, 1.0)[:, None]
    pe = jnp.concatenate([img[pairs[:, 0]], img[pairs[:, 1]]], axis=1)
    return jax.nn.sigmoid(pe @ fc_W + fc_b)

if __name__ == "__main__":
    import jax
    _d = setup_inputs()
    print(jax.jit(kernel)(*tuple(_d.values())))

</pallas_src>

<mosaic_0001>
#map = affine_map<(d0, d1) -> (0, 0, 0)>
#map1 = affine_map<(d0, d1) -> (0, 0)>
module attributes {stable_mosaic.version = 14 : i64} {
  func.func @_sc_degree(%arg0: i32, %arg1: i32, %arg2: memref<32x80x128xi32, #tpu.memory_space<hbm>>, %arg3: memref<32x10240xf32, #tpu.memory_space<hbm>>, %arg4: memref<80x128xi32, #tpu.memory_space<vmem>>, %arg5: memref<10240xf32, #tpu.memory_space<vmem>>) attributes {dimension_semantics = [#tpu.dimension_semantics<core_parallel>, #tpu.dimension_semantics<subcore_parallel>], iteration_bounds = array<i64: 2, 16>, scalar_prefetch = 0 : i64, scratch_operands = 2 : i64, tpu.core_type = #tpu.core_type<sc_vector_subcore>, window_params = [{transform_indices = #map}, {transform_indices = #map1}]} {
    %mul3A = arith.constant 16 : i32
    %mul3A_0 = arith.muli %arg0, %mul3A : i32
    %add3A = arith.addi %mul3A_0, %arg1 : i32
    "tpu.region"() ({
      %run_scoped3A = tpu.sem_alloc : memref<!tpu.dma_semaphore, #tpu.memory_space<semaphore_mem>>
      %dma_start3A = arith.constant 0 : i32
      %dma_start3A_15 = arith.constant 0 : i32
      %dma_start3A_16 = tpu.memref_slice %arg2[%add3A, %dma_start3A, %dma_start3A_15] : memref<32x80x128xi32, #tpu.memory_space<hbm>> -> memref<1x80x128xi32, #tpu.memory_space<hbm>>
      %dma_start3A_17 = tpu.memref_squeeze %dma_start3A_16 : memref<1x80x128xi32, #tpu.memory_space<hbm>> -> memref<80x128xi32, #tpu.memory_space<hbm>>
      %dma_start3A_18 = arith.constant 0 : i32
      %dma_start3A_19 = arith.constant 0 : i32
      %dma_start3A_20 = tpu.memref_slice %arg2[%add3A, %dma_start3A_18, %dma_start3A_19] : memref<32x80x128xi32, #tpu.memory_space<hbm>> -> memref<1x80x128xi32, #tpu.memory_space<hbm>>
      %dma_start3A_21 = tpu.memref_squeeze %dma_start3A_20 : memref<1x80x128xi32, #tpu.memory_space<hbm>> -> memref<80x128xi32, #tpu.memory_space<hbm>>
      tpu.enqueue_dma source(%dma_start3A_21 : memref<80x128xi32, #tpu.memory_space<hbm>>) target(%arg4 : memref<80x128xi32, #tpu.memory_space<vmem>>) target_semaphore(%run_scoped3A : memref<!tpu.dma_semaphore, #tpu.memory_space<semaphore_mem>>)
      %dma_wait3A = arith.constant 0 : i32
      %dma_wait3A_22 = arith.constant 0 : i32
      %dma_wait3A_23 = tpu.memref_slice %arg2[%add3A, %dma_wait3A, %dma_wait3A_22] : memref<32x80x128xi32, #tpu.memory_space<hbm>> -> memref<1x80x128xi32, #tpu.memory_space<hbm>>
      %dma_wait3A_24 = tpu.memref_squeeze %dma_wait3A_23 : memref<1x80x128xi32, #tpu.memory_space<hbm>> -> memref<80x128xi32, #tpu.memory_space<hbm>>
      %dma_wait3A_25 = arith.constant 0 : i32
      %dma_wait3A_26 = arith.constant 0 : i32
      %dma_wait3A_27 = tpu.memref_slice %arg2[%add3A, %dma_wait3A_25, %dma_wait3A_26] : memref<32x80x128xi32, #tpu.memory_space<hbm>> -> memref<1x80x128xi32, #tpu.memory_space<hbm>>
      %dma_wait3A_28 = tpu.memref_squeeze %dma_wait3A_27 : memref<1x80x128xi32, #tpu.memory_space<hbm>> -> memref<80x128xi32, #tpu.memory_space<hbm>>
      tpu.wait_dma2 semaphore(%run_scoped3A : memref<!tpu.dma_semaphore, #tpu.memory_space<semaphore_mem>>) src(%dma_wait3A_28 : memref<80x128xi32, #tpu.memory_space<hbm>>) dst(%arg4 : memref<80x128xi32, #tpu.memory_space<vmem>>)
      tpu.yield
    }) : () -> ()
    %broadcast_in_dim3A = arith.constant 0.000000e+00 : f32
    %broadcast_in_dim3A_1 = vector.broadcast %broadcast_in_dim3A : f32 to vector<16xf32>
    %scan3A = arith.constant 0 : i32
    %scan3A_2 = arith.constant 0 : i32
    %scan3A_3 = arith.constant 640 : i32
    %scan3A_4 = arith.addi %scan3A_2, %scan3A_3 : i32
    %scan3A_5 = arith.constant 1 : i32
    scf.for %scan3A_15 = %scan3A_2 to %scan3A_4 step %scan3A_5  : i32 {
      %mul3A_16 = arith.constant 16 : i32
      %mul3A_17 = arith.muli %scan3A_15, %mul3A_16 : i32
      %swap3A = arith.index_cast %mul3A_17 : i32 to index
      %swap3A_18 = tpu.vector_load %arg5[%swap3A] {strides = array<i32>} : memref<10240xf32, #tpu.memory_space<vmem>>, vector<16xf32>,
      tpu.vector_store %arg5[%swap3A], %broadcast_in_dim3A_1 {strides = array<i32>} : memref<10240xf32, #tpu.memory_space<vmem>>, vector<16xf32>,
    }
    %scan3A_6 = arith.constant 640 : i32
    %broadcast_in_dim3A_7 = arith.constant 1.000000e+00 : f32
    %broadcast_in_dim3A_8 = vector.broadcast %broadcast_in_dim3A_7 : f32 to vector<16xf32>
    %scan3A_9 = arith.constant 0 : i32
    %scan3A_10 = arith.constant 0 : i32
    %scan3A_11 = arith.constant 80 : i32
    %scan3A_12 = arith.addi %scan3A_10, %scan3A_11 : i32
    %scan3A_13 = arith.constant 1 : i32
    scf.for %scan3A_15 = %scan3A_10 to %scan3A_12 step %scan3A_13  : i32 {
      %scan3A_16 = arith.constant 0 : i32
      %scan3A_17 = arith.constant 8 : i32
      %scan3A_18 = arith.addi %scan3A_16, %scan3A_17 : i32
      %scan3A_19 = arith.constant 1 : i32
      scf.for %scan3A_21 = %scan3A_16 to %scan3A_18 step %scan3A_19  : i32 {
        %mul3A_22 = arith.constant 16 : i32
        %mul3A_23 = arith.muli %scan3A_21, %mul3A_22 : i32
        %get3A = arith.index_cast %scan3A_15 : i32 to index
        %get3A_24 = arith.index_cast %mul3A_23 : i32 to index
        %get3A_25 = tpu.vector_load %arg4[%get3A, %get3A_24] {strides = array<i32>} : memref<80x128xi32, #tpu.memory_space<vmem>>, vector<16xi32>,
        tpu.vector_store_idx %arg5[%get3A_25], %broadcast_in_dim3A_8 {add = true} : memref<10240xf32, #tpu.memory_space<vmem>>[vector<16xi32>], vector<16xf32>,
      }
      %scan3A_20 = arith.constant 8 : i32
    }
    %scan3A_14 = arith.constant 80 : i32
    "tpu.region"() ({
      %run_scoped3A = tpu.sem_alloc : memref<!tpu.dma_semaphore, #tpu.memory_space<semaphore_mem>>
      %dma_start3A = arith.constant 0 : i32
      %dma_start3A_15 = tpu.memref_slice %arg3[%add3A, %dma_start3A] : memref<32x10240xf32, #tpu.memory_space<hbm>> -> memref<1x10240xf32, #tpu.memory_space<hbm>>
      %dma_start3A_16 = tpu.memref_squeeze %dma_start3A_15 : memref<1x10240xf32, #tpu.memory_space<hbm>> -> memref<10240xf32, #tpu.memory_space<hbm>>
      %dma_start3A_17 = arith.constant 0 : i32
      %dma_start3A_18 = tpu.memref_slice %arg3[%add3A, %dma_start3A_17] : memref<32x10240xf32, #tpu.memory_space<hbm>> -> memref<1x10240xf32, #tpu.memory_space<hbm>>
      %dma_start3A_19 = tpu.memref_squeeze %dma_start3A_18 : memref<1x10240xf32, #tpu.memory_space<hbm>> -> memref<10240xf32, #tpu.memory_space<hbm>>
      tpu.enqueue_dma source(%arg5 : memref<10240xf32, #tpu.memory_space<vmem>>) target(%dma_start3A_19 : memref<10240xf32, #tpu.memory_space<hbm>>) target_semaphore(%run_scoped3A : memref<!tpu.dma_semaphore, #tpu.memory_space<semaphore_mem>>)
      %dma_wait3A = arith.constant 0 : i32
      %dma_wait3A_20 = tpu.memref_slice %arg3[%add3A, %dma_wait3A] : memref<32x10240xf32, #tpu.memory_space<hbm>> -> memref<1x10240xf32, #tpu.memory_space<hbm>>
      %dma_wait3A_21 = tpu.memref_squeeze %dma_wait3A_20 : memref<1x10240xf32, #tpu.memory_space<hbm>> -> memref<10240xf32, #tpu.memory_space<hbm>>
      %dma_wait3A_22 = arith.constant 0 : i32
      %dma_wait3A_23 = tpu.memref_slice %arg3[%add3A, %dma_wait3A_22] : memref<32x10240xf32, #tpu.memory_space<hbm>> -> memref<1x10240xf32, #tpu.memory_space<hbm>>
      %dma_wait3A_24 = tpu.memref_squeeze %dma_wait3A_23 : memref<1x10240xf32, #tpu.memory_space<hbm>> -> memref<10240xf32, #tpu.memory_space<hbm>>
      tpu.wait_dma2 semaphore(%run_scoped3A : memref<!tpu.dma_semaphore, #tpu.memory_space<semaphore_mem>>) src(%arg5 : memref<10240xf32, #tpu.memory_space<vmem>>) dst(%dma_wait3A_24 : memref<10240xf32, #tpu.memory_space<hbm>>)
      tpu.yield
    }) : () -> ()
    return
  }
}

#map = affine_map<(d0, d1) -> (0, 0)>
#map1 = affine_map<(d0, d1) -> (0, 0, 0, 0)>
#map2 = affine_map<(d0, d1) -> (0, 0, 0)>
module attributes {stable_mosaic.version = 14 : i64} {
  func.func @msgpass(%arg0: i32, %arg1: i32, %arg2: memref<20480x32xf32, #tpu.memory_space<hbm>>, %arg3: memref<2x16x160x128xi32, #tpu.memory_space<hbm>>, %arg4: memref<16x160x128xi32, #tpu.memory_space<hbm>>, %arg5: memref<2x10240x32xf32, #tpu.memory_space<hbm>>, %arg6: memref<160x128xi32, #tpu.memory_space<vmem>>, %arg7: memref<160x128xi32, #tpu.memory_space<vmem>>, %arg8: memref<8x128x32xf32, #tpu.memory_space<vmem>>, %arg9: memref<10240x32xf32, #tpu.memory_space<vmem_shared>>, %arg10: memref<!tpu.dma_semaphore, #tpu.memory_space<semaphore_mem>>, %arg11: memref<!tpu.dma_semaphore, #tpu.memory_space<semaphore_mem>>, %arg12: memref<!tpu.dma_semaphore, #tpu.memory_space<semaphore_mem>>) attributes {dimension_semantics = [#tpu.dimension_semantics<core_parallel>, #tpu.dimension_semantics<subcore_parallel>], iteration_bounds = array<i64: 2, 16>, scalar_prefetch = 0 : i64, scratch_operands = 7 : i64, tpu.core_type = #tpu.core_type<sc_vector_subcore>, window_params = [{transform_indices = #map}, {transform_indices = #map1}, {transform_indices = #map2}, {transform_indices = #map2}]} {
    %dma_start3A = arith.constant 0 : i32
    %dma_start3A_0 = arith.constant 0 : i32
    %dma_start3A_1 = tpu.memref_slice %arg3[%arg0, %arg1, %dma_start3A, %dma_start3A_0] : memref<2x16x160x128xi32, #tpu.memory_space<hbm>> -> memref<1x1x160x128xi32, #tpu.memory_space<hbm>>
    %dma_start3A_2 = tpu.memref_squeeze %dma_start3A_1 : memref<1x1x160x128xi32, #tpu.memory_space<hbm>> -> memref<160x128xi32, #tpu.memory_space<hbm>>
    %dma_start3A_3 = arith.constant 0 : i32
    %dma_start3A_4 = arith.constant 0 : i32
    %dma_start3A_5 = tpu.memref_slice %arg3[%arg0, %arg1, %dma_start3A_3, %dma_start3A_4] : memref<2x16x160x128xi32, #tpu.memory_space<hbm>> -> memref<1x1x160x128xi32, #tpu.memory_space<hbm>>
    %dma_start3A_6 = tpu.memref_squeeze %dma_start3A_5 : memref<1x1x160x128xi32, #tpu.memory_space<hbm>> -> memref<160x128xi32, #tpu.memory_space<hbm>>
    tpu.enqueue_dma source(%dma_start3A_6 : memref<160x128xi32, #tpu.memory_space<hbm>>) target(%arg6 : memref<160x128xi32, #tpu.memory_space<vmem>>) target_semaphore(%arg10 : memref<!tpu.dma_semaphore, #tpu.memory_space<semaphore_mem>>)
    %dma_start3A_7 = arith.constant 0 : i32
    %dma_start3A_8 = arith.constant 0 : i32
    %dma_start3A_9 = tpu.memref_slice %arg4[%arg1, %dma_start3A_7, %dma_start3A_8] : memref<16x160x128xi32, #tpu.memory_space<hbm>> -> memref<1x160x128xi32, #tpu.memory_space<hbm>>
    %dma_start3A_10 = tpu.memref_squeeze %dma_start3A_9 : memref<1x160x128xi32, #tpu.memory_space<hbm>> -> memref<160x128xi32, #tpu.memory_space<hbm>>
    %dma_start3A_11 = arith.constant 0 : i32
    %dma_start3A_12 = arith.constant 0 : i32
    %dma_start3A_13 = tpu.memref_slice %arg4[%arg1, %dma_start3A_11, %dma_start3A_12] : memref<16x160x128xi32, #tpu.memory_space<hbm>> -> memref<1x160x128xi32, #tpu.memory_space<hbm>>
    %dma_start3A_14 = tpu.memref_squeeze %dma_start3A_13 : memref<1x160x128xi32, #tpu.memory_space<hbm>> -> memref<160x128xi32, #tpu.memory_space<hbm>>
    tpu.enqueue_dma source(%dma_start3A_14 : memref<160x128xi32, #tpu.memory_space<hbm>>) target(%arg7 : memref<160x128xi32, #tpu.memory_space<vmem>>) target_semaphore(%arg11 : memref<!tpu.dma_semaphore, #tpu.memory_space<semaphore_mem>>)
    %broadcast_in_dim3A = arith.constant 0.000000e+00 : f32
    %broadcast_in_dim3A_15 = vector.broadcast %broadcast_in_dim3A : f32 to vector<16xf32>
    %scan3A = arith.constant 0 : i32
    %scan3A_16 = arith.constant 0 : i32
    %scan3A_17 = arith.constant 128 : i32
    %scan3A_18 = arith.addi %scan3A_16, %scan3A_17 : i32
    %scan3A_19 = arith.constant 1 : i32
    scf.for %scan3A_213 = %scan3A_16 to %scan3A_18 step %scan3A_19  : i32 {
      %swap3A = arith.constant 0 : i32
      %swap3A_214 = arith.index_cast %swap3A : i32 to index
      %swap3A_215 = arith.index_cast %scan3A_213 : i32 to index
      %swap3A_216 = arith.constant 0 : index
      %swap3A_217 = tpu.vector_load %arg8[%swap3A_214, %swap3A_215, %swap3A_216] {strides = array<i32>} : memref<8x128x32xf32, #tpu.memory_space<vmem>>, vector<16xf32>,
      tpu.vector_store %arg8[%swap3A_214, %swap3A_215, %swap3A_216], %broadcast_in_dim3A_15 {strides = array<i32>} : memref<8x128x32xf32, #tpu.memory_space<vmem>>, vector<16xf32>,
      %swap3A_218 = arith.constant 0 : i32
      %swap3A_219 = arith.index_cast %swap3A_218 : i32 to index
      %swap3A_220 = arith.index_cast %scan3A_213 : i32 to index
      %swap3A_221 = arith.constant 16 : index
      %swap3A_222 = tpu.vector_load %arg8[%swap3A_219, %swap3A_220, %swap3A_221] {strides = array<i32>} : memref<8x128x32xf32, #tpu.memory_space<vmem>>, vector<16xf32>,
      tpu.vector_store %arg8[%swap3A_219, %swap3A_220, %swap3A_221], %broadcast_in_dim3A_15 {strides = array<i32>} : memref<8x128x32xf32, #tpu.memory_space<vmem>>, vector<16xf32>,
    }
    %scan3A_20 = arith.constant 128 : i32
    %dma_wait3A = arith.constant 0 : i32
    %dma_wait3A_21 = arith.constant 0 : i32
    %dma_wait3A_22 = tpu.memref_slice %arg3[%arg0, %arg1, %dma_wait3A, %dma_wait3A_21] : memref<2x16x160x128xi32, #tpu.memory_space<hbm>> -> memref<1x1x160x128xi32, #tpu.memory_space<hbm>>
    %dma_wait3A_23 = tpu.memref_squeeze %dma_wait3A_22 : memref<1x1x160x128xi32, #tpu.memory_space<hbm>> -> memref<160x128xi32, #tpu.memory_space<hbm>>
    %dma_wait3A_24 = arith.constant 0 : i32
    %dma_wait3A_25 = arith.constant 0 : i32
    %dma_wait3A_26 = tpu.memref_slice %arg3[%arg0, %arg1, %dma_wait3A_24, %dma_wait3A_25] : memref<2x16x160x128xi32, #tpu.memory_space<hbm>> -> memref<1x1x160x128xi32, #tpu.memory_space<hbm>>
    %dma_wait3A_27 = tpu.memref_squeeze %dma_wait3A_26 : memref<1x1x160x128xi32, #tpu.memory_space<hbm>> -> memref<160x128xi32, #tpu.memory_space<hbm>>
    tpu.wait_dma2 semaphore(%arg10 : memref<!tpu.dma_semaphore, #tpu.memory_space<semaphore_mem>>) src(%dma_wait3A_27 : memref<160x128xi32, #tpu.memory_space<hbm>>) dst(%arg6 : memref<160x128xi32, #tpu.memory_space<vmem>>)
    %dma_wait3A_28 = arith.constant 0 : i32
    %dma_wait3A_29 = arith.constant 0 : i32
    %dma_wait3A_30 = tpu.memref_slice %arg4[%arg1, %dma_wait3A_28, %dma_wait3A_29] : memref<16x160x128xi32, #tpu.memory_space<hbm>> -> memref<1x160x128xi32, #tpu.memory_space<hbm>>
    %dma_wait3A_31 = tpu.memref_squeeze %dma_wait3A_30 : memref<1x160x128xi32, #tpu.memory_space<hbm>> -> memref<160x128xi32, #tpu.memory_space<hbm>>
    %dma_wait3A_32 = arith.constant 0 : i32
    %dma_wait3A_33 = arith.constant 0 : i32
    %dma_wait3A_34 = tpu.memref_slice %arg4[%arg1, %dma_wait3A_32, %dma_wait3A_33] : memref<16x160x128xi32, #tpu.memory_space<hbm>> -> memref<1x160x128xi32, #tpu.memory_space<hbm>>
    %dma_wait3A_35 = tpu.memref_squeeze %dma_wait3A_34 : memref<1x160x128xi32, #tpu.memory_space<hbm>> -> memref<160x128xi32, #tpu.memory_space<hbm>>
    tpu.wait_dma2 semaphore(%arg11 : memref<!tpu.dma_semaphore, #tpu.memory_space<semaphore_mem>>) src(%dma_wait3A_35 : memref<160x128xi32, #tpu.memory_space<hbm>>) dst(%arg7 : memref<160x128xi32, #tpu.memory_space<vmem>>)
    %mul3A = arith.constant 640 : i32
    %mul3A_36 = arith.muli %arg1, %mul3A : i32
    %add3A = arith.constant 0 : i32
    %add3A_37 = arith.addi %mul3A_36, %add3A : i32
    %run_scoped3A = arith.constant 0 : i32
    "tpu.region"() ({
      %run_scoped3A_213 = tpu.sem_alloc : memref<!tpu.dma_semaphore, #tpu.memory_space<semaphore_mem>>
      %dma_start3A_214 = arith.constant 0 : i32
      %dma_start3A_215 = arith.constant 0 : i32
      %dma_start3A_216 = tpu.memref_slice %arg8[%run_scoped3A, %dma_start3A_214, %dma_start3A_215] : memref<8x128x32xf32, #tpu.memory_space<vmem>> -> memref<1x128x32xf32, #tpu.memory_space<vmem>>
      %dma_start3A_217 = tpu.memref_squeeze %dma_start3A_216 : memref<1x128x32xf32, #tpu.memory_space<vmem>> -> memref<128x32xf32, #tpu.memory_space<vmem>>
      %dma_start3A_218 = arith.constant 0 : i32
      %dma_start3A_219 = tpu.memref_slice %arg9[%add3A_37, %dma_start3A_218] : memref<10240x32xf32, #tpu.memory_space<vmem_shared>> -> memref<128x32xf32, #tpu.memory_space<vmem_shared>>
      %dma_start3A_220 = arith.constant 0 : i32
      %dma_start3A_221 = tpu.memref_slice %arg9[%add3A_37, %dma_start3A_220] : memref<10240x32xf32, #tpu.memory_space<vmem_shared>> -> memref<128x32xf32, #tpu.memory_space<vmem_shared>>
      %dma_start3A_222 = arith.constant 0 : i32
      %dma_start3A_223 = arith.constant 0 : i32
      %dma_start3A_224 = tpu.memref_slice %arg8[%run_scoped3A, %dma_start3A_222, %dma_start3A_223] : memref<8x128x32xf32, #tpu.memory_space<vmem>> -> memref<1x128x32xf32, #tpu.memory_space<vmem>>
      %dma_start3A_225 = tpu.memref_squeeze %dma_start3A_224 : memref<1x128x32xf32, #tpu.memory_space<vmem>> -> memref<128x32xf32, #tpu.memory_space<vmem>>
      tpu.enqueue_dma source(%dma_start3A_225 : memref<128x32xf32, #tpu.memory_space<vmem>>) target(%dma_start3A_221 : memref<128x32xf32, #tpu.memory_space<vmem_shared>>) target_semaphore(%run_scoped3A_213 : memref<!tpu.dma_semaphore, #tpu.memory_space<semaphore_mem>>)
      %dma_wait3A_226 = arith.constant 0 : i32
      %dma_wait3A_227 = arith.constant 0 : i32
      %dma_wait3A_228 = tpu.memref_slice %arg8[%run_scoped3A, %dma_wait3A_226, %dma_wait3A_227] : memref<8x128x32xf32, #tpu.memory_space<vmem>> -> memref<1x128x32xf32, #tpu.memory_space<vmem>>
      %dma_wait3A_229 = tpu.memref_squeeze %dma_wait3A_228 : memref<1x128x32xf32, #tpu.memory_space<vmem>> -> memref<128x32xf32, #tpu.memory_space<vmem>>
      %dma_wait3A_230 = arith.constant 0 : i32
      %dma_wait3A_231 = tpu.memref_slice %arg9[%add3A_37, %dma_wait3A_230] : memref<10240x32xf32, #tpu.memory_space<vmem_shared>> -> memref<128x32xf32, #tpu.memory_space<vmem_shared>>
      %dma_wait3A_232 = arith.constant 0 : i32
      %dma_wait3A_233 = tpu.memref_slice %arg9[%add3A_37, %dma_wait3A_232] : memref<10240x32xf32, #tpu.memory_space<vmem_shared>> -> memref<128x32xf32, #tpu.memory_space<vmem_shared>>
      %dma_wait3A_234 = arith.constant 0 : i32
      %dma_wait3A_235 = arith.constant 0 : i32
      %dma_wait3A_236 = tpu.memref_slice %arg8[%run_scoped3A, %dma_wait3A_234, %dma_wait3A_235] : memref<8x128x32xf32, #tpu.memory_space<vmem>> -> memref<1x128x32xf32, #tpu.memory_space<vmem>>
      %dma_wait3A_237 = tpu.memref_squeeze %dma_wait3A_236 : memref<1x128x32xf32, #tpu.memory_space<vmem>> -> memref<128x32xf32, #tpu.memory_space<vmem>>
      tpu.wait_dma2 semaphore(%run_scoped3A_213 : memref<!tpu.dma_semaphore, #tpu.memory_space<semaphore_mem>>) src(%dma_wait3A_237 : memref<128x32xf32, #tpu.memory_space<vmem>>) dst(%dma_wait3A_233 : memref<128x32xf32, #tpu.memory_space<vmem_shared>>)
      tpu.yield
    }) : () -> ()
    %mul3A_38 = arith.constant 640 : i32
    %mul3A_39 = arith.muli %arg1, %mul3A_38 : i32
    %add3A_40 = arith.constant 128 : i32
    %add3A_41 = arith.addi %mul3A_39, %add3A_40 : i32
    %run_scoped3A_42 = arith.constant 0 : i32
    "tpu.region"() ({
      %run_scoped3A_213 = tpu.sem_alloc : memref<!tpu.dma_semaphore, #tpu.memory_space<semaphore_mem>>
      %dma_start3A_214 = arith.constant 0 : i32
      %dma_start3A_215 = arith.constant 0 : i32
      %dma_start3A_216 = tpu.memref_slice %arg8[%run_scoped3A_42, %dma_start3A_214, %dma_start3A_215] : memref<8x128x32xf32, #tpu.memory_space<vmem>> -> memref<1x128x32xf32, #tpu.memory_space<vmem>>
      %dma_start3A_217 = tpu.memref_squeeze %dma_start3A_216 : memref<1x128x32xf32, #tpu.memory_space<vmem>> -> memref<128x32xf32, #tpu.memory_space<vmem>>
      %dma_start3A_218 = arith.constant 0 : i32
      %dma_start3A_219 = tpu.memref_slice %arg9[%add3A_41, %dma_start3A_218] : memref<10240x32xf32, #tpu.memory_space<vmem_shared>> -> memref<128x32xf32, #tpu.memory_space<vmem_shared>>
      %dma_start3A_220 = arith.constant 0 : i32
      %dma_start3A_221 = tpu.memref_slice %arg9[%add3A_41, %dma_start3A_220] : memref<10240x32xf32, #tpu.memory_space<vmem_shared>> -> memref<128x32xf32, #tpu.memory_space<vmem_shared>>
      %dma_start3A_222 = arith.constant 0 : i32
      %dma_start3A_223 = arith.constant 0 : i32
      %dma_start3A_224 = tpu.memref_slice %arg8[%run_scoped3A_42, %dma_start3A_222, %dma_start3A_223] : memref<8x128x32xf32, #tpu.memory_space<vmem>> -> memref<1x128x32xf32, #tpu.memory_space<vmem>>
      %dma_start3A_225 = tpu.memref_squeeze %dma_start3A_224 : memref<1x128x32xf32, #tpu.memory_space<vmem>> -> memref<128x32xf32, #tpu.memory_space<vmem>>
      tpu.enqueue_dma source(%dma_start3A_225 : memref<128x32xf32, #tpu.memory_space<vmem>>) target(%dma_start3A_221 : memref<128x32xf32, #tpu.memory_space<vmem_shared>>) target_semaphore(%run_scoped3A_213 : memref<!tpu.dma_semaphore, #tpu.memory_space<semaphore_mem>>)
      %dma_wait3A_226 = arith.constant 0 : i32
      %dma_wait3A_227 = arith.constant 0 : i32
      %dma_wait3A_228 = tpu.memref_slice %arg8[%run_scoped3A_42, %dma_wait3A_226, %dma_wait3A_227] : memref<8x128x32xf32, #tpu.memory_space<vmem>> -> memref<1x128x32xf32, #tpu.memory_space<vmem>>
      %dma_wait3A_229 = tpu.memref_squeeze %dma_wait3A_228 : memref<1x128x32xf32, #tpu.memory_space<vmem>> -> memref<128x32xf32, #tpu.memory_space<vmem>>
      %dma_wait3A_230 = arith.constant 0 : i32
      %dma_wait3A_231 = tpu.memref_slice %arg9[%add3A_41, %dma_wait3A_230] : memref<10240x32xf32, #tpu.memory_space<vmem_shared>> -> memref<128x32xf32, #tpu.memory_space<vmem_shared>>
      %dma_wait3A_232 = arith.constant 0 : i32
      %dma_wait3A_233 = tpu.memref_slice %arg9[%add3A_41, %dma_wait3A_232] : memref<10240x32xf32, #tpu.memory_space<vmem_shared>> -> memref<128x32xf32, #tpu.memory_space<vmem_shared>>
      %dma_wait3A_234 = arith.constant 0 : i32
      %dma_wait3A_235 = arith.constant 0 : i32
      %dma_wait3A_236 = tpu.memref_slice %arg8[%run_scoped3A_42, %dma_wait3A_234, %dma_wait3A_235] : memref<8x128x32xf32, #tpu.memory_space<vmem>> -> memref<1x128x32xf32, #tpu.memory_space<vmem>>
      %dma_wait3A_237 = tpu.memref_squeeze %dma_wait3A_236 : memref<1x128x32xf32, #tpu.memory_space<vmem>> -> memref<128x32xf32, #tpu.memory_space<vmem>>
      tpu.wait_dma2 semaphore(%run_scoped3A_213 : memref<!tpu.dma_semaphore, #tpu.memory_space<semaphore_mem>>) src(%dma_wait3A_237 : memref<128x32xf32, #tpu.memory_space<vmem>>) dst(%dma_wait3A_233 : memref<128x32xf32, #tpu.memory_space<vmem_shared>>)
      tpu.yield
    }) : () -> ()
    %mul3A_43 = arith.constant 640 : i32
    %mul3A_44 = arith.muli %arg1, %mul3A_43 : i32
    %add3A_45 = arith.constant 256 : i32
    %add3A_46 = arith.addi %mul3A_44, %add3A_45 : i32
    %run_scoped3A_47 = arith.constant 0 : i32
    "tpu.region"() ({
      %run_scoped3A_213 = tpu.sem_alloc : memref<!tpu.dma_semaphore, #tpu.memory_space<semaphore_mem>>
      %dma_start3A_214 = arith.constant 0 : i32
      %dma_start3A_215 = arith.constant 0 : i32
      %dma_start3A_216 = tpu.memref_slice %arg8[%run_scoped3A_47, %dma_start3A_214, %dma_start3A_215] : memref<8x128x32xf32, #tpu.memory_space<vmem>> -> memref<1x128x32xf32, #tpu.memory_space<vmem>>
      %dma_start3A_217 = tpu.memref_squeeze %dma_start3A_216 : memref<1x128x32xf32, #tpu.memory_space<vmem>> -> memref<128x32xf32, #tpu.memory_space<vmem>>
      %dma_start3A_218 = arith.constant 0 : i32
      %dma_start3A_219 = tpu.memref_slice %arg9[%add3A_46, %dma_start3A_218] : memref<10240x32xf32, #tpu.memory_space<vmem_shared>> -> memref<128x32xf32, #tpu.memory_space<vmem_shared>>
      %dma_start3A_220 = arith.constant 0 : i32
      %dma_start3A_221 = tpu.memref_slice %arg9[%add3A_46, %dma_start3A_220] : memref<10240x32xf32, #tpu.memory_space<vmem_shared>> -> memref<128x32xf32, #tpu.memory_space<vmem_shared>>
      %dma_start3A_222 = arith.constant 0 : i32
      %dma_start3A_223 = arith.constant 0 : i32
      %dma_start3A_224 = tpu.memref_slice %arg8[%run_scoped3A_47, %dma_start3A_222, %dma_start3A_223] : memref<8x128x32xf32, #tpu.memory_space<vmem>> -> memref<1x128x32xf32, #tpu.memory_space<vmem>>
      %dma_start3A_225 = tpu.memref_squeeze %dma_start3A_224 : memref<1x128x32xf32, #tpu.memory_space<vmem>> -> memref<128x32xf32, #tpu.memory_space<vmem>>
      tpu.enqueue_dma source(%dma_start3A_225 : memref<128x32xf32, #tpu.memory_space<vmem>>) target(%dma_start3A_221 : memref<128x32xf32, #tpu.memory_space<vmem_shared>>) target_semaphore(%run_scoped3A_213 : memref<!tpu.dma_semaphore, #tpu.memory_space<semaphore_mem>>)
      %dma_wait3A_226 = arith.constant 0 : i32
      %dma_wait3A_227 = arith.constant 0 : i32
      %dma_wait3A_228 = tpu.memref_slice %arg8[%run_scoped3A_47, %dma_wait3A_226, %dma_wait3A_227] : memref<8x128x32xf32, #tpu.memory_space<vmem>> -> memref<1x128x32xf32, #tpu.memory_space<vmem>>
      %dma_wait3A_229 = tpu.memref_squeeze %dma_wait3A_228 : memref<1x128x32xf32, #tpu.memory_space<vmem>> -> memref<128x32xf32, #tpu.memory_space<vmem>>
      %dma_wait3A_230 = arith.constant 0 : i32
      %dma_wait3A_231 = tpu.memref_slice %arg9[%add3A_46, %dma_wait3A_230] : memref<10240x32xf32, #tpu.memory_space<vmem_shared>> -> memref<128x32xf32, #tpu.memory_space<vmem_shared>>
      %dma_wait3A_232 = arith.constant 0 : i32
      %dma_wait3A_233 = tpu.memref_slice %arg9[%add3A_46, %dma_wait3A_232] : memref<10240x32xf32, #tpu.memory_space<vmem_shared>> -> memref<128x32xf32, #tpu.memory_space<vmem_shared>>
      %dma_wait3A_234 = arith.constant 0 : i32
      %dma_wait3A_235 = arith.constant 0 : i32
      %dma_wait3A_236 = tpu.memref_slice %arg8[%run_scoped3A_47, %dma_wait3A_234, %dma_wait3A_235] : memref<8x128x32xf32, #tpu.memory_space<vmem>> -> memref<1x128x32xf32, #tpu.memory_space<vmem>>
      %dma_wait3A_237 = tpu.memref_squeeze %dma_wait3A_236 : memref<1x128x32xf32, #tpu.memory_space<vmem>> -> memref<128x32xf32, #tpu.memory_space<vmem>>
      tpu.wait_dma2 semaphore(%run_scoped3A_213 : memref<!tpu.dma_semaphore, #tpu.memory_space<semaphore_mem>>) src(%dma_wait3A_237 : memref<128x32xf32, #tpu.memory_space<vmem>>) dst(%dma_wait3A_233 : memref<128x32xf32, #tpu.memory_space<vmem_shared>>)
      tpu.yield
    }) : () -> ()
    %mul3A_48 = arith.constant 640 : i32
    %mul3A_49 = arith.muli %arg1, %mul3A_48 : i32
    %add3A_50 = arith.constant 384 : i32
    %add3A_51 = arith.addi %mul3A_49, %add3A_50 : i32
    %run_scoped3A_52 = arith.constant 0 : i32
    "tpu.region"() ({
      %run_scoped3A_213 = tpu.sem_alloc : memref<!tpu.dma_semaphore, #tpu.memory_space<semaphore_mem>>
      %dma_start3A_214 = arith.constant 0 : i32
      %dma_start3A_215 = arith.constant 0 : i32
      %dma_start3A_216 = tpu.memref_slice %arg8[%run_scoped3A_52, %dma_start3A_214, %dma_start3A_215] : memref<8x128x32xf32, #tpu.memory_space<vmem>> -> memref<1x128x32xf32, #tpu.memory_space<vmem>>
      %dma_start3A_217 = tpu.memref_squeeze %dma_start3A_216 : memref<1x128x32xf32, #tpu.memory_space<vmem>> -> memref<128x32xf32, #tpu.memory_space<vmem>>
      %dma_start3A_218 = arith.constant 0 : i32
      %dma_start3A_219 = tpu.memref_slice %arg9[%add3A_51, %dma_start3A_218] : memref<10240x32xf32, #tpu.memory_space<vmem_shared>> -> memref<128x32xf32, #tpu.memory_space<vmem_shared>>
      %dma_start3A_220 = arith.constant 0 : i32
      %dma_start3A_221 = tpu.memref_slice %arg9[%add3A_51, %dma_start3A_220] : memref<10240x32xf32, #tpu.memory_space<vmem_shared>> -> memref<128x32xf32, #tpu.memory_space<vmem_shared>>
      %dma_start3A_222 = arith.constant 0 : i32
      %dma_start3A_223 = arith.constant 0 : i32
      %dma_start3A_224 = tpu.memref_slice %arg8[%run_scoped3A_52, %dma_start3A_222, %dma_start3A_223] : memref<8x128x32xf32, #tpu.memory_space<vmem>> -> memref<1x128x32xf32, #tpu.memory_space<vmem>>
      %dma_start3A_225 = tpu.memref_squeeze %dma_start3A_224 : memref<1x128x32xf32, #tpu.memory_space<vmem>> -> memref<128x32xf32, #tpu.memory_space<vmem>>
      tpu.enqueue_dma source(%dma_start3A_225 : memref<128x32xf32, #tpu.memory_space<vmem>>) target(%dma_start3A_221 : memref<128x32xf32, #tpu.memory_space<vmem_shared>>) target_semaphore(%run_scoped3A_213 : memref<!tpu.dma_semaphore, #tpu.memory_space<semaphore_mem>>)
      %dma_wait3A_226 = arith.constant 0 : i32
      %dma_wait3A_227 = arith.constant 0 : i32
      %dma_wait3A_228 = tpu.memref_slice %arg8[%run_scoped3A_52, %dma_wait3A_226, %dma_wait3A_227] : memref<8x128x32xf32, #tpu.memory_space<vmem>> -> memref<1x128x32xf32, #tpu.memory_space<vmem>>
      %dma_wait3A_229 = tpu.memref_squeeze %dma_wait3A_228 : memref<1x128x32xf32, #tpu.memory_space<vmem>> -> memref<128x32xf32, #tpu.memory_space<vmem>>
      %dma_wait3A_230 = arith.constant 0 : i32
      %dma_wait3A_231 = tpu.memref_slice %arg9[%add3A_51, %dma_wait3A_230] : memref<10240x32xf32, #tpu.memory_space<vmem_shared>> -> memref<128x32xf32, #tpu.memory_space<vmem_shared>>
      %dma_wait3A_232 = arith.constant 0 : i32
      %dma_wait3A_233 = tpu.memref_slice %arg9[%add3A_51, %dma_wait3A_232] : memref<10240x32xf32, #tpu.memory_space<vmem_shared>> -> memref<128x32xf32, #tpu.memory_space<vmem_shared>>
      %dma_wait3A_234 = arith.constant 0 : i32
      %dma_wait3A_235 = arith.constant 0 : i32
      %dma_wait3A_236 = tpu.memref_slice %arg8[%run_scoped3A_52, %dma_wait3A_234, %dma_wait3A_235] : memref<8x128x32xf32, #tpu.memory_space<vmem>> -> memref<1x128x32xf32, #tpu.memory_space<vmem>>
      %dma_wait3A_237 = tpu.memref_squeeze %dma_wait3A_236 : memref<1x128x32xf32, #tpu.memory_space<vmem>> -> memref<128x32xf32, #tpu.memory_space<vmem>>
      tpu.wait_dma2 semaphore(%run_scoped3A_213 : memref<!tpu.dma_semaphore, #tpu.memory_space<semaphore_mem>>) src(%dma_wait3A_237 : memref<128x32xf32, #tpu.memory_space<vmem>>) dst(%dma_wait3A_233 : memref<128x32xf32, #tpu.memory_space<vmem_shared>>)
      tpu.yield
    }) : () -> ()
    %mul3A_53 = arith.constant 640 : i32
    %mul3A_54 = arith.muli %arg1, %mul3A_53 : i32
    %add3A_55 = arith.constant 512 : i32
    %add3A_56 = arith.addi %mul3A_54, %add3A_55 : i32
    %run_scoped3A_57 = arith.constant 0 : i32
    "tpu.region"() ({
      %run_scoped3A_213 = tpu.sem_alloc : memref<!tpu.dma_semaphore, #tpu.memory_space<semaphore_mem>>
      %dma_start3A_214 = arith.constant 0 : i32
      %dma_start3A_215 = arith.constant 0 : i32
      %dma_start3A_216 = tpu.memref_slice %arg8[%run_scoped3A_57, %dma_start3A_214, %dma_start3A_215] : memref<8x128x32xf32, #tpu.memory_space<vmem>> -> memref<1x128x32xf32, #tpu.memory_space<vmem>>
      %dma_start3A_217 = tpu.memref_squeeze %dma_start3A_216 : memref<1x128x32xf32, #tpu.memory_space<vmem>> -> memref<128x32xf32, #tpu.memory_space<vmem>>
      %dma_start3A_218 = arith.constant 0 : i32
      %dma_start3A_219 = tpu.memref_slice %arg9[%add3A_56, %dma_start3A_218] : memref<10240x32xf32, #tpu.memory_space<vmem_shared>> -> memref<128x32xf32, #tpu.memory_space<vmem_shared>>
      %dma_start3A_220 = arith.constant 0 : i32
      %dma_start3A_221 = tpu.memref_slice %arg9[%add3A_56, %dma_start3A_220] : memref<10240x32xf32, #tpu.memory_space<vmem_shared>> -> memref<128x32xf32, #tpu.memory_space<vmem_shared>>
      %dma_start3A_222 = arith.constant 0 : i32
      %dma_start3A_223 = arith.constant 0 : i32
      %dma_start3A_224 = tpu.memref_slice %arg8[%run_scoped3A_57, %dma_start3A_222, %dma_start3A_223] : memref<8x128x32xf32, #tpu.memory_space<vmem>> -> memref<1x128x32xf32, #tpu.memory_space<vmem>>
      %dma_start3A_225 = tpu.memref_squeeze %dma_start3A_224 : memref<1x128x32xf32, #tpu.memory_space<vmem>> -> memref<128x32xf32, #tpu.memory_space<vmem>>
      tpu.enqueue_dma source(%dma_start3A_225 : memref<128x32xf32, #tpu.memory_space<vmem>>) target(%dma_start3A_221 : memref<128x32xf32, #tpu.memory_space<vmem_shared>>) target_semaphore(%run_scoped3A_213 : memref<!tpu.dma_semaphore, #tpu.memory_space<semaphore_mem>>)
      %dma_wait3A_226 = arith.constant 0 : i32
      %dma_wait3A_227 = arith.constant 0 : i32
      %dma_wait3A_228 = tpu.memref_slice %arg8[%run_scoped3A_57, %dma_wait3A_226, %dma_wait3A_227] : memref<8x128x32xf32, #tpu.memory_space<vmem>> -> memref<1x128x32xf32, #tpu.memory_space<vmem>>
      %dma_wait3A_229 = tpu.memref_squeeze %dma_wait3A_228 : memref<1x128x32xf32, #tpu.memory_space<vmem>> -> memref<128x32xf32, #tpu.memory_space<vmem>>
      %dma_wait3A_230 = arith.constant 0 : i32
      %dma_wait3A_231 = tpu.memref_slice %arg9[%add3A_56, %dma_wait3A_230] : memref<10240x32xf32, #tpu.memory_space<vmem_shared>> -> memref<128x32xf32, #tpu.memory_space<vmem_shared>>
      %dma_wait3A_232 = arith.constant 0 : i32
      %dma_wait3A_233 = tpu.memref_slice %arg9[%add3A_56, %dma_wait3A_232] : memref<10240x32xf32, #tpu.memory_space<vmem_shared>> -> memref<128x32xf32, #tpu.memory_space<vmem_shared>>
      %dma_wait3A_234 = arith.constant 0 : i32
      %dma_wait3A_235 = arith.constant 0 : i32
      %dma_wait3A_236 = tpu.memref_slice %arg8[%run_scoped3A_57, %dma_wait3A_234, %dma_wait3A_235] : memref<8x128x32xf32, #tpu.memory_space<vmem>> -> memref<1x128x32xf32, #tpu.memory_space<vmem>>
      %dma_wait3A_237 = tpu.memref_squeeze %dma_wait3A_236 : memref<1x128x32xf32, #tpu.memory_space<vmem>> -> memref<128x32xf32, #tpu.memory_space<vmem>>
      tpu.wait_dma2 semaphore(%run_scoped3A_213 : memref<!tpu.dma_semaphore, #tpu.memory_space<semaphore_mem>>) src(%dma_wait3A_237 : memref<128x32xf32, #tpu.memory_space<vmem>>) dst(%dma_wait3A_233 : memref<128x32xf32, #tpu.memory_space<vmem_shared>>)
      tpu.yield
    }) : () -> ()
    %dma_start3A_58 = arith.constant 0 : i32
    %dma_start3A_59 = arith.constant 0 : i32
    %dma_start3A_60 = arith.constant 0 : i32
    %dma_start3A_61 = arith.constant 0 : i32
    %dma_start3A_62 = tpu.memref_slice %arg8[%dma_start3A_59, %dma_start3A_60, %dma_start3A_61] : memref<8x128x32xf32, #tpu.memory_space<vmem>> -> memref<1x128x32xf32, #tpu.memory_space<vmem>>
    %dma_start3A_63 = tpu.memref_squeeze %dma_start3A_62 : memref<1x128x32xf32, #tpu.memory_space<vmem>> -> memref<128x32xf32, #tpu.memory_space<vmem>>
    %dma_start3A_64 = arith.constant 0 : i32
    %dma_start3A_65 = tpu.memref_slice %arg6[%dma_start3A_58, %dma_start3A_64] : memref<160x128xi32, #tpu.memory_space<vmem>> -> memref<1x128xi32, #tpu.memory_space<vmem>>
    %dma_start3A_66 = tpu.memref_squeeze %dma_start3A_65 : memref<1x128xi32, #tpu.memory_space<vmem>> -> memref<128xi32, #tpu.memory_space<vmem>>
    %dma_start3A_67 = arith.constant 0 : i32
    %dma_start3A_68 = arith.constant 0 : i32
    %dma_start3A_69 = tpu.memref_slice %arg2[%dma_start3A_67, %dma_start3A_68] : memref<20480x32xf32, #tpu.memory_space<hbm>> -> memref<20480x32xf32, #tpu.memory_space<hbm>>
    tpu.enqueue_indirect_dma source(%dma_start3A_69 : memref<20480x32xf32, #tpu.memory_space<hbm>>) target(%dma_start3A_63 : memref<128x32xf32, #tpu.memory_space<vmem>>) offsets(%dma_start3A_66 : memref<128xi32, #tpu.memory_space<vmem>>) semaphore(%arg10 : memref<!tpu.dma_semaphore, #tpu.memory_space<semaphore_mem>>)
    %dma_start3A_70 = arith.constant 1 : i32
    %dma_start3A_71 = arith.constant 1 : i32
    %dma_start3A_72 = arith.constant 0 : i32
    %dma_start3A_73 = arith.constant 0 : i32
    %dma_start3A_74 = tpu.memref_slice %arg8[%dma_start3A_71, %dma_start3A_72, %dma_start3A_73] : memref<8x128x32xf32, #tpu.memory_space<vmem>> -> memref<1x128x32xf32, #tpu.memory_space<vmem>>
    %dma_start3A_75 = tpu.memref_squeeze %dma_start3A_74 : memref<1x128x32xf32, #tpu.memory_space<vmem>> -> memref<128x32xf32, #tpu.memory_space<vmem>>
    %dma_start3A_76 = arith.constant 0 : i32
    %dma_start3A_77 = tpu.memref_slice %arg6[%dma_start3A_70, %dma_start3A_76] : memref<160x128xi32, #tpu.memory_space<vmem>> -> memref<1x128xi32, #tpu.memory_space<vmem>>
    %dma_start3A_78 = tpu.memref_squeeze %dma_start3A_77 : memref<1x128xi32, #tpu.memory_space<vmem>> -> memref<128xi32, #tpu.memory_space<vmem>>
    %dma_start3A_79 = arith.constant 0 : i32
    %dma_start3A_80 = arith.constant 0 : i32
    %dma_start3A_81 = tpu.memref_slice %arg2[%dma_start3A_79, %dma_start3A_80] : memref<20480x32xf32, #tpu.memory_space<hbm>> -> memref<20480x32xf32, #tpu.memory_space<hbm>>
    tpu.enqueue_indirect_dma source(%dma_start3A_81 : memref<20480x32xf32, #tpu.memory_space<hbm>>) target(%dma_start3A_75 : memref<128x32xf32, #tpu.memory_space<vmem>>) offsets(%dma_start3A_78 : memref<128xi32, #tpu.memory_space<vmem>>) semaphore(%arg10 : memref<!tpu.dma_semaphore, #tpu.memory_space<semaphore_mem>>)
    %dma_start3A_82 = arith.constant 2 : i32
    %dma_start3A_83 = arith.constant 2 : i32
    %dma_start3A_84 = arith.constant 0 : i32
    %dma_start3A_85 = arith.constant 0 : i32
    %dma_start3A_86 = tpu.memref_slice %arg8[%dma_start3A_83, %dma_start3A_84, %dma_start3A_85] : memref<8x128x32xf32, #tpu.memory_space<vmem>> -> memref<1x128x32xf32, #tpu.memory_space<vmem>>
    %dma_start3A_87 = tpu.memref_squeeze %dma_start3A_86 : memref<1x128x32xf32, #tpu.memory_space<vmem>> -> memref<128x32xf32, #tpu.memory_space<vmem>>
    %dma_start3A_88 = arith.constant 0 : i32
    %dma_start3A_89 = tpu.memref_slice %arg6[%dma_start3A_82, %dma_start3A_88] : memref<160x128xi32, #tpu.memory_space<vmem>> -> memref<1x128xi32, #tpu.memory_space<vmem>>
    %dma_start3A_90 = tpu.memref_squeeze %dma_start3A_89 : memref<1x128xi32, #tpu.memory_space<vmem>> -> memref<128xi32, #tpu.memory_space<vmem>>
    %dma_start3A_91 = arith.constant 0 : i32
    %dma_start3A_92 = arith.constant 0 : i32
    %dma_start3A_93 = tpu.memref_slice %arg2[%dma_start3A_91, %dma_start3A_92] : memref<20480x32xf32, #tpu.memory_space<hbm>> -> memref<20480x32xf32, #tpu.memory_space<hbm>>
    tpu.enqueue_indirect_dma source(%dma_start3A_93 : memref<20480x32xf32, #tpu.memory_space<hbm>>) target(%dma_start3A_87 : memref<128x32xf32, #tpu.memory_space<vmem>>) offsets(%dma_start3A_90 : memref<128xi32, #tpu.memory_space<vmem>>) semaphore(%arg10 : memref<!tpu.dma_semaphore, #tpu.memory_space<semaphore_mem>>)
    %dma_start3A_94 = arith.constant 3 : i32
    %dma_start3A_95 = arith.constant 3 : i32
    %dma_start3A_96 = arith.constant 0 : i32
    %dma_start3A_97 = arith.constant 0 : i32
    %dma_start3A_98 = tpu.memref_slice %arg8[%dma_start3A_95, %dma_start3A_96, %dma_start3A_97] : memref<8x128x32xf32, #tpu.memory_space<vmem>> -> memref<1x128x32xf32, #tpu.memory_space<vmem>>
    %dma_start3A_99 = tpu.memref_squeeze %dma_start3A_98 : memref<1x128x32xf32, #tpu.memory_space<vmem>> -> memref<128x32xf32, #tpu.memory_space<vmem>>
    %dma_start3A_100 = arith.constant 0 : i32
    %dma_start3A_101 = tpu.memref_slice %arg6[%dma_start3A_94, %dma_start3A_100] : memref<160x128xi32, #tpu.memory_space<vmem>> -> memref<1x128xi32, #tpu.memory_space<vmem>>
    %dma_start3A_102 = tpu.memref_squeeze %dma_start3A_101 : memref<1x128xi32, #tpu.memory_space<vmem>> -> memref<128xi32, #tpu.memory_space<vmem>>
    %dma_start3A_103 = arith.constant 0 : i32
    %dma_start3A_104 = arith.constant 0 : i32
    %dma_start3A_105 = tpu.memref_slice %arg2[%dma_start3A_103, %dma_start3A_104] : memref<20480x32xf32, #tpu.memory_space<hbm>> -> memref<20480x32xf32, #tpu.memory_space<hbm>>
    tpu.enqueue_indirect_dma source(%dma_start3A_105 : memref<20480x32xf32, #tpu.memory_space<hbm>>) target(%dma_start3A_99 : memref<128x32xf32, #tpu.memory_space<vmem>>) offsets(%dma_start3A_102 : memref<128xi32, #tpu.memory_space<vmem>>) semaphore(%arg10 : memref<!tpu.dma_semaphore, #tpu.memory_space<semaphore_mem>>)
    %barrier3A = arith.constant 0 : index
    tpu.barrier barrier_id(%barrier3A)
    %scan3A_106 = arith.constant 0 : i32
    %scan3A_107 = arith.constant 0 : i32
    %scan3A_108 = arith.constant 20 : i32
    %scan3A_109 = arith.addi %scan3A_107, %scan3A_108 : i32
    %scan3A_110 = arith.constant 1 : i32
    scf.for %scan3A_213 = %scan3A_107 to %scan3A_109 step %scan3A_110  : i32 {
      %mul3A_214 = arith.constant 2 : i32
      %mul3A_215 = arith.muli %mul3A_214, %scan3A_213 : i32
      %add3A_216 = arith.constant 0 : i32
      %add3A_217 = arith.addi %mul3A_215, %add3A_216 : i32
      %add3A_218 = arith.constant 1 : i32
      %add3A_219 = arith.addi %add3A_217, %add3A_218 : i32
      %lt3A = arith.constant 40 : i32
      %lt3A_220 = arith.cmpi slt, %add3A_219, %lt3A : i32
      %ge3A = arith.constant 1 : i32
      %ge3A_221 = arith.cmpi sge, %add3A_217, %ge3A : i32
      %and3A = arith.andi %lt3A_220, %ge3A_221 : i1
      %convert_element_type3A = arith.extui %and3A : i1 to i32
      %cond3A = arith.constant 0 : i32
      %cond3A_222 = arith.cmpi ne, %convert_element_type3A, %cond3A : i32
      scf.if %cond3A_222 {
        %sub3A = arith.constant 1 : i32
        %sub3A_487 = arith.subi %add3A_217, %sub3A : i32
        %mul3A_488 = arith.constant 4 : i32
        %mul3A_489 = arith.muli %sub3A_487, %mul3A_488 : i32
        %add3A_490 = arith.constant 0 : i32
        %add3A_491 = arith.addi %mul3A_489, %add3A_490 : i32
        %dma_wait3A_492 = arith.constant 4 : i32
        %dma_wait3A_493 = arith.constant 0 : i32
        %dma_wait3A_494 = arith.constant 0 : i32
        %dma_wait3A_495 = tpu.memref_slice %arg8[%dma_wait3A_492, %dma_wait3A_493, %dma_wait3A_494] : memref<8x128x32xf32, #tpu.memory_space<vmem>> -> memref<1x128x32xf32, #tpu.memory_space<vmem>>
        %dma_wait3A_496 = tpu.memref_squeeze %dma_wait3A_495 : memref<1x128x32xf32, #tpu.memory_space<vmem>> -> memref<128x32xf32, #tpu.memory_space<vmem>>
        %dma_wait3A_497 = arith.constant 0 : i32
        %dma_wait3A_498 = tpu.memref_slice %arg7[%add3A_491, %dma_wait3A_497] : memref<160x128xi32, #tpu.memory_space<vmem>> -> memref<1x128xi32, #tpu.memory_space<vmem>>
        %dma_wait3A_499 = tpu.memref_squeeze %dma_wait3A_498 : memref<1x128xi32, #tpu.memory_space<vmem>> -> memref<128xi32, #tpu.memory_space<vmem>>
        %dma_wait3A_500 = arith.constant 0 : i32
        %dma_wait3A_501 = arith.constant 0 : i32
        %dma_wait3A_502 = tpu.memref_slice %arg9[%dma_wait3A_500, %dma_wait3A_501] : memref<10240x32xf32, #tpu.memory_space<vmem_shared>> -> memref<10240x32xf32, #tpu.memory_space<vmem_shared>>
        tpu.wait_indirect_dma semaphore(%arg12 : memref<!tpu.dma_semaphore, #tpu.memory_space<semaphore_mem>>) src(%dma_wait3A_496 : memref<128x32xf32, #tpu.memory_space<vmem>>) dst(%dma_wait3A_502 : memref<10240x32xf32, #tpu.memory_space<vmem_shared>>)
        %sub3A_503 = arith.constant 1 : i32
        %sub3A_504 = arith.subi %add3A_217, %sub3A_503 : i32
        %mul3A_505 = arith.constant 4 : i32
        %mul3A_506 = arith.muli %sub3A_504, %mul3A_505 : i32
        %add3A_507 = arith.constant 1 : i32
        %add3A_508 = arith.addi %mul3A_506, %add3A_507 : i32
        %dma_wait3A_509 = arith.constant 5 : i32
        %dma_wait3A_510 = arith.constant 0 : i32
        %dma_wait3A_511 = arith.constant 0 : i32
        %dma_wait3A_512 = tpu.memref_slice %arg8[%dma_wait3A_509, %dma_wait3A_510, %dma_wait3A_511] : memref<8x128x32xf32, #tpu.memory_space<vmem>> -> memref<1x128x32xf32, #tpu.memory_space<vmem>>
        %dma_wait3A_513 = tpu.memref_squeeze %dma_wait3A_512 : memref<1x128x32xf32, #tpu.memory_space<vmem>> -> memref<128x32xf32, #tpu.memory_space<vmem>>
        %dma_wait3A_514 = arith.constant 0 : i32
        %dma_wait3A_515 = tpu.memref_slice %arg7[%add3A_508, %dma_wait3A_514] : memref<160x128xi32, #tpu.memory_space<vmem>> -> memref<1x128xi32, #tpu.memory_space<vmem>>
        %dma_wait3A_516 = tpu.memref_squeeze %dma_wait3A_515 : memref<1x128xi32, #tpu.memory_space<vmem>> -> memref<128xi32, #tpu.memory_space<vmem>>
        %dma_wait3A_517 = arith.constant 0 : i32
        %dma_wait3A_518 = arith.constant 0 : i32
        %dma_wait3A_519 = tpu.memref_slice %arg9[%dma_wait3A_517, %dma_wait3A_518] : memref<10240x32xf32, #tpu.memory_space<vmem_shared>> -> memref<10240x32xf32, #tpu.memory_space<vmem_shared>>
        tpu.wait_indirect_dma semaphore(%arg12 : memref<!tpu.dma_semaphore, #tpu.memory_space<semaphore_mem>>) src(%dma_wait3A_513 : memref<128x32xf32, #tpu.memory_space<vmem>>) dst(%dma_wait3A_519 : memref<10240x32xf32, #tpu.memory_space<vmem_shared>>)
        %sub3A_520 = arith.constant 1 : i32
        %sub3A_521 = arith.subi %add3A_217, %sub3A_520 : i32
        %mul3A_522 = arith.constant 4 : i32
        %mul3A_523 = arith.muli %sub3A_521, %mul3A_522 : i32
        %add3A_524 = arith.constant 2 : i32
        %add3A_525 = arith.addi %mul3A_523, %add3A_524 : i32
        %dma_wait3A_526 = arith.constant 6 : i32
        %dma_wait3A_527 = arith.constant 0 : i32
        %dma_wait3A_528 = arith.constant 0 : i32
        %dma_wait3A_529 = tpu.memref_slice %arg8[%dma_wait3A_526, %dma_wait3A_527, %dma_wait3A_528] : memref<8x128x32xf32, #tpu.memory_space<vmem>> -> memref<1x128x32xf32, #tpu.memory_space<vmem>>
        %dma_wait3A_530 = tpu.memref_squeeze %dma_wait3A_529 : memref<1x128x32xf32, #tpu.memory_space<vmem>> -> memref<128x32xf32, #tpu.memory_space<vmem>>
        %dma_wait3A_531 = arith.constant 0 : i32
        %dma_wait3A_532 = tpu.memref_slice %arg7[%add3A_525, %dma_wait3A_531] : memref<160x128xi32, #tpu.memory_space<vmem>> -> memref<1x128xi32, #tpu.memory_space<vmem>>
        %dma_wait3A_533 = tpu.memref_squeeze %dma_wait3A_532 : memref<1x128xi32, #tpu.memory_space<vmem>> -> memref<128xi32, #tpu.memory_space<vmem>>
        %dma_wait3A_534 = arith.constant 0 : i32
        %dma_wait3A_535 = arith.constant 0 : i32
        %dma_wait3A_536 = tpu.memref_slice %arg9[%dma_wait3A_534, %dma_wait3A_535] : memref<10240x32xf32, #tpu.memory_space<vmem_shared>> -> memref<10240x32xf32, #tpu.memory_space<vmem_shared>>
        tpu.wait_indirect_dma semaphore(%arg12 : memref<!tpu.dma_semaphore, #tpu.memory_space<semaphore_mem>>) src(%dma_wait3A_530 : memref<128x32xf32, #tpu.memory_space<vmem>>) dst(%dma_wait3A_536 : memref<10240x32xf32, #tpu.memory_space<vmem_shared>>)
        %sub3A_537 = arith.constant 1 : i32
        %sub3A_538 = arith.subi %add3A_217, %sub3A_537 : i32
        %mul3A_539 = arith.constant 4 : i32
        %mul3A_540 = arith.muli %sub3A_538, %mul3A_539 : i32
        %add3A_541 = arith.constant 3 : i32
        %add3A_542 = arith.addi %mul3A_540, %add3A_541 : i32
        %dma_wait3A_543 = arith.constant 7 : i32
        %dma_wait3A_544 = arith.constant 0 : i32
        %dma_wait3A_545 = arith.constant 0 : i32
        %dma_wait3A_546 = tpu.memref_slice %arg8[%dma_wait3A_543, %dma_wait3A_544, %dma_wait3A_545] : memref<8x128x32xf32, #tpu.memory_space<vmem>> -> memref<1x128x32xf32, #tpu.memory_space<vmem>>
        %dma_wait3A_547 = tpu.memref_squeeze %dma_wait3A_546 : memref<1x128x32xf32, #tpu.memory_space<vmem>> -> memref<128x32xf32, #tpu.memory_space<vmem>>
        %dma_wait3A_548 = arith.constant 0 : i32
        %dma_wait3A_549 = tpu.memref_slice %arg7[%add3A_542, %dma_wait3A_548] : memref<160x128xi32, #tpu.memory_space<vmem>> -> memref<1x128xi32, #tpu.memory_space<vmem>>
        %dma_wait3A_550 = tpu.memref_squeeze %dma_wait3A_549 : memref<1x128xi32, #tpu.memory_space<vmem>> -> memref<128xi32, #tpu.memory_space<vmem>>
        %dma_wait3A_551 = arith.constant 0 : i32
        %dma_wait3A_552 = arith.constant 0 : i32
        %dma_wait3A_553 = tpu.memref_slice %arg9[%dma_wait3A_551, %dma_wait3A_552] : memref<10240x32xf32, #tpu.memory_space<vmem_shared>> -> memref<10240x32xf32, #tpu.memory_space<vmem_shared>>
        tpu.wait_indirect_dma semaphore(%arg12 : memref<!tpu.dma_semaphore, #tpu.memory_space<semaphore_mem>>) src(%dma_wait3A_547 : memref<128x32xf32, #tpu.memory_space<vmem>>) dst(%dma_wait3A_553 : memref<10240x32xf32, #tpu.memory_space<vmem_shared>>)
      } else {
      }
      %lt3A_223 = arith.constant 40 : i32
      %lt3A_224 = arith.cmpi slt, %add3A_219, %lt3A_223 : i32
      %convert_element_type3A_225 = arith.extui %lt3A_224 : i1 to i32
      %cond3A_226 = arith.constant 0 : i32
      %cond3A_227 = arith.cmpi ne, %convert_element_type3A_225, %cond3A_226 : i32
      scf.if %cond3A_227 {
        %mul3A_487 = arith.constant 4 : i32
        %mul3A_488 = arith.muli %add3A_219, %mul3A_487 : i32
        %add3A_489 = arith.constant 0 : i32
        %add3A_490 = arith.addi %mul3A_488, %add3A_489 : i32
        %dma_start3A_491 = arith.constant 4 : i32
        %dma_start3A_492 = arith.constant 0 : i32
        %dma_start3A_493 = arith.constant 0 : i32
        %dma_start3A_494 = tpu.memref_slice %arg8[%dma_start3A_491, %dma_start3A_492, %dma_start3A_493] : memref<8x128x32xf32, #tpu.memory_space<vmem>> -> memref<1x128x32xf32, #tpu.memory_space<vmem>>
        %dma_start3A_495 = tpu.memref_squeeze %dma_start3A_494 : memref<1x128x32xf32, #tpu.memory_space<vmem>> -> memref<128x32xf32, #tpu.memory_space<vmem>>
        %dma_start3A_496 = arith.constant 0 : i32
        %dma_start3A_497 = tpu.memref_slice %arg6[%add3A_490, %dma_start3A_496] : memref<160x128xi32, #tpu.memory_space<vmem>> -> memref<1x128xi32, #tpu.memory_space<vmem>>
        %dma_start3A_498 = tpu.memref_squeeze %dma_start3A_497 : memref<1x128xi32, #tpu.memory_space<vmem>> -> memref<128xi32, #tpu.memory_space<vmem>>
        %dma_start3A_499 = arith.constant 0 : i32
        %dma_start3A_500 = arith.constant 0 : i32
        %dma_start3A_501 = tpu.memref_slice %arg2[%dma_start3A_499, %dma_start3A_500] : memref<20480x32xf32, #tpu.memory_space<hbm>> -> memref<20480x32xf32, #tpu.memory_space<hbm>>
        tpu.enqueue_indirect_dma source(%dma_start3A_501 : memref<20480x32xf32, #tpu.memory_space<hbm>>) target(%dma_start3A_495 : memref<128x32xf32, #tpu.memory_space<vmem>>) offsets(%dma_start3A_498 : memref<128xi32, #tpu.memory_space<vmem>>) semaphore(%arg11 : memref<!tpu.dma_semaphore, #tpu.memory_space<semaphore_mem>>)
        %mul3A_502 = arith.constant 4 : i32
        %mul3A_503 = arith.muli %add3A_219, %mul3A_502 : i32
        %add3A_504 = arith.constant 1 : i32
        %add3A_505 = arith.addi %mul3A_503, %add3A_504 : i32
        %dma_start3A_506 = arith.constant 5 : i32
        %dma_start3A_507 = arith.constant 0 : i32
        %dma_start3A_508 = arith.constant 0 : i32
        %dma_start3A_509 = tpu.memref_slice %arg8[%dma_start3A_506, %dma_start3A_507, %dma_start3A_508] : memref<8x128x32xf32, #tpu.memory_space<vmem>> -> memref<1x128x32xf32, #tpu.memory_space<vmem>>
        %dma_start3A_510 = tpu.memref_squeeze %dma_start3A_509 : memref<1x128x32xf32, #tpu.memory_space<vmem>> -> memref<128x32xf32, #tpu.memory_space<vmem>>
        %dma_start3A_511 = arith.constant 0 : i32
        %dma_start3A_512 = tpu.memref_slice %arg6[%add3A_505, %dma_start3A_511] : memref<160x128xi32, #tpu.memory_space<vmem>> -> memref<1x128xi32, #tpu.memory_space<vmem>>
        %dma_start3A_513 = tpu.memref_squeeze %dma_start3A_512 : memref<1x128xi32, #tpu.memory_space<vmem>> -> memref<128xi32, #tpu.memory_space<vmem>>
        %dma_start3A_514 = arith.constant 0 : i32
        %dma_start3A_515 = arith.constant 0 : i32
        %dma_start3A_516 = tpu.memref_slice %arg2[%dma_start3A_514, %dma_start3A_515] : memref<20480x32xf32, #tpu.memory_space<hbm>> -> memref<20480x32xf32, #tpu.memory_space<hbm>>
        tpu.enqueue_indirect_dma source(%dma_start3A_516 : memref<20480x32xf32, #tpu.memory_space<hbm>>) target(%dma_start3A_510 : memref<128x32xf32, #tpu.memory_space<vmem>>) offsets(%dma_start3A_513 : memref<128xi32, #tpu.memory_space<vmem>>) semaphore(%arg11 : memref<!tpu.dma_semaphore, #tpu.memory_space<semaphore_mem>>)
        %mul3A_517 = arith.constant 4 : i32
        %mul3A_518 = arith.muli %add3A_219, %mul3A_517 : i32
        %add3A_519 = arith.constant 2 : i32
        %add3A_520 = arith.addi %mul3A_518, %add3A_519 : i32
        %dma_start3A_521 = arith.constant 6 : i32
        %dma_start3A_522 = arith.constant 0 : i32
        %dma_start3A_523 = arith.constant 0 : i32
        %dma_start3A_524 = tpu.memref_slice %arg8[%dma_start3A_521, %dma_start3A_522, %dma_start3A_523] : memref<8x128x32xf32, #tpu.memory_space<vmem>> -> memref<1x128x32xf32, #tpu.memory_space<vmem>>
        %dma_start3A_525 = tpu.memref_squeeze %dma_start3A_524 : memref<1x128x32xf32, #tpu.memory_space<vmem>> -> memref<128x32xf32, #tpu.memory_space<vmem>>
        %dma_start3A_526 = arith.constant 0 : i32
        %dma_start3A_527 = tpu.memref_slice %arg6[%add3A_520, %dma_start3A_526] : memref<160x128xi32, #tpu.memory_space<vmem>> -> memref<1x128xi32, #tpu.memory_space<vmem>>
        %dma_start3A_528 = tpu.memref_squeeze %dma_start3A_527 : memref<1x128xi32, #tpu.memory_space<vmem>> -> memref<128xi32, #tpu.memory_space<vmem>>
        %dma_start3A_529 = arith.constant 0 : i32
        %dma_start3A_530 = arith.constant 0 : i32
        %dma_start3A_531 = tpu.memref_slice %arg2[%dma_start3A_529, %dma_start3A_530] : memref<20480x32xf32, #tpu.memory_space<hbm>> -> memref<20480x32xf32, #tpu.memory_space<hbm>>
        tpu.enqueue_indirect_dma source(%dma_start3A_531 : memref<20480x32xf32, #tpu.memory_space<hbm>>) target(%dma_start3A_525 : memref<128x32xf32, #tpu.memory_space<vmem>>) offsets(%dma_start3A_528 : memref<128xi32, #tpu.memory_space<vmem>>) semaphore(%arg11 : memref<!tpu.dma_semaphore, #tpu.memory_space<semaphore_mem>>)
        %mul3A_532 = arith.constant 4 : i32
        %mul3A_533 = arith.muli %add3A_219, %mul3A_532 : i32
        %add3A_534 = arith.constant 3 : i32
        %add3A_535 = arith.addi %mul3A_533, %add3A_534 : i32
        %dma_start3A_536 = arith.constant 7 : i32
        %dma_start3A_537 = arith.constant 0 : i32
        %dma_start3A_538 = arith.constant 0 : i32
        %dma_start3A_539 = tpu.memref_slice %arg8[%dma_start3A_536, %dma_start3A_537, %dma_start3A_538] : memref<8x128x32xf32, #tpu.memory_space<vmem>> -> memref<1x128x32xf32, #tpu.memory_space<vmem>>
        %dma_start3A_540 = tpu.memref_squeeze %dma_start3A_539 : memref<1x128x32xf32, #tpu.memory_space<vmem>> -> memref<128x32xf32, #tpu.memory_space<vmem>>
        %dma_start3A_541 = arith.constant 0 : i32
        %dma_start3A_542 = tpu.memref_slice %arg6[%add3A_535, %dma_start3A_541] : memref<160x128xi32, #tpu.memory_space<vmem>> -> memref<1x128xi32, #tpu.memory_space<vmem>>
        %dma_start3A_543 = tpu.memref_squeeze %dma_start3A_542 : memref<1x128xi32, #tpu.memory_space<vmem>> -> memref<128xi32, #tpu.memory_space<vmem>>
        %dma_start3A_544 = arith.constant 0 : i32
        %dma_start3A_545 = arith.constant 0 : i32
        %dma_start3A_546 = tpu.memref_slice %arg2[%dma_start3A_544, %dma_start3A_545] : memref<20480x32xf32, #tpu.memory_space<hbm>> -> memref<20480x32xf32, #tpu.memory_space<hbm>>
        tpu.enqueue_indirect_dma source(%dma_start3A_546 : memref<20480x32xf32, #tpu.memory_space<hbm>>) target(%dma_start3A_540 : memref<128x32xf32, #tpu.memory_space<vmem>>) offsets(%dma_start3A_543 : memref<128xi32, #tpu.memory_space<vmem>>) semaphore(%arg11 : memref<!tpu.dma_semaphore, #tpu.memory_space<semaphore_mem>>)
      } else {
      }
      %mul3A_228 = arith.constant 4 : i32
      %mul3A_229 = arith.muli %add3A_217, %mul3A_228 : i32
      %add3A_230 = arith.constant 0 : i32
      %add3A_231 = arith.addi %mul3A_229, %add3A_230 : i32
      %dma_wait3A_232 = arith.constant 0 : i32
      %dma_wait3A_233 = arith.constant 0 : i32
      %dma_wait3A_234 = arith.constant 0 : i32
      %dma_wait3A_235 = tpu.memref_slice %arg8[%dma_wait3A_232, %dma_wait3A_233, %dma_wait3A_234] : memref<8x128x32xf32, #tpu.memory_space<vmem>> -> memref<1x128x32xf32, #tpu.memory_space<vmem>>
      %dma_wait3A_236 = tpu.memref_squeeze %dma_wait3A_235 : memref<1x128x32xf32, #tpu.memory_space<vmem>> -> memref<128x32xf32, #tpu.memory_space<vmem>>
      %dma_wait3A_237 = arith.constant 0 : i32
      %dma_wait3A_238 = tpu.memref_slice %arg6[%add3A_231, %dma_wait3A_237] : memref<160x128xi32, #tpu.memory_space<vmem>> -> memref<1x128xi32, #tpu.memory_space<vmem>>
      %dma_wait3A_239 = tpu.memref_squeeze %dma_wait3A_238 : memref<1x128xi32, #tpu.memory_space<vmem>> -> memref<128xi32, #tpu.memory_space<vmem>>
      %dma_wait3A_240 = arith.constant 0 : i32
      %dma_wait3A_241 = arith.constant 0 : i32
      %dma_wait3A_242 = tpu.memref_slice %arg2[%dma_wait3A_240, %dma_wait3A_241] : memref<20480x32xf32, #tpu.memory_space<hbm>> -> memref<20480x32xf32, #tpu.memory_space<hbm>>
      tpu.wait_indirect_dma semaphore(%arg10 : memref<!tpu.dma_semaphore, #tpu.memory_space<semaphore_mem>>) src(%dma_wait3A_242 : memref<20480x32xf32, #tpu.memory_space<hbm>>) dst(%dma_wait3A_236 : memref<128x32xf32, #tpu.memory_space<vmem>>)
      %mul3A_243 = arith.constant 4 : i32
      %mul3A_244 = arith.muli %add3A_217, %mul3A_243 : i32
      %add3A_245 = arith.constant 1 : i32
      %add3A_246 = arith.addi %mul3A_244, %add3A_245 : i32
      %dma_wait3A_247 = arith.constant 1 : i32
      %dma_wait3A_248 = arith.constant 0 : i32
      %dma_wait3A_249 = arith.constant 0 : i32
      %dma_wait3A_250 = tpu.memref_slice %arg8[%dma_wait3A_247, %dma_wait3A_248, %dma_wait3A_249] : memref<8x128x32xf32, #tpu.memory_space<vmem>> -> memref<1x128x32xf32, #tpu.memory_space<vmem>>
      %dma_wait3A_251 = tpu.memref_squeeze %dma_wait3A_250 : memref<1x128x32xf32, #tpu.memory_space<vmem>> -> memref<128x32xf32, #tpu.memory_space<vmem>>
      %dma_wait3A_252 = arith.constant 0 : i32
      %dma_wait3A_253 = tpu.memref_slice %arg6[%add3A_246, %dma_wait3A_252] : memref<160x128xi32, #tpu.memory_space<vmem>> -> memref<1x128xi32, #tpu.memory_space<vmem>>
      %dma_wait3A_254 = tpu.memref_squeeze %dma_wait3A_253 : memref<1x128xi32, #tpu.memory_space<vmem>> -> memref<128xi32, #tpu.memory_space<vmem>>
      %dma_wait3A_255 = arith.constant 0 : i32
      %dma_wait3A_256 = arith.constant 0 : i32
      %dma_wait3A_257 = tpu.memref_slice %arg2[%dma_wait3A_255, %dma_wait3A_256] : memref<20480x32xf32, #tpu.memory_space<hbm>> -> memref<20480x32xf32, #tpu.memory_space<hbm>>
      tpu.wait_indirect_dma semaphore(%arg10 : memref<!tpu.dma_semaphore, #tpu.memory_space<semaphore_mem>>) src(%dma_wait3A_257 : memref<20480x32xf32, #tpu.memory_space<hbm>>) dst(%dma_wait3A_251 : memref<128x32xf32, #tpu.memory_space<vmem>>)
      %mul3A_258 = arith.constant 4 : i32
      %mul3A_259 = arith.muli %add3A_217, %mul3A_258 : i32
      %add3A_260 = arith.constant 2 : i32
      %add3A_261 = arith.addi %mul3A_259, %add3A_260 : i32
      %dma_wait3A_262 = arith.constant 2 : i32
      %dma_wait3A_263 = arith.constant 0 : i32
      %dma_wait3A_264 = arith.constant 0 : i32
      %dma_wait3A_265 = tpu.memref_slice %arg8[%dma_wait3A_262, %dma_wait3A_263, %dma_wait3A_264] : memref<8x128x32xf32, #tpu.memory_space<vmem>> -> memref<1x128x32xf32, #tpu.memory_space<vmem>>
      %dma_wait3A_266 = tpu.memref_squeeze %dma_wait3A_265 : memref<1x128x32xf32, #tpu.memory_space<vmem>> -> memref<128x32xf32, #tpu.memory_space<vmem>>
      %dma_wait3A_267 = arith.constant 0 : i32
      %dma_wait3A_268 = tpu.memref_slice %arg6[%add3A_261, %dma_wait3A_267] : memref<160x128xi32, #tpu.memory_space<vmem>> -> memref<1x128xi32, #tpu.memory_space<vmem>>
      %dma_wait3A_269 = tpu.memref_squeeze %dma_wait3A_268 : memref<1x128xi32, #tpu.memory_space<vmem>> -> memref<128xi32, #tpu.memory_space<vmem>>
      %dma_wait3A_270 = arith.constant 0 : i32
      %dma_wait3A_271 = arith.constant 0 : i32
      %dma_wait3A_272 = tpu.memref_slice %arg2[%dma_wait3A_270, %dma_wait3A_271] : memref<20480x32xf32, #tpu.memory_space<hbm>> -> memref<20480x32xf32, #tpu.memory_space<hbm>>
      tpu.wait_indirect_dma semaphore(%arg10 : memref<!tpu.dma_semaphore, #tpu.memory_space<semaphore_mem>>) src(%dma_wait3A_272 : memref<20480x32xf32, #tpu.memory_space<hbm>>) dst(%dma_wait3A_266 : memref<128x32xf32, #tpu.memory_space<vmem>>)
      %mul3A_273 = arith.constant 4 : i32
      %mul3A_274 = arith.muli %add3A_217, %mul3A_273 : i32
      %add3A_275 = arith.constant 3 : i32
      %add3A_276 = arith.addi %mul3A_274, %add3A_275 : i32
      %dma_wait3A_277 = arith.constant 3 : i32
      %dma_wait3A_278 = arith.constant 0 : i32
      %dma_wait3A_279 = arith.constant 0 : i32
      %dma_wait3A_280 = tpu.memref_slice %arg8[%dma_wait3A_277, %dma_wait3A_278, %dma_wait3A_279] : memref<8x128x32xf32, #tpu.memory_space<vmem>> -> memref<1x128x32xf32, #tpu.memory_space<vmem>>
      %dma_wait3A_281 = tpu.memref_squeeze %dma_wait3A_280 : memref<1x128x32xf32, #tpu.memory_space<vmem>> -> memref<128x32xf32, #tpu.memory_space<vmem>>
      %dma_wait3A_282 = arith.constant 0 : i32
      %dma_wait3A_283 = tpu.memref_slice %arg6[%add3A_276, %dma_wait3A_282] : memref<160x128xi32, #tpu.memory_space<vmem>> -> memref<1x128xi32, #tpu.memory_space<vmem>>
      %dma_wait3A_284 = tpu.memref_squeeze %dma_wait3A_283 : memref<1x128xi32, #tpu.memory_space<vmem>> -> memref<128xi32, #tpu.memory_space<vmem>>
      %dma_wait3A_285 = arith.constant 0 : i32
      %dma_wait3A_286 = arith.constant 0 : i32
      %dma_wait3A_287 = tpu.memref_slice %arg2[%dma_wait3A_285, %dma_wait3A_286] : memref<20480x32xf32, #tpu.memory_space<hbm>> -> memref<20480x32xf32, #tpu.memory_space<hbm>>
      tpu.wait_indirect_dma semaphore(%arg10 : memref<!tpu.dma_semaphore, #tpu.memory_space<semaphore_mem>>) src(%dma_wait3A_287 : memref<20480x32xf32, #tpu.memory_space<hbm>>) dst(%dma_wait3A_281 : memref<128x32xf32, #tpu.memory_space<vmem>>)
      %mul3A_288 = arith.constant 4 : i32
      %mul3A_289 = arith.muli %add3A_217, %mul3A_288 : i32
      %add3A_290 = arith.constant 0 : i32
      %add3A_291 = arith.addi %mul3A_289, %add3A_290 : i32
      %dma_start3A_292 = arith.constant 0 : i32
      %dma_start3A_293 = arith.constant 0 : i32
      %dma_start3A_294 = arith.constant 0 : i32
      %dma_start3A_295 = tpu.memref_slice %arg8[%dma_start3A_292, %dma_start3A_293, %dma_start3A_294] : memref<8x128x32xf32, #tpu.memory_space<vmem>> -> memref<1x128x32xf32, #tpu.memory_space<vmem>>
      %dma_start3A_296 = tpu.memref_squeeze %dma_start3A_295 : memref<1x128x32xf32, #tpu.memory_space<vmem>> -> memref<128x32xf32, #tpu.memory_space<vmem>>
      %dma_start3A_297 = arith.constant 0 : i32
      %dma_start3A_298 = tpu.memref_slice %arg7[%add3A_291, %dma_start3A_297] : memref<160x128xi32, #tpu.memory_space<vmem>> -> memref<1x128xi32, #tpu.memory_space<vmem>>
      %dma_start3A_299 = tpu.memref_squeeze %dma_start3A_298 : memref<1x128xi32, #tpu.memory_space<vmem>> -> memref<128xi32, #tpu.memory_space<vmem>>
      %dma_start3A_300 = arith.constant 0 : i32
      %dma_start3A_301 = arith.constant 0 : i32
      %dma_start3A_302 = tpu.memref_slice %arg9[%dma_start3A_300, %dma_start3A_301] : memref<10240x32xf32, #tpu.memory_space<vmem_shared>> -> memref<10240x32xf32, #tpu.memory_space<vmem_shared>>
      tpu.enqueue_indirect_dma source(%dma_start3A_296 : memref<128x32xf32, #tpu.memory_space<vmem>>) target(%dma_start3A_302 : memref<10240x32xf32, #tpu.memory_space<vmem_shared>>) offsets(%dma_start3A_299 : memref<128xi32, #tpu.memory_space<vmem>>) semaphore(%arg12 : memref<!tpu.dma_semaphore, #tpu.memory_space<semaphore_mem>>) {add = true}
      %mul3A_303 = arith.constant 4 : i32
      %mul3A_304 = arith.muli %add3A_217, %mul3A_303 : i32
      %add3A_305 = arith.constant 1 : i32
      %add3A_306 = arith.addi %mul3A_304, %add3A_305 : i32
      %dma_start3A_307 = arith.constant 1 : i32
      %dma_start3A_308 = arith.constant 0 : i32
      %dma_start3A_309 = arith.constant 0 : i32
      %dma_start3A_310 = tpu.memref_slice %arg8[%dma_start3A_307, %dma_start3A_308, %dma_start3A_309] : memref<8x128x32xf32, #tpu.memory_space<vmem>> -> memref<1x128x32xf32, #tpu.memory_space<vmem>>
      %dma_start3A_311 = tpu.memref_squeeze %dma_start3A_310 : memref<1x128x32xf32, #tpu.memory_space<vmem>> -> memref<128x32xf32, #tpu.memory_space<vmem>>
      %dma_start3A_312 = arith.constant 0 : i32
      %dma_start3A_313 = tpu.memref_slice %arg7[%add3A_306, %dma_start3A_312] : memref<160x128xi32, #tpu.memory_space<vmem>> -> memref<1x128xi32, #tpu.memory_space<vmem>>
      %dma_start3A_314 = tpu.memref_squeeze %dma_start3A_313 : memref<1x128xi32, #tpu.memory_space<vmem>> -> memref<128xi32, #tpu.memory_space<vmem>>
      %dma_start3A_315 = arith.constant 0 : i32
      %dma_start3A_316 = arith.constant 0 : i32
      %dma_start3A_317 = tpu.memref_slice %arg9[%dma_start3A_315, %dma_start3A_316] : memref<10240x32xf32, #tpu.memory_space<vmem_shared>> -> memref<10240x32xf32, #tpu.memory_space<vmem_shared>>
      tpu.enqueue_indirect_dma source(%dma_start3A_311 : memref<128x32xf32, #tpu.memory_space<vmem>>) target(%dma_start3A_317 : memref<10240x32xf32, #tpu.memory_space<vmem_shared>>) offsets(%dma_start3A_314 : memref<128xi32, #tpu.memory_space<vmem>>) semaphore(%arg12 : memref<!tpu.dma_semaphore, #tpu.memory_space<semaphore_mem>>) {add = true}
      %mul3A_318 = arith.constant 4 : i32
      %mul3A_319 = arith.muli %add3A_217, %mul3A_318 : i32
      %add3A_320 = arith.constant 2 : i32
      %add3A_321 = arith.addi %mul3A_319, %add3A_320 : i32
      %dma_start3A_322 = arith.constant 2 : i32
      %dma_start3A_323 = arith.constant 0 : i32
      %dma_start3A_324 = arith.constant 0 : i32
      %dma_start3A_325 = tpu.memref_slice %arg8[%dma_start3A_322, %dma_start3A_323, %dma_start3A_324] : memref<8x128x32xf32, #tpu.memory_space<vmem>> -> memref<1x128x32xf32, #tpu.memory_space<vmem>>
      %dma_start3A_326 = tpu.memref_squeeze %dma_start3A_325 : memref<1x128x32xf32, #tpu.memory_space<vmem>> -> memref<128x32xf32, #tpu.memory_space<vmem>>
      %dma_start3A_327 = arith.constant 0 : i32
      %dma_start3A_328 = tpu.memref_slice %arg7[%add3A_321, %dma_start3A_327] : memref<160x128xi32, #tpu.memory_space<vmem>> -> memref<1x128xi32, #tpu.memory_space<vmem>>
      %dma_start3A_329 = tpu.memref_squeeze %dma_start3A_328 : memref<1x128xi32, #tpu.memory_space<vmem>> -> memref<128xi32, #tpu.memory_space<vmem>>
      %dma_start3A_330 = arith.constant 0 : i32
      %dma_start3A_331 = arith.constant 0 : i32
      %dma_start3A_332 = tpu.memref_slice %arg9[%dma_start3A_330, %dma_start3A_331] : memref<10240x32xf32, #tpu.memory_space<vmem_shared>> -> memref<10240x32xf32, #tpu.memory_space<vmem_shared>>
      tpu.enqueue_indirect_dma source(%dma_start3A_326 : memref<128x32xf32, #tpu.memory_space<vmem>>) target(%dma_start3A_332 : memref<10240x32xf32, #tpu.memory_space<vmem_shared>>) offsets(%dma_start3A_329 : memref<128xi32, #tpu.memory_space<vmem>>) semaphore(%arg12 : memref<!tpu.dma_semaphore, #tpu.memory_space<semaphore_mem>>) {add = true}
      %mul3A_333 = arith.constant 4 : i32
      %mul3A_334 = arith.muli %add3A_217, %mul3A_333 : i32
      %add3A_335 = arith.constant 3 : i32
      %add3A_336 = arith.addi %mul3A_334, %add3A_335 : i32
      %dma_start3A_337 = arith.constant 3 : i32
      %dma_start3A_338 = arith.constant 0 : i32
      %dma_start3A_339 = arith.constant 0 : i32
      %dma_start3A_340 = tpu.memref_slice %arg8[%dma_start3A_337, %dma_start3A_338, %dma_start3A_339] : memref<8x128x32xf32, #tpu.memory_space<vmem>> -> memref<1x128x32xf32, #tpu.memory_space<vmem>>
      %dma_start3A_341 = tpu.memref_squeeze %dma_start3A_340 : memref<1x128x32xf32, #tpu.memory_space<vmem>> -> memref<128x32xf32, #tpu.memory_space<vmem>>
      %dma_start3A_342 = arith.constant 0 : i32
      %dma_start3A_343 = tpu.memref_slice %arg7[%add3A_336, %dma_start3A_342] : memref<160x128xi32, #tpu.memory_space<vmem>> -> memref<1x128xi32, #tpu.memory_space<vmem>>
      %dma_start3A_344 = tpu.memref_squeeze %dma_start3A_343 : memref<1x128xi32, #tpu.memory_space<vmem>> -> memref<128xi32, #tpu.memory_space<vmem>>
      %dma_start3A_345 = arith.constant 0 : i32
      %dma_start3A_346 = arith.constant 0 : i32
      %dma_start3A_347 = tpu.memref_slice %arg9[%dma_start3A_345, %dma_start3A_346] : memref<10240x32xf32, #tpu.memory_space<vmem_shared>> -> memref<10240x32xf32, #tpu.memory_space<vmem_shared>>
      tpu.enqueue_indirect_dma source(%dma_start3A_341 : memref<128x32xf32, #tpu.memory_space<vmem>>) target(%dma_start3A_347 : memref<10240x32xf32, #tpu.memory_space<vmem_shared>>) offsets(%dma_start3A_344 : memref<128xi32, #tpu.memory_space<vmem>>) semaphore(%arg12 : memref<!tpu.dma_semaphore, #tpu.memory_space<semaphore_mem>>) {add = true}
      %mul3A_348 = arith.constant 2 : i32
      %mul3A_349 = arith.muli %mul3A_348, %scan3A_213 : i32
      %add3A_350 = arith.constant 1 : i32
      %add3A_351 = arith.addi %mul3A_349, %add3A_350 : i32
      %add3A_352 = arith.constant 1 : i32
      %add3A_353 = arith.addi %add3A_351, %add3A_352 : i32
      %lt3A_354 = arith.constant 40 : i32
      %lt3A_355 = arith.cmpi slt, %add3A_353, %lt3A_354 : i32
      %ge3A_356 = arith.constant 1 : i32
      %ge3A_357 = arith.cmpi sge, %add3A_351, %ge3A_356 : i32
      %and3A_358 = arith.andi %lt3A_355, %ge3A_357 : i1
      %convert_element_type3A_359 = arith.extui %and3A_358 : i1 to i32
      %cond3A_360 = arith.constant 0 : i32
      %cond3A_361 = arith.cmpi ne, %convert_element_type3A_359, %cond3A_360 : i32
      scf.if %cond3A_361 {
        %sub3A = arith.constant 1 : i32
        %sub3A_487 = arith.subi %add3A_351, %sub3A : i32
        %mul3A_488 = arith.constant 4 : i32
        %mul3A_489 = arith.muli %sub3A_487, %mul3A_488 : i32
        %add3A_490 = arith.constant 0 : i32
        %add3A_491 = arith.addi %mul3A_489, %add3A_490 : i32
        %dma_wait3A_492 = arith.constant 0 : i32
        %dma_wait3A_493 = arith.constant 0 : i32
        %dma_wait3A_494 = arith.constant 0 : i32
        %dma_wait3A_495 = tpu.memref_slice %arg8[%dma_wait3A_492, %dma_wait3A_493, %dma_wait3A_494] : memref<8x128x32xf32, #tpu.memory_space<vmem>> -> memref<1x128x32xf32, #tpu.memory_space<vmem>>
        %dma_wait3A_496 = tpu.memref_squeeze %dma_wait3A_495 : memref<1x128x32xf32, #tpu.memory_space<vmem>> -> memref<128x32xf32, #tpu.memory_space<vmem>>
        %dma_wait3A_497 = arith.constant 0 : i32
        %dma_wait3A_498 = tpu.memref_slice %arg7[%add3A_491, %dma_wait3A_497] : memref<160x128xi32, #tpu.memory_space<vmem>> -> memref<1x128xi32, #tpu.memory_space<vmem>>
        %dma_wait3A_499 = tpu.memref_squeeze %dma_wait3A_498 : memref<1x128xi32, #tpu.memory_space<vmem>> -> memref<128xi32, #tpu.memory_space<vmem>>
        %dma_wait3A_500 = arith.constant 0 : i32
        %dma_wait3A_501 = arith.constant 0 : i32
        %dma_wait3A_502 = tpu.memref_slice %arg9[%dma_wait3A_500, %dma_wait3A_501] : memref<10240x32xf32, #tpu.memory_space<vmem_shared>> -> memref<10240x32xf32, #tpu.memory_space<vmem_shared>>
        tpu.wait_indirect_dma semaphore(%arg12 : memref<!tpu.dma_semaphore, #tpu.memory_space<semaphore_mem>>) src(%dma_wait3A_496 : memref<128x32xf32, #tpu.memory_space<vmem>>) dst(%dma_wait3A_502 : memref<10240x32xf32, #tpu.memory_space<vmem_shared>>)
        %sub3A_503 = arith.constant 1 : i32
        %sub3A_504 = arith.subi %add3A_351, %sub3A_503 : i32
        %mul3A_505 = arith.constant 4 : i32
        %mul3A_506 = arith.muli %sub3A_504, %mul3A_505 : i32
        %add3A_507 = arith.constant 1 : i32
        %add3A_508 = arith.addi %mul3A_506, %add3A_507 : i32
        %dma_wait3A_509 = arith.constant 1 : i32
        %dma_wait3A_510 = arith.constant 0 : i32
        %dma_wait3A_511 = arith.constant 0 : i32
        %dma_wait3A_512 = tpu.memref_slice %arg8[%dma_wait3A_509, %dma_wait3A_510, %dma_wait3A_511] : memref<8x128x32xf32, #tpu.memory_space<vmem>> -> memref<1x128x32xf32, #tpu.memory_space<vmem>>
        %dma_wait3A_513 = tpu.memref_squeeze %dma_wait3A_512 : memref<1x128x32xf32, #tpu.memory_space<vmem>> -> memref<128x32xf32, #tpu.memory_space<vmem>>
        %dma_wait3A_514 = arith.constant 0 : i32
        %dma_wait3A_515 = tpu.memref_slice %arg7[%add3A_508, %dma_wait3A_514] : memref<160x128xi32, #tpu.memory_space<vmem>> -> memref<1x128xi32, #tpu.memory_space<vmem>>
        %dma_wait3A_516 = tpu.memref_squeeze %dma_wait3A_515 : memref<1x128xi32, #tpu.memory_space<vmem>> -> memref<128xi32, #tpu.memory_space<vmem>>
        %dma_wait3A_517 = arith.constant 0 : i32
        %dma_wait3A_518 = arith.constant 0 : i32
        %dma_wait3A_519 = tpu.memref_slice %arg9[%dma_wait3A_517, %dma_wait3A_518] : memref<10240x32xf32, #tpu.memory_space<vmem_shared>> -> memref<10240x32xf32, #tpu.memory_space<vmem_shared>>
        tpu.wait_indirect_dma semaphore(%arg12 : memref<!tpu.dma_semaphore, #tpu.memory_space<semaphore_mem>>) src(%dma_wait3A_513 : memref<128x32xf32, #tpu.memory_space<vmem>>) dst(%dma_wait3A_519 : memref<10240x32xf32, #tpu.memory_space<vmem_shared>>)
        %sub3A_520 = arith.constant 1 : i32
        %sub3A_521 = arith.subi %add3A_351, %sub3A_520 : i32
        %mul3A_522 = arith.constant 4 : i32
        %mul3A_523 = arith.muli %sub3A_521, %mul3A_522 : i32
        %add3A_524 = arith.constant 2 : i32
        %add3A_525 = arith.addi %mul3A_523, %add3A_524 : i32
        %dma_wait3A_526 = arith.constant 2 : i32
        %dma_wait3A_527 = arith.constant 0 : i32
        %dma_wait3A_528 = arith.constant 0 : i32
        %dma_wait3A_529 = tpu.memref_slice %arg8[%dma_wait3A_526, %dma_wait3A_527, %dma_wait3A_528] : memref<8x128x32xf32, #tpu.memory_space<vmem>> -> memref<1x128x32xf32, #tpu.memory_space<vmem>>
        %dma_wait3A_530 = tpu.memref_squeeze %dma_wait3A_529 : memref<1x128x32xf32, #tpu.memory_space<vmem>> -> memref<128x32xf32, #tpu.memory_space<vmem>>
        %dma_wait3A_531 = arith.constant 0 : i32
        %dma_wait3A_532 = tpu.memref_slice %arg7[%add3A_525, %dma_wait3A_531] : memref<160x128xi32, #tpu.memory_space<vmem>> -> memref<1x128xi32, #tpu.memory_space<vmem>>
        %dma_wait3A_533 = tpu.memref_squeeze %dma_wait3A_532 : memref<1x128xi32, #tpu.memory_space<vmem>> -> memref<128xi32, #tpu.memory_space<vmem>>
        %dma_wait3A_534 = arith.constant 0 : i32
        %dma_wait3A_535 = arith.constant 0 : i32
        %dma_wait3A_536 = tpu.memref_slice %arg9[%dma_wait3A_534, %dma_wait3A_535] : memref<10240x32xf32, #tpu.memory_space<vmem_shared>> -> memref<10240x32xf32, #tpu.memory_space<vmem_shared>>
        tpu.wait_indirect_dma semaphore(%arg12 : memref<!tpu.dma_semaphore, #tpu.memory_space<semaphore_mem>>) src(%dma_wait3A_530 : memref<128x32xf32, #tpu.memory_space<vmem>>) dst(%dma_wait3A_536 : memref<10240x32xf32, #tpu.memory_space<vmem_shared>>)
        %sub3A_537 = arith.constant 1 : i32
        %sub3A_538 = arith.subi %add3A_351, %sub3A_537 : i32
        %mul3A_539 = arith.constant 4 : i32
        %mul3A_540 = arith.muli %sub3A_538, %mul3A_539 : i32
        %add3A_541 = arith.constant 3 : i32
        %add3A_542 = arith.addi %mul3A_540, %add3A_541 : i32
        %dma_wait3A_543 = arith.constant 3 : i32
        %dma_wait3A_544 = arith.constant 0 : i32
        %dma_wait3A_545 = arith.constant 0 : i32
        %dma_wait3A_546 = tpu.memref_slice %arg8[%dma_wait3A_543, %dma_wait3A_544, %dma_wait3A_545] : memref<8x128x32xf32, #tpu.memory_space<vmem>> -> memref<1x128x32xf32, #tpu.memory_space<vmem>>
        %dma_wait3A_547 = tpu.memref_squeeze %dma_wait3A_546 : memref<1x128x32xf32, #tpu.memory_space<vmem>> -> memref<128x32xf32, #tpu.memory_space<vmem>>
        %dma_wait3A_548 = arith.constant 0 : i32
        %dma_wait3A_549 = tpu.memref_slice %arg7[%add3A_542, %dma_wait3A_548] : memref<160x128xi32, #tpu.memory_space<vmem>> -> memref<1x128xi32, #tpu.memory_space<vmem>>
        %dma_wait3A_550 = tpu.memref_squeeze %dma_wait3A_549 : memref<1x128xi32, #tpu.memory_space<vmem>> -> memref<128xi32, #tpu.memory_space<vmem>>
        %dma_wait3A_551 = arith.constant 0 : i32
        %dma_wait3A_552 = arith.constant 0 : i32
        %dma_wait3A_553 = tpu.memref_slice %arg9[%dma_wait3A_551, %dma_wait3A_552] : memref<10240x32xf32, #tpu.memory_space<vmem_shared>> -> memref<10240x32xf32, #tpu.memory_space<vmem_shared>>
        tpu.wait_indirect_dma semaphore(%arg12 : memref<!tpu.dma_semaphore, #tpu.memory_space<semaphore_mem>>) src(%dma_wait3A_547 : memref<128x32xf32, #tpu.memory_space<vmem>>) dst(%dma_wait3A_553 : memref<10240x32xf32, #tpu.memory_space<vmem_shared>>)
      } else {
      }
      %lt3A_362 = arith.constant 40 : i32
      %lt3A_363 = arith.cmpi slt, %add3A_353, %lt3A_362 : i32
      %convert_element_type3A_364 = arith.extui %lt3A_363 : i1 to i32
      %cond3A_365 = arith.constant 0 : i32
      %cond3A_366 = arith.cmpi ne, %convert_element_type3A_364, %cond3A_365 : i32
      scf.if %cond3A_366 {
        %mul3A_487 = arith.constant 4 : i32
        %mul3A_488 = arith.muli %add3A_353, %mul3A_487 : i32
        %add3A_489 = arith.constant 0 : i32
        %add3A_490 = arith.addi %mul3A_488, %add3A_489 : i32
        %dma_start3A_491 = arith.constant 0 : i32
        %dma_start3A_492 = arith.constant 0 : i32
        %dma_start3A_493 = arith.constant 0 : i32
        %dma_start3A_494 = tpu.memref_slice %arg8[%dma_start3A_491, %dma_start3A_492, %dma_start3A_493] : memref<8x128x32xf32, #tpu.memory_space<vmem>> -> memref<1x128x32xf32, #tpu.memory_space<vmem>>
        %dma_start3A_495 = tpu.memref_squeeze %dma_start3A_494 : memref<1x128x32xf32, #tpu.memory_space<vmem>> -> memref<128x32xf32, #tpu.memory_space<vmem>>
        %dma_start3A_496 = arith.constant 0 : i32
        %dma_start3A_497 = tpu.memref_slice %arg6[%add3A_490, %dma_start3A_496] : memref<160x128xi32, #tpu.memory_space<vmem>> -> memref<1x128xi32, #tpu.memory_space<vmem>>
        %dma_start3A_498 = tpu.memref_squeeze %dma_start3A_497 : memref<1x128xi32, #tpu.memory_space<vmem>> -> memref<128xi32, #tpu.memory_space<vmem>>
        %dma_start3A_499 = arith.constant 0 : i32
        %dma_start3A_500 = arith.constant 0 : i32
        %dma_start3A_501 = tpu.memref_slice %arg2[%dma_start3A_499, %dma_start3A_500] : memref<20480x32xf32, #tpu.memory_space<hbm>> -> memref<20480x32xf32, #tpu.memory_space<hbm>>
        tpu.enqueue_indirect_dma source(%dma_start3A_501 : memref<20480x32xf32, #tpu.memory_space<hbm>>) target(%dma_start3A_495 : memref<128x32xf32, #tpu.memory_space<vmem>>) offsets(%dma_start3A_498 : memref<128xi32, #tpu.memory_space<vmem>>) semaphore(%arg10 : memref<!tpu.dma_semaphore, #tpu.memory_space<semaphore_mem>>)
        %mul3A_502 = arith.constant 4 : i32
        %mul3A_503 = arith.muli %add3A_353, %mul3A_502 : i32
        %add3A_504 = arith.constant 1 : i32
        %add3A_505 = arith.addi %mul3A_503, %add3A_504 : i32
        %dma_start3A_506 = arith.constant 1 : i32
        %dma_start3A_507 = arith.constant 0 : i32
        %dma_start3A_508 = arith.constant 0 : i32
        %dma_start3A_509 = tpu.memref_slice %arg8[%dma_start3A_506, %dma_start3A_507, %dma_start3A_508] : memref<8x128x32xf32, #tpu.memory_space<vmem>> -> memref<1x128x32xf32, #tpu.memory_space<vmem>>
        %dma_start3A_510 = tpu.memref_squeeze %dma_start3A_509 : memref<1x128x32xf32, #tpu.memory_space<vmem>> -> memref<128x32xf32, #tpu.memory_space<vmem>>
        %dma_start3A_511 = arith.constant 0 : i32
        %dma_start3A_512 = tpu.memref_slice %arg6[%add3A_505, %dma_start3A_511] : memref<160x128xi32, #tpu.memory_space<vmem>> -> memref<1x128xi32, #tpu.memory_space<vmem>>
        %dma_start3A_513 = tpu.memref_squeeze %dma_start3A_512 : memref<1x128xi32, #tpu.memory_space<vmem>> -> memref<128xi32, #tpu.memory_space<vmem>>
        %dma_start3A_514 = arith.constant 0 : i32
        %dma_start3A_515 = arith.constant 0 : i32
        %dma_start3A_516 = tpu.memref_slice %arg2[%dma_start3A_514, %dma_start3A_515] : memref<20480x32xf32, #tpu.memory_space<hbm>> -> memref<20480x32xf32, #tpu.memory_space<hbm>>
        tpu.enqueue_indirect_dma source(%dma_start3A_516 : memref<20480x32xf32, #tpu.memory_space<hbm>>) target(%dma_start3A_510 : memref<128x32xf32, #tpu.memory_space<vmem>>) offsets(%dma_start3A_513 : memref<128xi32, #tpu.memory_space<vmem>>) semaphore(%arg10 : memref<!tpu.dma_semaphore, #tpu.memory_space<semaphore_mem>>)
        %mul3A_517 = arith.constant 4 : i32
        %mul3A_518 = arith.muli %add3A_353, %mul3A_517 : i32
        %add3A_519 = arith.constant 2 : i32
        %add3A_520 = arith.addi %mul3A_518, %add3A_519 : i32
        %dma_start3A_521 = arith.constant 2 : i32
        %dma_start3A_522 = arith.constant 0 : i32
        %dma_start3A_523 = arith.constant 0 : i32
        %dma_start3A_524 = tpu.memref_slice %arg8[%dma_start3A_521, %dma_start3A_522, %dma_start3A_523] : memref<8x128x32xf32, #tpu.memory_space<vmem>> -> memref<1x128x32xf32, #tpu.memory_space<vmem>>
        %dma_start3A_525 = tpu.memref_squeeze %dma_start3A_524 : memref<1x128x32xf32, #tpu.memory_space<vmem>> -> memref<128x32xf32, #tpu.memory_space<vmem>>
        %dma_start3A_526 = arith.constant 0 : i32
        %dma_start3A_527 = tpu.memref_slice %arg6[%add3A_520, %dma_start3A_526] : memref<160x128xi32, #tpu.memory_space<vmem>> -> memref<1x128xi32, #tpu.memory_space<vmem>>
        %dma_start3A_528 = tpu.memref_squeeze %dma_start3A_527 : memref<1x128xi32, #tpu.memory_space<vmem>> -> memref<128xi32, #tpu.memory_space<vmem>>
        %dma_start3A_529 = arith.constant 0 : i32
        %dma_start3A_530 = arith.constant 0 : i32
        %dma_start3A_531 = tpu.memref_slice %arg2[%dma_start3A_529, %dma_start3A_530] : memref<20480x32xf32, #tpu.memory_space<hbm>> -> memref<20480x32xf32, #tpu.memory_space<hbm>>
        tpu.enqueue_indirect_dma source(%dma_start3A_531 : memref<20480x32xf32, #tpu.memory_space<hbm>>) target(%dma_start3A_525 : memref<128x32xf32, #tpu.memory_space<vmem>>) offsets(%dma_start3A_528 : memref<128xi32, #tpu.memory_space<vmem>>) semaphore(%arg10 : memref<!tpu.dma_semaphore, #tpu.memory_space<semaphore_mem>>)
        %mul3A_532 = arith.constant 4 : i32
        %mul3A_533 = arith.muli %add3A_353, %mul3A_532 : i32
        %add3A_534 = arith.constant 3 : i32
        %add3A_535 = arith.addi %mul3A_533, %add3A_534 : i32
        %dma_start3A_536 = arith.constant 3 : i32
        %dma_start3A_537 = arith.constant 0 : i32
        %dma_start3A_538 = arith.constant 0 : i32
        %dma_start3A_539 = tpu.memref_slice %arg8[%dma_start3A_536, %dma_start3A_537, %dma_start3A_538] : memref<8x128x32xf32, #tpu.memory_space<vmem>> -> memref<1x128x32xf32, #tpu.memory_space<vmem>>
        %dma_start3A_540 = tpu.memref_squeeze %dma_start3A_539 : memref<1x128x32xf32, #tpu.memory_space<vmem>> -> memref<128x32xf32, #tpu.memory_space<vmem>>
        %dma_start3A_541 = arith.constant 0 : i32
        %dma_start3A_542 = tpu.memref_slice %arg6[%add3A_535, %dma_start3A_541] : memref<160x128xi32, #tpu.memory_space<vmem>> -> memref<1x128xi32, #tpu.memory_space<vmem>>
        %dma_start3A_543 = tpu.memref_squeeze %dma_start3A_542 : memref<1x128xi32, #tpu.memory_space<vmem>> -> memref<128xi32, #tpu.memory_space<vmem>>
        %dma_start3A_544 = arith.constant 0 : i32
        %dma_start3A_545 = arith.constant 0 : i32
        %dma_start3A_546 = tpu.memref_slice %arg2[%dma_start3A_544, %dma_start3A_545] : memref<20480x32xf32, #tpu.memory_space<hbm>> -> memref<20480x32xf32, #tpu.memory_space<hbm>>
        tpu.enqueue_indirect_dma source(%dma_start3A_546 : memref<20480x32xf32, #tpu.memory_space<hbm>>) target(%dma_start3A_540 : memref<128x32xf32, #tpu.memory_space<vmem>>) offsets(%dma_start3A_543 : memref<128xi32, #tpu.memory_space<vmem>>) semaphore(%arg10 : memref<!tpu.dma_semaphore, #tpu.memory_space<semaphore_mem>>)
      } else {
      }
      %mul3A_367 = arith.constant 4 : i32
      %mul3A_368 = arith.muli %add3A_351, %mul3A_367 : i32
      %add3A_369 = arith.constant 0 : i32
      %add3A_370 = arith.addi %mul3A_368, %add3A_369 : i32
      %dma_wait3A_371 = arith.constant 4 : i32
      %dma_wait3A_372 = arith.constant 0 : i32
      %dma_wait3A_373 = arith.constant 0 : i32
      %dma_wait3A_374 = tpu.memref_slice %arg8[%dma_wait3A_371, %dma_wait3A_372, %dma_wait3A_373] : memref<8x128x32xf32, #tpu.memory_space<vmem>> -> memref<1x128x32xf32, #tpu.memory_space<vmem>>
      %dma_wait3A_375 = tpu.memref_squeeze %dma_wait3A_374 : memref<1x128x32xf32, #tpu.memory_space<vmem>> -> memref<128x32xf32, #tpu.memory_space<vmem>>
      %dma_wait3A_376 = arith.constant 0 : i32
      %dma_wait3A_377 = tpu.memref_slice %arg6[%add3A_370, %dma_wait3A_376] : memref<160x128xi32, #tpu.memory_space<vmem>> -> memref<1x128xi32, #tpu.memory_space<vmem>>
      %dma_wait3A_378 = tpu.memref_squeeze %dma_wait3A_377 : memref<1x128xi32, #tpu.memory_space<vmem>> -> memref<128xi32, #tpu.memory_space<vmem>>
      %dma_wait3A_379 = arith.constant 0 : i32
      %dma_wait3A_380 = arith.constant 0 : i32
      %dma_wait3A_381 = tpu.memref_slice %arg2[%dma_wait3A_379, %dma_wait3A_380] : memref<20480x32xf32, #tpu.memory_space<hbm>> -> memref<20480x32xf32, #tpu.memory_space<hbm>>
      tpu.wait_indirect_dma semaphore(%arg11 : memref<!tpu.dma_semaphore, #tpu.memory_space<semaphore_mem>>) src(%dma_wait3A_381 : memref<20480x32xf32, #tpu.memory_space<hbm>>) dst(%dma_wait3A_375 : memref<128x32xf32, #tpu.memory_space<vmem>>)
      %mul3A_382 = arith.constant 4 : i32
      %mul3A_383 = arith.muli %add3A_351, %mul3A_382 : i32
      %add3A_384 = arith.constant 1 : i32
      %add3A_385 = arith.addi %mul3A_383, %add3A_384 : i32
      %dma_wait3A_386 = arith.constant 5 : i32
      %dma_wait3A_387 = arith.constant 0 : i32
      %dma_wait3A_388 = arith.constant 0 : i32
      %dma_wait3A_389 = tpu.memref_slice %arg8[%dma_wait3A_386, %dma_wait3A_387, %dma_wait3A_388] : memref<8x128x32xf32, #tpu.memory_space<vmem>> -> memref<1x128x32xf32, #tpu.memory_space<vmem>>
      %dma_wait3A_390 = tpu.memref_squeeze %dma_wait3A_389 : memref<1x128x32xf32, #tpu.memory_space<vmem>> -> memref<128x32xf32, #tpu.memory_space<vmem>>
      %dma_wait3A_391 = arith.constant 0 : i32
      %dma_wait3A_392 = tpu.memref_slice %arg6[%add3A_385, %dma_wait3A_391] : memref<160x128xi32, #tpu.memory_space<vmem>> -> memref<1x128xi32, #tpu.memory_space<vmem>>
      %dma_wait3A_393 = tpu.memref_squeeze %dma_wait3A_392 : memref<1x128xi32, #tpu.memory_space<vmem>> -> memref<128xi32, #tpu.memory_space<vmem>>
      %dma_wait3A_394 = arith.constant 0 : i32
      %dma_wait3A_395 = arith.constant 0 : i32
      %dma_wait3A_396 = tpu.memref_slice %arg2[%dma_wait3A_394, %dma_wait3A_395] : memref<20480x32xf32, #tpu.memory_space<hbm>> -> memref<20480x32xf32, #tpu.memory_space<hbm>>
      tpu.wait_indirect_dma semaphore(%arg11 : memref<!tpu.dma_semaphore, #tpu.memory_space<semaphore_mem>>) src(%dma_wait3A_396 : memref<20480x32xf32, #tpu.memory_space<hbm>>) dst(%dma_wait3A_390 : memref<128x32xf32, #tpu.memory_space<vmem>>)
      %mul3A_397 = arith.constant 4 : i32
      %mul3A_398 = arith.muli %add3A_351, %mul3A_397 : i32
      %add3A_399 = arith.constant 2 : i32
      %add3A_400 = arith.addi %mul3A_398, %add3A_399 : i32
      %dma_wait3A_401 = arith.constant 6 : i32
      %dma_wait3A_402 = arith.constant 0 : i32
      %dma_wait3A_403 = arith.constant 0 : i32
      %dma_wait3A_404 = tpu.memref_slice %arg8[%dma_wait3A_401, %dma_wait3A_402, %dma_wait3A_403] : memref<8x128x32xf32, #tpu.memory_space<vmem>> -> memref<1x128x32xf32, #tpu.memory_space<vmem>>
      %dma_wait3A_405 = tpu.memref_squeeze %dma_wait3A_404 : memref<1x128x32xf32, #tpu.memory_space<vmem>> -> memref<128x32xf32, #tpu.memory_space<vmem>>
      %dma_wait3A_406 = arith.constant 0 : i32
      %dma_wait3A_407 = tpu.memref_slice %arg6[%add3A_400, %dma_wait3A_406] : memref<160x128xi32, #tpu.memory_space<vmem>> -> memref<1x128xi32, #tpu.memory_space<vmem>>
      %dma_wait3A_408 = tpu.memref_squeeze %dma_wait3A_407 : memref<1x128xi32, #tpu.memory_space<vmem>> -> memref<128xi32, #tpu.memory_space<vmem>>
      %dma_wait3A_409 = arith.constant 0 : i32
      %dma_wait3A_410 = arith.constant 0 : i32
      %dma_wait3A_411 = tpu.memref_slice %arg2[%dma_wait3A_409, %dma_wait3A_410] : memref<20480x32xf32, #tpu.memory_space<hbm>> -> memref<20480x32xf32, #tpu.memory_space<hbm>>
      tpu.wait_indirect_dma semaphore(%arg11 : memref<!tpu.dma_semaphore, #tpu.memory_space<semaphore_mem>>) src(%dma_wait3A_411 : memref<20480x32xf32, #tpu.memory_space<hbm>>) dst(%dma_wait3A_405 : memref<128x32xf32, #tpu.memory_space<vmem>>)
      %mul3A_412 = arith.constant 4 : i32
      %mul3A_413 = arith.muli %add3A_351, %mul3A_412 : i32
      %add3A_414 = arith.constant 3 : i32
      %add3A_415 = arith.addi %mul3A_413, %add3A_414 : i32
      %dma_wait3A_416 = arith.constant 7 : i32
      %dma_wait3A_417 = arith.constant 0 : i32
      %dma_wait3A_418 = arith.constant 0 : i32
      %dma_wait3A_419 = tpu.memref_slice %arg8[%dma_wait3A_416, %dma_wait3A_417, %dma_wait3A_418] : memref<8x128x32xf32, #tpu.memory_space<vmem>> -> memref<1x128x32xf32, #tpu.memory_space<vmem>>
      %dma_wait3A_420 = tpu.memref_squeeze %dma_wait3A_419 : memref<1x128x32xf32, #tpu.memory_space<vmem>> -> memref<128x32xf32, #tpu.memory_space<vmem>>
      %dma_wait3A_421 = arith.constant 0 : i32
      %dma_wait3A_422 = tpu.memref_slice %arg6[%add3A_415, %dma_wait3A_421] : memref<160x128xi32, #tpu.memory_space<vmem>> -> memref<1x128xi32, #tpu.memory_space<vmem>>
      %dma_wait3A_423 = tpu.memref_squeeze %dma_wait3A_422 : memref<1x128xi32, #tpu.memory_space<vmem>> -> memref<128xi32, #tpu.memory_space<vmem>>
      %dma_wait3A_424 = arith.constant 0 : i32
      %dma_wait3A_425 = arith.constant 0 : i32
      %dma_wait3A_426 = tpu.memref_slice %arg2[%dma_wait3A_424, %dma_wait3A_425] : memref<20480x32xf32, #tpu.memory_space<hbm>> -> memref<20480x32xf32, #tpu.memory_space<hbm>>
      tpu.wait_indirect_dma semaphore(%arg11 : memref<!tpu.dma_semaphore, #tpu.memory_space<semaphore_mem>>) src(%dma_wait3A_426 : memref<20480x32xf32, #tpu.memory_space<hbm>>) dst(%dma_wait3A_420 : memref<128x32xf32, #tpu.memory_space<vmem>>)
      %mul3A_427 = arith.constant 4 : i32
      %mul3A_428 = arith.muli %add3A_351, %mul3A_427 : i32
      %add3A_429 = arith.constant 0 : i32
      %add3A_430 = arith.addi %mul3A_428, %add3A_429 : i32
      %dma_start3A_431 = arith.constant 4 : i32
      %dma_start3A_432 = arith.constant 0 : i32
      %dma_start3A_433 = arith.constant 0 : i32
      %dma_start3A_434 = tpu.memref_slice %arg8[%dma_start3A_431, %dma_start3A_432, %dma_start3A_433] : memref<8x128x32xf32, #tpu.memory_space<vmem>> -> memref<1x128x32xf32, #tpu.memory_space<vmem>>
      %dma_start3A_435 = tpu.memref_squeeze %dma_start3A_434 : memref<1x128x32xf32, #tpu.memory_space<vmem>> -> memref<128x32xf32, #tpu.memory_space<vmem>>
      %dma_start3A_436 = arith.constant 0 : i32
      %dma_start3A_437 = tpu.memref_slice %arg7[%add3A_430, %dma_start3A_436] : memref<160x128xi32, #tpu.memory_space<vmem>> -> memref<1x128xi32, #tpu.memory_space<vmem>>
      %dma_start3A_438 = tpu.memref_squeeze %dma_start3A_437 : memref<1x128xi32, #tpu.memory_space<vmem>> -> memref<128xi32, #tpu.memory_space<vmem>>
      %dma_start3A_439 = arith.constant 0 : i32
      %dma_start3A_440 = arith.constant 0 : i32
      %dma_start3A_441 = tpu.memref_slice %arg9[%dma_start3A_439, %dma_start3A_440] : memref<10240x32xf32, #tpu.memory_space<vmem_shared>> -> memref<10240x32xf32, #tpu.memory_space<vmem_shared>>
      tpu.enqueue_indirect_dma source(%dma_start3A_435 : memref<128x32xf32, #tpu.memory_space<vmem>>) target(%dma_start3A_441 : memref<10240x32xf32, #tpu.memory_space<vmem_shared>>) offsets(%dma_start3A_438 : memref<128xi32, #tpu.memory_space<vmem>>) semaphore(%arg12 : memref<!tpu.dma_semaphore, #tpu.memory_space<semaphore_mem>>) {add = true}
      %mul3A_442 = arith.constant 4 : i32
      %mul3A_443 = arith.muli %add3A_351, %mul3A_442 : i32
      %add3A_444 = arith.constant 1 : i32
      %add3A_445 = arith.addi %mul3A_443, %add3A_444 : i32
      %dma_start3A_446 = arith.constant 5 : i32
      %dma_start3A_447 = arith.constant 0 : i32
      %dma_start3A_448 = arith.constant 0 : i32
      %dma_start3A_449 = tpu.memref_slice %arg8[%dma_start3A_446, %dma_start3A_447, %dma_start3A_448] : memref<8x128x32xf32, #tpu.memory_space<vmem>> -> memref<1x128x32xf32, #tpu.memory_space<vmem>>
      %dma_start3A_450 = tpu.memref_squeeze %dma_start3A_449 : memref<1x128x32xf32, #tpu.memory_space<vmem>> -> memref<128x32xf32, #tpu.memory_space<vmem>>
      %dma_start3A_451 = arith.constant 0 : i32
      %dma_start3A_452 = tpu.memref_slice %arg7[%add3A_445, %dma_start3A_451] : memref<160x128xi32, #tpu.memory_space<vmem>> -> memref<1x128xi32, #tpu.memory_space<vmem>>
      %dma_start3A_453 = tpu.memref_squeeze %dma_start3A_452 : memref<1x128xi32, #tpu.memory_space<vmem>> -> memref<128xi32, #tpu.memory_space<vmem>>
      %dma_start3A_454 = arith.constant 0 : i32
      %dma_start3A_455 = arith.constant 0 : i32
      %dma_start3A_456 = tpu.memref_slice %arg9[%dma_start3A_454, %dma_start3A_455] : memref<10240x32xf32, #tpu.memory_space<vmem_shared>> -> memref<10240x32xf32, #tpu.memory_space<vmem_shared>>
      tpu.enqueue_indirect_dma source(%dma_start3A_450 : memref<128x32xf32, #tpu.memory_space<vmem>>) target(%dma_start3A_456 : memref<10240x32xf32, #tpu.memory_space<vmem_shared>>) offsets(%dma_start3A_453 : memref<128xi32, #tpu.memory_space<vmem>>) semaphore(%arg12 : memref<!tpu.dma_semaphore, #tpu.memory_space<semaphore_mem>>) {add = true}
      %mul3A_457 = arith.constant 4 : i32
      %mul3A_458 = arith.muli %add3A_351, %mul3A_457 : i32
      %add3A_459 = arith.constant 2 : i32
      %add3A_460 = arith.addi %mul3A_458, %add3A_459 : i32
      %dma_start3A_461 = arith.constant 6 : i32
      %dma_start3A_462 = arith.constant 0 : i32
      %dma_start3A_463 = arith.constant 0 : i32
      %dma_start3A_464 = tpu.memref_slice %arg8[%dma_start3A_461, %dma_start3A_462, %dma_start3A_463] : memref<8x128x32xf32, #tpu.memory_space<vmem>> -> memref<1x128x32xf32, #tpu.memory_space<vmem>>
      %dma_start3A_465 = tpu.memref_squeeze %dma_start3A_464 : memref<1x128x32xf32, #tpu.memory_space<vmem>> -> memref<128x32xf32, #tpu.memory_space<vmem>>
      %dma_start3A_466 = arith.constant 0 : i32
      %dma_start3A_467 = tpu.memref_slice %arg7[%add3A_460, %dma_start3A_466] : memref<160x128xi32, #tpu.memory_space<vmem>> -> memref<1x128xi32, #tpu.memory_space<vmem>>
      %dma_start3A_468 = tpu.memref_squeeze %dma_start3A_467 : memref<1x128xi32, #tpu.memory_space<vmem>> -> memref<128xi32, #tpu.memory_space<vmem>>
      %dma_start3A_469 = arith.constant 0 : i32
      %dma_start3A_470 = arith.constant 0 : i32
      %dma_start3A_471 = tpu.memref_slice %arg9[%dma_start3A_469, %dma_start3A_470] : memref<10240x32xf32, #tpu.memory_space<vmem_shared>> -> memref<10240x32xf32, #tpu.memory_space<vmem_shared>>
      tpu.enqueue_indirect_dma source(%dma_start3A_465 : memref<128x32xf32, #tpu.memory_space<vmem>>) target(%dma_start3A_471 : memref<10240x32xf32, #tpu.memory_space<vmem_shared>>) offsets(%dma_start3A_468 : memref<128xi32, #tpu.memory_space<vmem>>) semaphore(%arg12 : memref<!tpu.dma_semaphore, #tpu.memory_space<semaphore_mem>>) {add = true}
      %mul3A_472 = arith.constant 4 : i32
      %mul3A_473 = arith.muli %add3A_351, %mul3A_472 : i32
      %add3A_474 = arith.constant 3 : i32
      %add3A_475 = arith.addi %mul3A_473, %add3A_474 : i32
      %dma_start3A_476 = arith.constant 7 : i32
      %dma_start3A_477 = arith.constant 0 : i32
      %dma_start3A_478 = arith.constant 0 : i32
      %dma_start3A_479 = tpu.memref_slice %arg8[%dma_start3A_476, %dma_start3A_477, %dma_start3A_478] : memref<8x128x32xf32, #tpu.memory_space<vmem>> -> memref<1x128x32xf32, #tpu.memory_space<vmem>>
      %dma_start3A_480 = tpu.memref_squeeze %dma_start3A_479 : memref<1x128x32xf32, #tpu.memory_space<vmem>> -> memref<128x32xf32, #tpu.memory_space<vmem>>
      %dma_start3A_481 = arith.constant 0 : i32
      %dma_start3A_482 = tpu.memref_slice %arg7[%add3A_475, %dma_start3A_481] : memref<160x128xi32, #tpu.memory_space<vmem>> -> memref<1x128xi32, #tpu.memory_space<vmem>>
      %dma_start3A_483 = tpu.memref_squeeze %dma_start3A_482 : memref<1x128xi32, #tpu.memory_space<vmem>> -> memref<128xi32, #tpu.memory_space<vmem>>
      %dma_start3A_484 = arith.constant 0 : i32
      %dma_start3A_485 = arith.constant 0 : i32
      %dma_start3A_486 = tpu.memref_slice %arg9[%dma_start3A_484, %dma_start3A_485] : memref<10240x32xf32, #tpu.memory_space<vmem_shared>> -> memref<10240x32xf32, #tpu.memory_space<vmem_shared>>
      tpu.enqueue_indirect_dma source(%dma_start3A_480 : memref<128x32xf32, #tpu.memory_space<vmem>>) target(%dma_start3A_486 : memref<10240x32xf32, #tpu.memory_space<vmem_shared>>) offsets(%dma_start3A_483 : memref<128xi32, #tpu.memory_space<vmem>>) semaphore(%arg12 : memref<!tpu.dma_semaphore, #tpu.memory_space<semaphore_mem>>) {add = true}
    }
    %scan3A_111 = arith.constant 20 : i32
    %dma_wait3A_112 = arith.constant 0 : i32
    %dma_wait3A_113 = arith.constant 152 : i32
    %dma_wait3A_114 = arith.constant 0 : i32
    %dma_wait3A_115 = arith.constant 0 : i32
    %dma_wait3A_116 = tpu.memref_slice %arg8[%dma_wait3A_112, %dma_wait3A_114, %dma_wait3A_115] : memref<8x128x32xf32, #tpu.memory_space<vmem>> -> memref<1x128x32xf32, #tpu.memory_space<vmem>>
    %dma_wait3A_117 = tpu.memref_squeeze %dma_wait3A_116 : memref<1x128x32xf32, #tpu.memory_space<vmem>> -> memref<128x32xf32, #tpu.memory_space<vmem>>
    %dma_wait3A_118 = arith.constant 0 : i32
    %dma_wait3A_119 = tpu.memref_slice %arg7[%dma_wait3A_113, %dma_wait3A_118] : memref<160x128xi32, #tpu.memory_space<vmem>> -> memref<1x128xi32, #tpu.memory_space<vmem>>
    %dma_wait3A_120 = tpu.memref_squeeze %dma_wait3A_119 : memref<1x128xi32, #tpu.memory_space<vmem>> -> memref<128xi32, #tpu.memory_space<vmem>>
    %dma_wait3A_121 = arith.constant 0 : i32
    %dma_wait3A_122 = arith.constant 0 : i32
    %dma_wait3A_123 = tpu.memref_slice %arg9[%dma_wait3A_121, %dma_wait3A_122] : memref<10240x32xf32, #tpu.memory_space<vmem_shared>> -> memref<10240x32xf32, #tpu.memory_space<vmem_shared>>
    tpu.wait_indirect_dma semaphore(%arg12 : memref<!tpu.dma_semaphore, #tpu.memory_space<semaphore_mem>>) src(%dma_wait3A_117 : memref<128x32xf32, #tpu.memory_space<vmem>>) dst(%dma_wait3A_123 : memref<10240x32xf32, #tpu.memory_space<vmem_shared>>)
    %dma_wait3A_124 = arith.constant 1 : i32
    %dma_wait3A_125 = arith.constant 153 : i32
    %dma_wait3A_126 = arith.constant 0 : i32
    %dma_wait3A_127 = arith.constant 0 : i32
    %dma_wait3A_128 = tpu.memref_slice %arg8[%dma_wait3A_124, %dma_wait3A_126, %dma_wait3A_127] : memref<8x128x32xf32, #tpu.memory_space<vmem>> -> memref<1x128x32xf32, #tpu.memory_space<vmem>>
    %dma_wait3A_129 = tpu.memref_squeeze %dma_wait3A_128 : memref<1x128x32xf32, #tpu.memory_space<vmem>> -> memref<128x32xf32, #tpu.memory_space<vmem>>
    %dma_wait3A_130 = arith.constant 0 : i32
    %dma_wait3A_131 = tpu.memref_slice %arg7[%dma_wait3A_125, %dma_wait3A_130] : memref<160x128xi32, #tpu.memory_space<vmem>> -> memref<1x128xi32, #tpu.memory_space<vmem>>
    %dma_wait3A_132 = tpu.memref_squeeze %dma_wait3A_131 : memref<1x128xi32, #tpu.memory_space<vmem>> -> memref<128xi32, #tpu.memory_space<vmem>>
    %dma_wait3A_133 = arith.constant 0 : i32
    %dma_wait3A_134 = arith.constant 0 : i32
    %dma_wait3A_135 = tpu.memref_slice %arg9[%dma_wait3A_133, %dma_wait3A_134] : memref<10240x32xf32, #tpu.memory_space<vmem_shared>> -> memref<10240x32xf32, #tpu.memory_space<vmem_shared>>
    tpu.wait_indirect_dma semaphore(%arg12 : memref<!tpu.dma_semaphore, #tpu.memory_space<semaphore_mem>>) src(%dma_wait3A_129 : memref<128x32xf32, #tpu.memory_space<vmem>>) dst(%dma_wait3A_135 : memref<10240x32xf32, #tpu.memory_space<vmem_shared>>)
    %dma_wait3A_136 = arith.constant 2 : i32
    %dma_wait3A_137 = arith.constant 154 : i32
    %dma_wait3A_138 = arith.constant 0 : i32
    %dma_wait3A_139 = arith.constant 0 : i32
    %dma_wait3A_140 = tpu.memref_slice %arg8[%dma_wait3A_136, %dma_wait3A_138, %dma_wait3A_139] : memref<8x128x32xf32, #tpu.memory_space<vmem>> -> memref<1x128x32xf32, #tpu.memory_space<vmem>>
    %dma_wait3A_141 = tpu.memref_squeeze %dma_wait3A_140 : memref<1x128x32xf32, #tpu.memory_space<vmem>> -> memref<128x32xf32, #tpu.memory_space<vmem>>
    %dma_wait3A_142 = arith.constant 0 : i32
    %dma_wait3A_143 = tpu.memref_slice %arg7[%dma_wait3A_137, %dma_wait3A_142] : memref<160x128xi32, #tpu.memory_space<vmem>> -> memref<1x128xi32, #tpu.memory_space<vmem>>
    %dma_wait3A_144 = tpu.memref_squeeze %dma_wait3A_143 : memref<1x128xi32, #tpu.memory_space<vmem>> -> memref<128xi32, #tpu.memory_space<vmem>>
    %dma_wait3A_145 = arith.constant 0 : i32
    %dma_wait3A_146 = arith.constant 0 : i32
    %dma_wait3A_147 = tpu.memref_slice %arg9[%dma_wait3A_145, %dma_wait3A_146] : memref<10240x32xf32, #tpu.memory_space<vmem_shared>> -> memref<10240x32xf32, #tpu.memory_space<vmem_shared>>
    tpu.wait_indirect_dma semaphore(%arg12 : memref<!tpu.dma_semaphore, #tpu.memory_space<semaphore_mem>>) src(%dma_wait3A_141 : memref<128x32xf32, #tpu.memory_space<vmem>>) dst(%dma_wait3A_147 : memref<10240x32xf32, #tpu.memory_space<vmem_shared>>)
    %dma_wait3A_148 = arith.constant 3 : i32
    %dma_wait3A_149 = arith.constant 155 : i32
    %dma_wait3A_150 = arith.constant 0 : i32
    %dma_wait3A_151 = arith.constant 0 : i32
    %dma_wait3A_152 = tpu.memref_slice %arg8[%dma_wait3A_148, %dma_wait3A_150, %dma_wait3A_151] : memref<8x128x32xf32, #tpu.memory_space<vmem>> -> memref<1x128x32xf32, #tpu.memory_space<vmem>>
    %dma_wait3A_153 = tpu.memref_squeeze %dma_wait3A_152 : memref<1x128x32xf32, #tpu.memory_space<vmem>> -> memref<128x32xf32, #tpu.memory_space<vmem>>
    %dma_wait3A_154 = arith.constant 0 : i32
    %dma_wait3A_155 = tpu.memref_slice %arg7[%dma_wait3A_149, %dma_wait3A_154] : memref<160x128xi32, #tpu.memory_space<vmem>> -> memref<1x128xi32, #tpu.memory_space<vmem>>
    %dma_wait3A_156 = tpu.memref_squeeze %dma_wait3A_155 : memref<1x128xi32, #tpu.memory_space<vmem>> -> memref<128xi32, #tpu.memory_space<vmem>>
    %dma_wait3A_157 = arith.constant 0 : i32
    %dma_wait3A_158 = arith.constant 0 : i32
    %dma_wait3A_159 = tpu.memref_slice %arg9[%dma_wait3A_157, %dma_wait3A_158] : memref<10240x32xf32, #tpu.memory_space<vmem_shared>> -> memref<10240x32xf32, #tpu.memory_space<vmem_shared>>
    tpu.wait_indirect_dma semaphore(%arg12 : memref<!tpu.dma_semaphore, #tpu.memory_space<semaphore_mem>>) src(%dma_wait3A_153 : memref<128x32xf32, #tpu.memory_space<vmem>>) dst(%dma_wait3A_159 : memref<10240x32xf32, #tpu.memory_space<vmem_shared>>)
    %dma_wait3A_160 = arith.constant 4 : i32
    %dma_wait3A_161 = arith.constant 156 : i32
    %dma_wait3A_162 = arith.constant 0 : i32
    %dma_wait3A_163 = arith.constant 0 : i32
    %dma_wait3A_164 = tpu.memref_slice %arg8[%dma_wait3A_160, %dma_wait3A_162, %dma_wait3A_163] : memref<8x128x32xf32, #tpu.memory_space<vmem>> -> memref<1x128x32xf32, #tpu.memory_space<vmem>>
    %dma_wait3A_165 = tpu.memref_squeeze %dma_wait3A_164 : memref<1x128x32xf32, #tpu.memory_space<vmem>> -> memref<128x32xf32, #tpu.memory_space<vmem>>
    %dma_wait3A_166 = arith.constant 0 : i32
    %dma_wait3A_167 = tpu.memref_slice %arg7[%dma_wait3A_161, %dma_wait3A_166] : memref<160x128xi32, #tpu.memory_space<vmem>> -> memref<1x128xi32, #tpu.memory_space<vmem>>
    %dma_wait3A_168 = tpu.memref_squeeze %dma_wait3A_167 : memref<1x128xi32, #tpu.memory_space<vmem>> -> memref<128xi32, #tpu.memory_space<vmem>>
    %dma_wait3A_169 = arith.constant 0 : i32
    %dma_wait3A_170 = arith.constant 0 : i32
    %dma_wait3A_171 = tpu.memref_slice %arg9[%dma_wait3A_169, %dma_wait3A_170] : memref<10240x32xf32, #tpu.memory_space<vmem_shared>> -> memref<10240x32xf32, #tpu.memory_space<vmem_shared>>
    tpu.wait_indirect_dma semaphore(%arg12 : memref<!tpu.dma_semaphore, #tpu.memory_space<semaphore_mem>>) src(%dma_wait3A_165 : memref<128x32xf32, #tpu.memory_space<vmem>>) dst(%dma_wait3A_171 : memref<10240x32xf32, #tpu.memory_space<vmem_shared>>)
    %dma_wait3A_172 = arith.constant 5 : i32
    %dma_wait3A_173 = arith.constant 157 : i32
    %dma_wait3A_174 = arith.constant 0 : i32
    %dma_wait3A_175 = arith.constant 0 : i32
    %dma_wait3A_176 = tpu.memref_slice %arg8[%dma_wait3A_172, %dma_wait3A_174, %dma_wait3A_175] : memref<8x128x32xf32, #tpu.memory_space<vmem>> -> memref<1x128x32xf32, #tpu.memory_space<vmem>>
    %dma_wait3A_177 = tpu.memref_squeeze %dma_wait3A_176 : memref<1x128x32xf32, #tpu.memory_space<vmem>> -> memref<128x32xf32, #tpu.memory_space<vmem>>
    %dma_wait3A_178 = arith.constant 0 : i32
    %dma_wait3A_179 = tpu.memref_slice %arg7[%dma_wait3A_173, %dma_wait3A_178] : memref<160x128xi32, #tpu.memory_space<vmem>> -> memref<1x128xi32, #tpu.memory_space<vmem>>
    %dma_wait3A_180 = tpu.memref_squeeze %dma_wait3A_179 : memref<1x128xi32, #tpu.memory_space<vmem>> -> memref<128xi32, #tpu.memory_space<vmem>>
    %dma_wait3A_181 = arith.constant 0 : i32
    %dma_wait3A_182 = arith.constant 0 : i32
    %dma_wait3A_183 = tpu.memref_slice %arg9[%dma_wait3A_181, %dma_wait3A_182] : memref<10240x32xf32, #tpu.memory_space<vmem_shared>> -> memref<10240x32xf32, #tpu.memory_space<vmem_shared>>
    tpu.wait_indirect_dma semaphore(%arg12 : memref<!tpu.dma_semaphore, #tpu.memory_space<semaphore_mem>>) src(%dma_wait3A_177 : memref<128x32xf32, #tpu.memory_space<vmem>>) dst(%dma_wait3A_183 : memref<10240x32xf32, #tpu.memory_space<vmem_shared>>)
    %dma_wait3A_184 = arith.constant 6 : i32
    %dma_wait3A_185 = arith.constant 158 : i32
    %dma_wait3A_186 = arith.constant 0 : i32
    %dma_wait3A_187 = arith.constant 0 : i32
    %dma_wait3A_188 = tpu.memref_slice %arg8[%dma_wait3A_184, %dma_wait3A_186, %dma_wait3A_187] : memref<8x128x32xf32, #tpu.memory_space<vmem>> -> memref<1x128x32xf32, #tpu.memory_space<vmem>>
    %dma_wait3A_189 = tpu.memref_squeeze %dma_wait3A_188 : memref<1x128x32xf32, #tpu.memory_space<vmem>> -> memref<128x32xf32, #tpu.memory_space<vmem>>
    %dma_wait3A_190 = arith.constant 0 : i32
    %dma_wait3A_191 = tpu.memref_slice %arg7[%dma_wait3A_185, %dma_wait3A_190] : memref<160x128xi32, #tpu.memory_space<vmem>> -> memref<1x128xi32, #tpu.memory_space<vmem>>
    %dma_wait3A_192 = tpu.memref_squeeze %dma_wait3A_191 : memref<1x128xi32, #tpu.memory_space<vmem>> -> memref<128xi32, #tpu.memory_space<vmem>>
    %dma_wait3A_193 = arith.constant 0 : i32
    %dma_wait3A_194 = arith.constant 0 : i32
    %dma_wait3A_195 = tpu.memref_slice %arg9[%dma_wait3A_193, %dma_wait3A_194] : memref<10240x32xf32, #tpu.memory_space<vmem_shared>> -> memref<10240x32xf32, #tpu.memory_space<vmem_shared>>
    tpu.wait_indirect_dma semaphore(%arg12 : memref<!tpu.dma_semaphore, #tpu.memory_space<semaphore_mem>>) src(%dma_wait3A_189 : memref<128x32xf32, #tpu.memory_space<vmem>>) dst(%dma_wait3A_195 : memref<10240x32xf32, #tpu.memory_space<vmem_shared>>)
    %dma_wait3A_196 = arith.constant 7 : i32
    %dma_wait3A_197 = arith.constant 159 : i32
    %dma_wait3A_198 = arith.constant 0 : i32
    %dma_wait3A_199 = arith.constant 0 : i32
    %dma_wait3A_200 = tpu.memref_slice %arg8[%dma_wait3A_196, %dma_wait3A_198, %dma_wait3A_199] : memref<8x128x32xf32, #tpu.memory_space<vmem>> -> memref<1x128x32xf32, #tpu.memory_space<vmem>>
    %dma_wait3A_201 = tpu.memref_squeeze %dma_wait3A_200 : memref<1x128x32xf32, #tpu.memory_space<vmem>> -> memref<128x32xf32, #tpu.memory_space<vmem>>
    %dma_wait3A_202 = arith.constant 0 : i32
    %dma_wait3A_203 = tpu.memref_slice %arg7[%dma_wait3A_197, %dma_wait3A_202] : memref<160x128xi32, #tpu.memory_space<vmem>> -> memref<1x128xi32, #tpu.memory_space<vmem>>
    %dma_wait3A_204 = tpu.memref_squeeze %dma_wait3A_203 : memref<1x128xi32, #tpu.memory_space<vmem>> -> memref<128xi32, #tpu.memory_space<vmem>>
    %dma_wait3A_205 = arith.constant 0 : i32
    %dma_wait3A_206 = arith.constant 0 : i32
    %dma_wait3A_207 = tpu.memref_slice %arg9[%dma_wait3A_205, %dma_wait3A_206] : memref<10240x32xf32, #tpu.memory_space<vmem_shared>> -> memref<10240x32xf32, #tpu.memory_space<vmem_shared>>
    tpu.wait_indirect_dma semaphore(%arg12 : memref<!tpu.dma_semaphore, #tpu.memory_space<semaphore_mem>>) src(%dma_wait3A_201 : memref<128x32xf32, #tpu.memory_space<vmem>>) dst(%dma_wait3A_207 : memref<10240x32xf32, #tpu.memory_space<vmem_shared>>)
    %barrier3A_208 = arith.constant 0 : index
    tpu.barrier barrier_id(%barrier3A_208)
    %mul3A_209 = arith.constant 640 : i32
    %mul3A_210 = arith.muli %arg1, %mul3A_209 : i32
    %mul3A_211 = arith.constant 640 : i32
    %mul3A_212 = arith.muli %arg1, %mul3A_211 : i32
    "tpu.region"() ({
      %run_scoped3A_213 = tpu.sem_alloc : memref<!tpu.dma_semaphore, #tpu.memory_space<semaphore_mem>>
      %dma_start3A_214 = arith.constant 0 : i32
      %dma_start3A_215 = tpu.memref_slice %arg5[%arg0, %mul3A_212, %dma_start3A_214] : memref<2x10240x32xf32, #tpu.memory_space<hbm>> -> memref<1x640x32xf32, #tpu.memory_space<hbm>>
      %dma_start3A_216 = tpu.memref_squeeze %dma_start3A_215 : memref<1x640x32xf32, #tpu.memory_space<hbm>> -> memref<640x32xf32, #tpu.memory_space<hbm>>
      %dma_start3A_217 = arith.constant 0 : i32
      %dma_start3A_218 = tpu.memref_slice %arg9[%mul3A_210, %dma_start3A_217] : memref<10240x32xf32, #tpu.memory_space<vmem_shared>> -> memref<640x32xf32, #tpu.memory_space<vmem_shared>>
      tpu.enqueue_dma source(%dma_start3A_218 : memref<640x32xf32, #tpu.memory_space<vmem_shared>>) target(%dma_start3A_216 : memref<640x32xf32, #tpu.memory_space<hbm>>) target_semaphore(%run_scoped3A_213 : memref<!tpu.dma_semaphore, #tpu.memory_space<semaphore_mem>>)
      %dma_wait3A_219 = arith.constant 0 : i32
      %dma_wait3A_220 = tpu.memref_slice %arg5[%arg0, %mul3A_212, %dma_wait3A_219] : memref<2x10240x32xf32, #tpu.memory_space<hbm>> -> memref<1x640x32xf32, #tpu.memory_space<hbm>>
      %dma_wait3A_221 = tpu.memref_squeeze %dma_wait3A_220 : memref<1x640x32xf32, #tpu.memory_space<hbm>> -> memref<640x32xf32, #tpu.memory_space<hbm>>
      %dma_wait3A_222 = arith.constant 0 : i32
      %dma_wait3A_223 = tpu.memref_slice %arg9[%mul3A_210, %dma_wait3A_222] : memref<10240x32xf32, #tpu.memory_space<vmem_shared>> -> memref<640x32xf32, #tpu.memory_space<vmem_shared>>
      tpu.wait_dma2 semaphore(%run_scoped3A_213 : memref<!tpu.dma_semaphore, #tpu.memory_space<semaphore_mem>>) src(%dma_wait3A_223 : memref<640x32xf32, #tpu.memory_space<vmem_shared>>) dst(%dma_wait3A_221 : memref<640x32xf32, #tpu.memory_space<hbm>>)
      tpu.yield
    }) : () -> ()
    return
  }
}

#map = affine_map<(d0, d1) -> (0, 0)>
#map1 = affine_map<(d0, d1) -> (0, 0, 0, 0)>
#map2 = affine_map<(d0, d1) -> (0, 0, 0)>
module attributes {stable_mosaic.version = 14 : i64} {
  func.func @msgpass(%arg0: i32, %arg1: i32, %arg2: memref<20480x64xf32, #tpu.memory_space<hbm>>, %arg3: memref<2x16x160x128xi32, #tpu.memory_space<hbm>>, %arg4: memref<16x160x128xi32, #tpu.memory_space<hbm>>, %arg5: memref<2x10240x64xf32, #tpu.memory_space<hbm>>, %arg6: memref<160x128xi32, #tpu.memory_space<vmem>>, %arg7: memref<160x128xi32, #tpu.memory_space<vmem>>, %arg8: memref<4x128x64xf32, #tpu.memory_space<vmem>>, %arg9: memref<10240x64xf32, #tpu.memory_space<vmem_shared>>, %arg10: memref<!tpu.dma_semaphore, #tpu.memory_space<semaphore_mem>>, %arg11: memref<!tpu.dma_semaphore, #tpu.memory_space<semaphore_mem>>, %arg12: memref<!tpu.dma_semaphore, #tpu.memory_space<semaphore_mem>>) attributes {dimension_semantics = [#tpu.dimension_semantics<core_parallel>, #tpu.dimension_semantics<subcore_parallel>], iteration_bounds = array<i64: 2, 16>, scalar_prefetch = 0 : i64, scratch_operands = 7 : i64, tpu.core_type = #tpu.core_type<sc_vector_subcore>, window_params = [{transform_indices = #map}, {transform_indices = #map1}, {transform_indices = #map2}, {transform_indices = #map2}]} {
    %dma_start3A = arith.constant 0 : i32
    %dma_start3A_0 = arith.constant 0 : i32
    %dma_start3A_1 = tpu.memref_slice %arg3[%arg0, %arg1, %dma_start3A, %dma_start3A_0] : memref<2x16x160x128xi32, #tpu.memory_space<hbm>> -> memref<1x1x160x128xi32, #tpu.memory_space<hbm>>
    %dma_start3A_2 = tpu.memref_squeeze %dma_start3A_1 : memref<1x1x160x128xi32, #tpu.memory_space<hbm>> -> memref<160x128xi32, #tpu.memory_space<hbm>>
    %dma_start3A_3 = arith.constant 0 : i32
    %dma_start3A_4 = arith.constant 0 : i32
    %dma_start3A_5 = tpu.memref_slice %arg3[%arg0, %arg1, %dma_start3A_3, %dma_start3A_4] : memref<2x16x160x128xi32, #tpu.memory_space<hbm>> -> memref<1x1x160x128xi32, #tpu.memory_space<hbm>>
    %dma_start3A_6 = tpu.memref_squeeze %dma_start3A_5 : memref<1x1x160x128xi32, #tpu.memory_space<hbm>> -> memref<160x128xi32, #tpu.memory_space<hbm>>
    tpu.enqueue_dma source(%dma_start3A_6 : memref<160x128xi32, #tpu.memory_space<hbm>>) target(%arg6 : memref<160x128xi32, #tpu.memory_space<vmem>>) target_semaphore(%arg10 : memref<!tpu.dma_semaphore, #tpu.memory_space<semaphore_mem>>)
    %dma_start3A_7 = arith.constant 0 : i32
    %dma_start3A_8 = arith.constant 0 : i32
    %dma_start3A_9 = tpu.memref_slice %arg4[%arg1, %dma_start3A_7, %dma_start3A_8] : memref<16x160x128xi32, #tpu.memory_space<hbm>> -> memref<1x160x128xi32, #tpu.memory_space<hbm>>
    %dma_start3A_10 = tpu.memref_squeeze %dma_start3A_9 : memref<1x160x128xi32, #tpu.memory_space<hbm>> -> memref<160x128xi32, #tpu.memory_space<hbm>>
    %dma_start3A_11 = arith.constant 0 : i32
    %dma_start3A_12 = arith.constant 0 : i32
    %dma_start3A_13 = tpu.memref_slice %arg4[%arg1, %dma_start3A_11, %dma_start3A_12] : memref<16x160x128xi32, #tpu.memory_space<hbm>> -> memref<1x160x128xi32, #tpu.memory_space<hbm>>
    %dma_start3A_14 = tpu.memref_squeeze %dma_start3A_13 : memref<1x160x128xi32, #tpu.memory_space<hbm>> -> memref<160x128xi32, #tpu.memory_space<hbm>>
    tpu.enqueue_dma source(%dma_start3A_14 : memref<160x128xi32, #tpu.memory_space<hbm>>) target(%arg7 : memref<160x128xi32, #tpu.memory_space<vmem>>) target_semaphore(%arg11 : memref<!tpu.dma_semaphore, #tpu.memory_space<semaphore_mem>>)
    %broadcast_in_dim3A = arith.constant 0.000000e+00 : f32
    %broadcast_in_dim3A_15 = vector.broadcast %broadcast_in_dim3A : f32 to vector<16xf32>
    %scan3A = arith.constant 0 : i32
    %scan3A_16 = arith.constant 0 : i32
    %scan3A_17 = arith.constant 128 : i32
    %scan3A_18 = arith.addi %scan3A_16, %scan3A_17 : i32
    %scan3A_19 = arith.constant 1 : i32
    scf.for %scan3A_141 = %scan3A_16 to %scan3A_18 step %scan3A_19  : i32 {
      %swap3A = arith.constant 0 : i32
      %swap3A_142 = arith.index_cast %swap3A : i32 to index
      %swap3A_143 = arith.index_cast %scan3A_141 : i32 to index
      %swap3A_144 = arith.constant 0 : index
      %swap3A_145 = tpu.vector_load %arg8[%swap3A_142, %swap3A_143, %swap3A_144] {strides = array<i32>} : memref<4x128x64xf32, #tpu.memory_space<vmem>>, vector<16xf32>,
      tpu.vector_store %arg8[%swap3A_142, %swap3A_143, %swap3A_144], %broadcast_in_dim3A_15 {strides = array<i32>} : memref<4x128x64xf32, #tpu.memory_space<vmem>>, vector<16xf32>,
      %swap3A_146 = arith.constant 0 : i32
      %swap3A_147 = arith.index_cast %swap3A_146 : i32 to index
      %swap3A_148 = arith.index_cast %scan3A_141 : i32 to index
      %swap3A_149 = arith.constant 16 : index
      %swap3A_150 = tpu.vector_load %arg8[%swap3A_147, %swap3A_148, %swap3A_149] {strides = array<i32>} : memref<4x128x64xf32, #tpu.memory_space<vmem>>, vector<16xf32>,
      tpu.vector_store %arg8[%swap3A_147, %swap3A_148, %swap3A_149], %broadcast_in_dim3A_15 {strides = array<i32>} : memref<4x128x64xf32, #tpu.memory_space<vmem>>, vector<16xf32>,
      %swap3A_151 = arith.constant 0 : i32
      %swap3A_152 = arith.index_cast %swap3A_151 : i32 to index
      %swap3A_153 = arith.index_cast %scan3A_141 : i32 to index
      %swap3A_154 = arith.constant 32 : index
      %swap3A_155 = tpu.vector_load %arg8[%swap3A_152, %swap3A_153, %swap3A_154] {strides = array<i32>} : memref<4x128x64xf32, #tpu.memory_space<vmem>>, vector<16xf32>,
      tpu.vector_store %arg8[%swap3A_152, %swap3A_153, %swap3A_154], %broadcast_in_dim3A_15 {strides = array<i32>} : memref<4x128x64xf32, #tpu.memory_space<vmem>>, vector<16xf32>,
      %swap3A_156 = arith.constant 0 : i32
      %swap3A_157 = arith.index_cast %swap3A_156 : i32 to index
      %swap3A_158 = arith.index_cast %scan3A_141 : i32 to index
      %swap3A_159 = arith.constant 48 : index
      %swap3A_160 = tpu.vector_load %arg8[%swap3A_157, %swap3A_158, %swap3A_159] {strides = array<i32>} : memref<4x128x64xf32, #tpu.memory_space<vmem>>, vector<16xf32>,
      tpu.vector_store %arg8[%swap3A_157, %swap3A_158, %swap3A_159], %broadcast_in_dim3A_15 {strides = array<i32>} : memref<4x128x64xf32, #tpu.memory_space<vmem>>, vector<16xf32>,
    }
    %scan3A_20 = arith.constant 128 : i32
    %dma_wait3A = arith.constant 0 : i32
    %dma_wait3A_21 = arith.constant 0 : i32
    %dma_wait3A_22 = tpu.memref_slice %arg3[%arg0, %arg1, %dma_wait3A, %dma_wait3A_21] : memref<2x16x160x128xi32, #tpu.memory_space<hbm>> -> memref<1x1x160x128xi32, #tpu.memory_space<hbm>>
    %dma_wait3A_23 = tpu.memref_squeeze %dma_wait3A_22 : memref<1x1x160x128xi32, #tpu.memory_space<hbm>> -> memref<160x128xi32, #tpu.memory_space<hbm>>
    %dma_wait3A_24 = arith.constant 0 : i32
    %dma_wait3A_25 = arith.constant 0 : i32
    %dma_wait3A_26 = tpu.memref_slice %arg3[%arg0, %arg1, %dma_wait3A_24, %dma_wait3A_25] : memref<2x16x160x128xi32, #tpu.memory_space<hbm>> -> memref<1x1x160x128xi32, #tpu.memory_space<hbm>>
    %dma_wait3A_27 = tpu.memref_squeeze %dma_wait3A_26 : memref<1x1x160x128xi32, #tpu.memory_space<hbm>> -> memref<160x128xi32, #tpu.memory_space<hbm>>
    tpu.wait_dma2 semaphore(%arg10 : memref<!tpu.dma_semaphore, #tpu.memory_space<semaphore_mem>>) src(%dma_wait3A_27 : memref<160x128xi32, #tpu.memory_space<hbm>>) dst(%arg6 : memref<160x128xi32, #tpu.memory_space<vmem>>)
    %dma_wait3A_28 = arith.constant 0 : i32
    %dma_wait3A_29 = arith.constant 0 : i32
    %dma_wait3A_30 = tpu.memref_slice %arg4[%arg1, %dma_wait3A_28, %dma_wait3A_29] : memref<16x160x128xi32, #tpu.memory_space<hbm>> -> memref<1x160x128xi32, #tpu.memory_space<hbm>>
    %dma_wait3A_31 = tpu.memref_squeeze %dma_wait3A_30 : memref<1x160x128xi32, #tpu.memory_space<hbm>> -> memref<160x128xi32, #tpu.memory_space<hbm>>
    %dma_wait3A_32 = arith.constant 0 : i32
    %dma_wait3A_33 = arith.constant 0 : i32
    %dma_wait3A_34 = tpu.memref_slice %arg4[%arg1, %dma_wait3A_32, %dma_wait3A_33] : memref<16x160x128xi32, #tpu.memory_space<hbm>> -> memref<1x160x128xi32, #tpu.memory_space<hbm>>
    %dma_wait3A_35 = tpu.memref_squeeze %dma_wait3A_34 : memref<1x160x128xi32, #tpu.memory_space<hbm>> -> memref<160x128xi32, #tpu.memory_space<hbm>>
    tpu.wait_dma2 semaphore(%arg11 : memref<!tpu.dma_semaphore, #tpu.memory_space<semaphore_mem>>) src(%dma_wait3A_35 : memref<160x128xi32, #tpu.memory_space<hbm>>) dst(%arg7 : memref<160x128xi32, #tpu.memory_space<vmem>>)
    %mul3A = arith.constant 640 : i32
    %mul3A_36 = arith.muli %arg1, %mul3A : i32
    %add3A = arith.constant 0 : i32
    %add3A_37 = arith.addi %mul3A_36, %add3A : i32
    %run_scoped3A = arith.constant 0 : i32
    "tpu.region"() ({
      %run_scoped3A_141 = tpu.sem_alloc : memref<!tpu.dma_semaphore, #tpu.memory_space<semaphore_mem>>
      %dma_start3A_142 = arith.constant 0 : i32
      %dma_start3A_143 = arith.constant 0 : i32
      %dma_start3A_144 = tpu.memref_slice %arg8[%run_scoped3A, %dma_start3A_142, %dma_start3A_143] : memref<4x128x64xf32, #tpu.memory_space<vmem>> -> memref<1x128x64xf32, #tpu.memory_space<vmem>>
      %dma_start3A_145 = tpu.memref_squeeze %dma_start3A_144 : memref<1x128x64xf32, #tpu.memory_space<vmem>> -> memref<128x64xf32, #tpu.memory_space<vmem>>
      %dma_start3A_146 = arith.constant 0 : i32
      %dma_start3A_147 = tpu.memref_slice %arg9[%add3A_37, %dma_start3A_146] : memref<10240x64xf32, #tpu.memory_space<vmem_shared>> -> memref<128x64xf32, #tpu.memory_space<vmem_shared>>
      %dma_start3A_148 = arith.constant 0 : i32
      %dma_start3A_149 = tpu.memref_slice %arg9[%add3A_37, %dma_start3A_148] : memref<10240x64xf32, #tpu.memory_space<vmem_shared>> -> memref<128x64xf32, #tpu.memory_space<vmem_shared>>
      %dma_start3A_150 = arith.constant 0 : i32
      %dma_start3A_151 = arith.constant 0 : i32
      %dma_start3A_152 = tpu.memref_slice %arg8[%run_scoped3A, %dma_start3A_150, %dma_start3A_151] : memref<4x128x64xf32, #tpu.memory_space<vmem>> -> memref<1x128x64xf32, #tpu.memory_space<vmem>>
      %dma_start3A_153 = tpu.memref_squeeze %dma_start3A_152 : memref<1x128x64xf32, #tpu.memory_space<vmem>> -> memref<128x64xf32, #tpu.memory_space<vmem>>
      tpu.enqueue_dma source(%dma_start3A_153 : memref<128x64xf32, #tpu.memory_space<vmem>>) target(%dma_start3A_149 : memref<128x64xf32, #tpu.memory_space<vmem_shared>>) target_semaphore(%run_scoped3A_141 : memref<!tpu.dma_semaphore, #tpu.memory_space<semaphore_mem>>)
      %dma_wait3A_154 = arith.constant 0 : i32
      %dma_wait3A_155 = arith.constant 0 : i32
      %dma_wait3A_156 = tpu.memref_slice %arg8[%run_scoped3A, %dma_wait3A_154, %dma_wait3A_155] : memref<4x128x64xf32, #tpu.memory_space<vmem>> -> memref<1x128x64xf32, #tpu.memory_space<vmem>>
      %dma_wait3A_157 = tpu.memref_squeeze %dma_wait3A_156 : memref<1x128x64xf32, #tpu.memory_space<vmem>> -> memref<128x64xf32, #tpu.memory_space<vmem>>
      %dma_wait3A_158 = arith.constant 0 : i32
      %dma_wait3A_159 = tpu.memref_slice %arg9[%add3A_37, %dma_wait3A_158] : memref<10240x64xf32, #tpu.memory_space<vmem_shared>> -> memref<128x64xf32, #tpu.memory_space<vmem_shared>>
      %dma_wait3A_160 = arith.constant 0 : i32
      %dma_wait3A_161 = tpu.memref_slice %arg9[%add3A_37, %dma_wait3A_160] : memref<10240x64xf32, #tpu.memory_space<vmem_shared>> -> memref<128x64xf32, #tpu.memory_space<vmem_shared>>
      %dma_wait3A_162 = arith.constant 0 : i32
      %dma_wait3A_163 = arith.constant 0 : i32
      %dma_wait3A_164 = tpu.memref_slice %arg8[%run_scoped3A, %dma_wait3A_162, %dma_wait3A_163] : memref<4x128x64xf32, #tpu.memory_space<vmem>> -> memref<1x128x64xf32, #tpu.memory_space<vmem>>
      %dma_wait3A_165 = tpu.memref_squeeze %dma_wait3A_164 : memref<1x128x64xf32, #tpu.memory_space<vmem>> -> memref<128x64xf32, #tpu.memory_space<vmem>>
      tpu.wait_dma2 semaphore(%run_scoped3A_141 : memref<!tpu.dma_semaphore, #tpu.memory_space<semaphore_mem>>) src(%dma_wait3A_165 : memref<128x64xf32, #tpu.memory_space<vmem>>) dst(%dma_wait3A_161 : memref<128x64xf32, #tpu.memory_space<vmem_shared>>)
      tpu.yield
    }) : () -> ()
    %mul3A_38 = arith.constant 640 : i32
    %mul3A_39 = arith.muli %arg1, %mul3A_38 : i32
    %add3A_40 = arith.constant 128 : i32
    %add3A_41 = arith.addi %mul3A_39, %add3A_40 : i32
    %run_scoped3A_42 = arith.constant 0 : i32
    "tpu.region"() ({
      %run_scoped3A_141 = tpu.sem_alloc : memref<!tpu.dma_semaphore, #tpu.memory_space<semaphore_mem>>
      %dma_start3A_142 = arith.constant 0 : i32
      %dma_start3A_143 = arith.constant 0 : i32
      %dma_start3A_144 = tpu.memref_slice %arg8[%run_scoped3A_42, %dma_start3A_142, %dma_start3A_143] : memref<4x128x64xf32, #tpu.memory_space<vmem>> -> memref<1x128x64xf32, #tpu.memory_space<vmem>>
      %dma_start3A_145 = tpu.memref_squeeze %dma_start3A_144 : memref<1x128x64xf32, #tpu.memory_space<vmem>> -> memref<128x64xf32, #tpu.memory_space<vmem>>
      %dma_start3A_146 = arith.constant 0 : i32
      %dma_start3A_147 = tpu.memref_slice %arg9[%add3A_41, %dma_start3A_146] : memref<10240x64xf32, #tpu.memory_space<vmem_shared>> -> memref<128x64xf32, #tpu.memory_space<vmem_shared>>
      %dma_start3A_148 = arith.constant 0 : i32
      %dma_start3A_149 = tpu.memref_slice %arg9[%add3A_41, %dma_start3A_148] : memref<10240x64xf32, #tpu.memory_space<vmem_shared>> -> memref<128x64xf32, #tpu.memory_space<vmem_shared>>
      %dma_start3A_150 = arith.constant 0 : i32
      %dma_start3A_151 = arith.constant 0 : i32
      %dma_start3A_152 = tpu.memref_slice %arg8[%run_scoped3A_42, %dma_start3A_150, %dma_start3A_151] : memref<4x128x64xf32, #tpu.memory_space<vmem>> -> memref<1x128x64xf32, #tpu.memory_space<vmem>>
      %dma_start3A_153 = tpu.memref_squeeze %dma_start3A_152 : memref<1x128x64xf32, #tpu.memory_space<vmem>> -> memref<128x64xf32, #tpu.memory_space<vmem>>
      tpu.enqueue_dma source(%dma_start3A_153 : memref<128x64xf32, #tpu.memory_space<vmem>>) target(%dma_start3A_149 : memref<128x64xf32, #tpu.memory_space<vmem_shared>>) target_semaphore(%run_scoped3A_141 : memref<!tpu.dma_semaphore, #tpu.memory_space<semaphore_mem>>)
      %dma_wait3A_154 = arith.constant 0 : i32
      %dma_wait3A_155 = arith.constant 0 : i32
      %dma_wait3A_156 = tpu.memref_slice %arg8[%run_scoped3A_42, %dma_wait3A_154, %dma_wait3A_155] : memref<4x128x64xf32, #tpu.memory_space<vmem>> -> memref<1x128x64xf32, #tpu.memory_space<vmem>>
      %dma_wait3A_157 = tpu.memref_squeeze %dma_wait3A_156 : memref<1x128x64xf32, #tpu.memory_space<vmem>> -> memref<128x64xf32, #tpu.memory_space<vmem>>
      %dma_wait3A_158 = arith.constant 0 : i32
      %dma_wait3A_159 = tpu.memref_slice %arg9[%add3A_41, %dma_wait3A_158] : memref<10240x64xf32, #tpu.memory_space<vmem_shared>> -> memref<128x64xf32, #tpu.memory_space<vmem_shared>>
      %dma_wait3A_160 = arith.constant 0 : i32
      %dma_wait3A_161 = tpu.memref_slice %arg9[%add3A_41, %dma_wait3A_160] : memref<10240x64xf32, #tpu.memory_space<vmem_shared>> -> memref<128x64xf32, #tpu.memory_space<vmem_shared>>
      %dma_wait3A_162 = arith.constant 0 : i32
      %dma_wait3A_163 = arith.constant 0 : i32
      %dma_wait3A_164 = tpu.memref_slice %arg8[%run_scoped3A_42, %dma_wait3A_162, %dma_wait3A_163] : memref<4x128x64xf32, #tpu.memory_space<vmem>> -> memref<1x128x64xf32, #tpu.memory_space<vmem>>
      %dma_wait3A_165 = tpu.memref_squeeze %dma_wait3A_164 : memref<1x128x64xf32, #tpu.memory_space<vmem>> -> memref<128x64xf32, #tpu.memory_space<vmem>>
      tpu.wait_dma2 semaphore(%run_scoped3A_141 : memref<!tpu.dma_semaphore, #tpu.memory_space<semaphore_mem>>) src(%dma_wait3A_165 : memref<128x64xf32, #tpu.memory_space<vmem>>) dst(%dma_wait3A_161 : memref<128x64xf32, #tpu.memory_space<vmem_shared>>)
      tpu.yield
    }) : () -> ()
    %mul3A_43 = arith.constant 640 : i32
    %mul3A_44 = arith.muli %arg1, %mul3A_43 : i32
    %add3A_45 = arith.constant 256 : i32
    %add3A_46 = arith.addi %mul3A_44, %add3A_45 : i32
    %run_scoped3A_47 = arith.constant 0 : i32
    "tpu.region"() ({
      %run_scoped3A_141 = tpu.sem_alloc : memref<!tpu.dma_semaphore, #tpu.memory_space<semaphore_mem>>
      %dma_start3A_142 = arith.constant 0 : i32
      %dma_start3A_143 = arith.constant 0 : i32
      %dma_start3A_144 = tpu.memref_slice %arg8[%run_scoped3A_47, %dma_start3A_142, %dma_start3A_143] : memref<4x128x64xf32, #tpu.memory_space<vmem>> -> memref<1x128x64xf32, #tpu.memory_space<vmem>>
      %dma_start3A_145 = tpu.memref_squeeze %dma_start3A_144 : memref<1x128x64xf32, #tpu.memory_space<vmem>> -> memref<128x64xf32, #tpu.memory_space<vmem>>
      %dma_start3A_146 = arith.constant 0 : i32
      %dma_start3A_147 = tpu.memref_slice %arg9[%add3A_46, %dma_start3A_146] : memref<10240x64xf32, #tpu.memory_space<vmem_shared>> -> memref<128x64xf32, #tpu.memory_space<vmem_shared>>
      %dma_start3A_148 = arith.constant 0 : i32
      %dma_start3A_149 = tpu.memref_slice %arg9[%add3A_46, %dma_start3A_148] : memref<10240x64xf32, #tpu.memory_space<vmem_shared>> -> memref<128x64xf32, #tpu.memory_space<vmem_shared>>
      %dma_start3A_150 = arith.constant 0 : i32
      %dma_start3A_151 = arith.constant 0 : i32
      %dma_start3A_152 = tpu.memref_slice %arg8[%run_scoped3A_47, %dma_start3A_150, %dma_start3A_151] : memref<4x128x64xf32, #tpu.memory_space<vmem>> -> memref<1x128x64xf32, #tpu.memory_space<vmem>>
      %dma_start3A_153 = tpu.memref_squeeze %dma_start3A_152 : memref<1x128x64xf32, #tpu.memory_space<vmem>> -> memref<128x64xf32, #tpu.memory_space<vmem>>
      tpu.enqueue_dma source(%dma_start3A_153 : memref<128x64xf32, #tpu.memory_space<vmem>>) target(%dma_start3A_149 : memref<128x64xf32, #tpu.memory_space<vmem_shared>>) target_semaphore(%run_scoped3A_141 : memref<!tpu.dma_semaphore, #tpu.memory_space<semaphore_mem>>)
      %dma_wait3A_154 = arith.constant 0 : i32
      %dma_wait3A_155 = arith.constant 0 : i32
      %dma_wait3A_156 = tpu.memref_slice %arg8[%run_scoped3A_47, %dma_wait3A_154, %dma_wait3A_155] : memref<4x128x64xf32, #tpu.memory_space<vmem>> -> memref<1x128x64xf32, #tpu.memory_space<vmem>>
      %dma_wait3A_157 = tpu.memref_squeeze %dma_wait3A_156 : memref<1x128x64xf32, #tpu.memory_space<vmem>> -> memref<128x64xf32, #tpu.memory_space<vmem>>
      %dma_wait3A_158 = arith.constant 0 : i32
      %dma_wait3A_159 = tpu.memref_slice %arg9[%add3A_46, %dma_wait3A_158] : memref<10240x64xf32, #tpu.memory_space<vmem_shared>> -> memref<128x64xf32, #tpu.memory_space<vmem_shared>>
      %dma_wait3A_160 = arith.constant 0 : i32
      %dma_wait3A_161 = tpu.memref_slice %arg9[%add3A_46, %dma_wait3A_160] : memref<10240x64xf32, #tpu.memory_space<vmem_shared>> -> memref<128x64xf32, #tpu.memory_space<vmem_shared>>
      %dma_wait3A_162 = arith.constant 0 : i32
      %dma_wait3A_163 = arith.constant 0 : i32
      %dma_wait3A_164 = tpu.memref_slice %arg8[%run_scoped3A_47, %dma_wait3A_162, %dma_wait3A_163] : memref<4x128x64xf32, #tpu.memory_space<vmem>> -> memref<1x128x64xf32, #tpu.memory_space<vmem>>
      %dma_wait3A_165 = tpu.memref_squeeze %dma_wait3A_164 : memref<1x128x64xf32, #tpu.memory_space<vmem>> -> memref<128x64xf32, #tpu.memory_space<vmem>>
      tpu.wait_dma2 semaphore(%run_scoped3A_141 : memref<!tpu.dma_semaphore, #tpu.memory_space<semaphore_mem>>) src(%dma_wait3A_165 : memref<128x64xf32, #tpu.memory_space<vmem>>) dst(%dma_wait3A_161 : memref<128x64xf32, #tpu.memory_space<vmem_shared>>)
      tpu.yield
    }) : () -> ()
    %mul3A_48 = arith.constant 640 : i32
    %mul3A_49 = arith.muli %arg1, %mul3A_48 : i32
    %add3A_50 = arith.constant 384 : i32
    %add3A_51 = arith.addi %mul3A_49, %add3A_50 : i32
    %run_scoped3A_52 = arith.constant 0 : i32
    "tpu.region"() ({
      %run_scoped3A_141 = tpu.sem_alloc : memref<!tpu.dma_semaphore, #tpu.memory_space<semaphore_mem>>
      %dma_start3A_142 = arith.constant 0 : i32
      %dma_start3A_143 = arith.constant 0 : i32
      %dma_start3A_144 = tpu.memref_slice %arg8[%run_scoped3A_52, %dma_start3A_142, %dma_start3A_143] : memref<4x128x64xf32, #tpu.memory_space<vmem>> -> memref<1x128x64xf32, #tpu.memory_space<vmem>>
      %dma_start3A_145 = tpu.memref_squeeze %dma_start3A_144 : memref<1x128x64xf32, #tpu.memory_space<vmem>> -> memref<128x64xf32, #tpu.memory_space<vmem>>
      %dma_start3A_146 = arith.constant 0 : i32
      %dma_start3A_147 = tpu.memref_slice %arg9[%add3A_51, %dma_start3A_146] : memref<10240x64xf32, #tpu.memory_space<vmem_shared>> -> memref<128x64xf32, #tpu.memory_space<vmem_shared>>
      %dma_start3A_148 = arith.constant 0 : i32
      %dma_start3A_149 = tpu.memref_slice %arg9[%add3A_51, %dma_start3A_148] : memref<10240x64xf32, #tpu.memory_space<vmem_shared>> -> memref<128x64xf32, #tpu.memory_space<vmem_shared>>
      %dma_start3A_150 = arith.constant 0 : i32
      %dma_start3A_151 = arith.constant 0 : i32
      %dma_start3A_152 = tpu.memref_slice %arg8[%run_scoped3A_52, %dma_start3A_150, %dma_start3A_151] : memref<4x128x64xf32, #tpu.memory_space<vmem>> -> memref<1x128x64xf32, #tpu.memory_space<vmem>>
      %dma_start3A_153 = tpu.memref_squeeze %dma_start3A_152 : memref<1x128x64xf32, #tpu.memory_space<vmem>> -> memref<128x64xf32, #tpu.memory_space<vmem>>
      tpu.enqueue_dma source(%dma_start3A_153 : memref<128x64xf32, #tpu.memory_space<vmem>>) target(%dma_start3A_149 : memref<128x64xf32, #tpu.memory_space<vmem_shared>>) target_semaphore(%run_scoped3A_141 : memref<!tpu.dma_semaphore, #tpu.memory_space<semaphore_mem>>)
      %dma_wait3A_154 = arith.constant 0 : i32
      %dma_wait3A_155 = arith.constant 0 : i32
      %dma_wait3A_156 = tpu.memref_slice %arg8[%run_scoped3A_52, %dma_wait3A_154, %dma_wait3A_155] : memref<4x128x64xf32, #tpu.memory_space<vmem>> -> memref<1x128x64xf32, #tpu.memory_space<vmem>>
      %dma_wait3A_157 = tpu.memref_squeeze %dma_wait3A_156 : memref<1x128x64xf32, #tpu.memory_space<vmem>> -> memref<128x64xf32, #tpu.memory_space<vmem>>
      %dma_wait3A_158 = arith.constant 0 : i32
      %dma_wait3A_159 = tpu.memref_slice %arg9[%add3A_51, %dma_wait3A_158] : memref<10240x64xf32, #tpu.memory_space<vmem_shared>> -> memref<128x64xf32, #tpu.memory_space<vmem_shared>>
      %dma_wait3A_160 = arith.constant 0 : i32
      %dma_wait3A_161 = tpu.memref_slice %arg9[%add3A_51, %dma_wait3A_160] : memref<10240x64xf32, #tpu.memory_space<vmem_shared>> -> memref<128x64xf32, #tpu.memory_space<vmem_shared>>
      %dma_wait3A_162 = arith.constant 0 : i32
      %dma_wait3A_163 = arith.constant 0 : i32
      %dma_wait3A_164 = tpu.memref_slice %arg8[%run_scoped3A_52, %dma_wait3A_162, %dma_wait3A_163] : memref<4x128x64xf32, #tpu.memory_space<vmem>> -> memref<1x128x64xf32, #tpu.memory_space<vmem>>
      %dma_wait3A_165 = tpu.memref_squeeze %dma_wait3A_164 : memref<1x128x64xf32, #tpu.memory_space<vmem>> -> memref<128x64xf32, #tpu.memory_space<vmem>>
      tpu.wait_dma2 semaphore(%run_scoped3A_141 : memref<!tpu.dma_semaphore, #tpu.memory_space<semaphore_mem>>) src(%dma_wait3A_165 : memref<128x64xf32, #tpu.memory_space<vmem>>) dst(%dma_wait3A_161 : memref<128x64xf32, #tpu.memory_space<vmem_shared>>)
      tpu.yield
    }) : () -> ()
    %mul3A_53 = arith.constant 640 : i32
    %mul3A_54 = arith.muli %arg1, %mul3A_53 : i32
    %add3A_55 = arith.constant 512 : i32
    %add3A_56 = arith.addi %mul3A_54, %add3A_55 : i32
    %run_scoped3A_57 = arith.constant 0 : i32
    "tpu.region"() ({
      %run_scoped3A_141 = tpu.sem_alloc : memref<!tpu.dma_semaphore, #tpu.memory_space<semaphore_mem>>
      %dma_start3A_142 = arith.constant 0 : i32
      %dma_start3A_143 = arith.constant 0 : i32
      %dma_start3A_144 = tpu.memref_slice %arg8[%run_scoped3A_57, %dma_start3A_142, %dma_start3A_143] : memref<4x128x64xf32, #tpu.memory_space<vmem>> -> memref<1x128x64xf32, #tpu.memory_space<vmem>>
      %dma_start3A_145 = tpu.memref_squeeze %dma_start3A_144 : memref<1x128x64xf32, #tpu.memory_space<vmem>> -> memref<128x64xf32, #tpu.memory_space<vmem>>
      %dma_start3A_146 = arith.constant 0 : i32
      %dma_start3A_147 = tpu.memref_slice %arg9[%add3A_56, %dma_start3A_146] : memref<10240x64xf32, #tpu.memory_space<vmem_shared>> -> memref<128x64xf32, #tpu.memory_space<vmem_shared>>
      %dma_start3A_148 = arith.constant 0 : i32
      %dma_start3A_149 = tpu.memref_slice %arg9[%add3A_56, %dma_start3A_148] : memref<10240x64xf32, #tpu.memory_space<vmem_shared>> -> memref<128x64xf32, #tpu.memory_space<vmem_shared>>
      %dma_start3A_150 = arith.constant 0 : i32
      %dma_start3A_151 = arith.constant 0 : i32
      %dma_start3A_152 = tpu.memref_slice %arg8[%run_scoped3A_57, %dma_start3A_150, %dma_start3A_151] : memref<4x128x64xf32, #tpu.memory_space<vmem>> -> memref<1x128x64xf32, #tpu.memory_space<vmem>>
      %dma_start3A_153 = tpu.memref_squeeze %dma_start3A_152 : memref<1x128x64xf32, #tpu.memory_space<vmem>> -> memref<128x64xf32, #tpu.memory_space<vmem>>
      tpu.enqueue_dma source(%dma_start3A_153 : memref<128x64xf32, #tpu.memory_space<vmem>>) target(%dma_start3A_149 : memref<128x64xf32, #tpu.memory_space<vmem_shared>>) target_semaphore(%run_scoped3A_141 : memref<!tpu.dma_semaphore, #tpu.memory_space<semaphore_mem>>)
      %dma_wait3A_154 = arith.constant 0 : i32
      %dma_wait3A_155 = arith.constant 0 : i32
      %dma_wait3A_156 = tpu.memref_slice %arg8[%run_scoped3A_57, %dma_wait3A_154, %dma_wait3A_155] : memref<4x128x64xf32, #tpu.memory_space<vmem>> -> memref<1x128x64xf32, #tpu.memory_space<vmem>>
      %dma_wait3A_157 = tpu.memref_squeeze %dma_wait3A_156 : memref<1x128x64xf32, #tpu.memory_space<vmem>> -> memref<128x64xf32, #tpu.memory_space<vmem>>
      %dma_wait3A_158 = arith.constant 0 : i32
      %dma_wait3A_159 = tpu.memref_slice %arg9[%add3A_56, %dma_wait3A_158] : memref<10240x64xf32, #tpu.memory_space<vmem_shared>> -> memref<128x64xf32, #tpu.memory_space<vmem_shared>>
      %dma_wait3A_160 = arith.constant 0 : i32
      %dma_wait3A_161 = tpu.memref_slice %arg9[%add3A_56, %dma_wait3A_160] : memref<10240x64xf32, #tpu.memory_space<vmem_shared>> -> memref<128x64xf32, #tpu.memory_space<vmem_shared>>
      %dma_wait3A_162 = arith.constant 0 : i32
      %dma_wait3A_163 = arith.constant 0 : i32
      %dma_wait3A_164 = tpu.memref_slice %arg8[%run_scoped3A_57, %dma_wait3A_162, %dma_wait3A_163] : memref<4x128x64xf32, #tpu.memory_space<vmem>> -> memref<1x128x64xf32, #tpu.memory_space<vmem>>
      %dma_wait3A_165 = tpu.memref_squeeze %dma_wait3A_164 : memref<1x128x64xf32, #tpu.memory_space<vmem>> -> memref<128x64xf32, #tpu.memory_space<vmem>>
      tpu.wait_dma2 semaphore(%run_scoped3A_141 : memref<!tpu.dma_semaphore, #tpu.memory_space<semaphore_mem>>) src(%dma_wait3A_165 : memref<128x64xf32, #tpu.memory_space<vmem>>) dst(%dma_wait3A_161 : memref<128x64xf32, #tpu.memory_space<vmem_shared>>)
      tpu.yield
    }) : () -> ()
    %dma_start3A_58 = arith.constant 0 : i32
    %dma_start3A_59 = arith.constant 0 : i32
    %dma_start3A_60 = arith.constant 0 : i32
    %dma_start3A_61 = arith.constant 0 : i32
    %dma_start3A_62 = tpu.memref_slice %arg8[%dma_start3A_59, %dma_start3A_60, %dma_start3A_61] : memref<4x128x64xf32, #tpu.memory_space<vmem>> -> memref<1x128x64xf32, #tpu.memory_space<vmem>>
    %dma_start3A_63 = tpu.memref_squeeze %dma_start3A_62 : memref<1x128x64xf32, #tpu.memory_space<vmem>> -> memref<128x64xf32, #tpu.memory_space<vmem>>
    %dma_start3A_64 = arith.constant 0 : i32
    %dma_start3A_65 = tpu.memref_slice %arg6[%dma_start3A_58, %dma_start3A_64] : memref<160x128xi32, #tpu.memory_space<vmem>> -> memref<1x128xi32, #tpu.memory_space<vmem>>
    %dma_start3A_66 = tpu.memref_squeeze %dma_start3A_65 : memref<1x128xi32, #tpu.memory_space<vmem>> -> memref<128xi32, #tpu.memory_space<vmem>>
    %dma_start3A_67 = arith.constant 0 : i32
    %dma_start3A_68 = arith.constant 0 : i32
    %dma_start3A_69 = tpu.memref_slice %arg2[%dma_start3A_67, %dma_start3A_68] : memref<20480x64xf32, #tpu.memory_space<hbm>> -> memref<20480x64xf32, #tpu.memory_space<hbm>>
    tpu.enqueue_indirect_dma source(%dma_start3A_69 : memref<20480x64xf32, #tpu.memory_space<hbm>>) target(%dma_start3A_63 : memref<128x64xf32, #tpu.memory_space<vmem>>) offsets(%dma_start3A_66 : memref<128xi32, #tpu.memory_space<vmem>>) semaphore(%arg10 : memref<!tpu.dma_semaphore, #tpu.memory_space<semaphore_mem>>)
    %dma_start3A_70 = arith.constant 1 : i32
    %dma_start3A_71 = arith.constant 1 : i32
    %dma_start3A_72 = arith.constant 0 : i32
    %dma_start3A_73 = arith.constant 0 : i32
    %dma_start3A_74 = tpu.memref_slice %arg8[%dma_start3A_71, %dma_start3A_72, %dma_start3A_73] : memref<4x128x64xf32, #tpu.memory_space<vmem>> -> memref<1x128x64xf32, #tpu.memory_space<vmem>>
    %dma_start3A_75 = tpu.memref_squeeze %dma_start3A_74 : memref<1x128x64xf32, #tpu.memory_space<vmem>> -> memref<128x64xf32, #tpu.memory_space<vmem>>
    %dma_start3A_76 = arith.constant 0 : i32
    %dma_start3A_77 = tpu.memref_slice %arg6[%dma_start3A_70, %dma_start3A_76] : memref<160x128xi32, #tpu.memory_space<vmem>> -> memref<1x128xi32, #tpu.memory_space<vmem>>
    %dma_start3A_78 = tpu.memref_squeeze %dma_start3A_77 : memref<1x128xi32, #tpu.memory_space<vmem>> -> memref<128xi32, #tpu.memory_space<vmem>>
    %dma_start3A_79 = arith.constant 0 : i32
    %dma_start3A_80 = arith.constant 0 : i32
    %dma_start3A_81 = tpu.memref_slice %arg2[%dma_start3A_79, %dma_start3A_80] : memref<20480x64xf32, #tpu.memory_space<hbm>> -> memref<20480x64xf32, #tpu.memory_space<hbm>>
    tpu.enqueue_indirect_dma source(%dma_start3A_81 : memref<20480x64xf32, #tpu.memory_space<hbm>>) target(%dma_start3A_75 : memref<128x64xf32, #tpu.memory_space<vmem>>) offsets(%dma_start3A_78 : memref<128xi32, #tpu.memory_space<vmem>>) semaphore(%arg10 : memref<!tpu.dma_semaphore, #tpu.memory_space<semaphore_mem>>)
    %barrier3A = arith.constant 0 : index
    tpu.barrier barrier_id(%barrier3A)
    %scan3A_82 = arith.constant 0 : i32
    %scan3A_83 = arith.constant 0 : i32
    %scan3A_84 = arith.constant 40 : i32
    %scan3A_85 = arith.addi %scan3A_83, %scan3A_84 : i32
    %scan3A_86 = arith.constant 1 : i32
    scf.for %scan3A_141 = %scan3A_83 to %scan3A_85 step %scan3A_86  : i32 {
      %mul3A_142 = arith.constant 2 : i32
      %mul3A_143 = arith.muli %mul3A_142, %scan3A_141 : i32
      %add3A_144 = arith.constant 0 : i32
      %add3A_145 = arith.addi %mul3A_143, %add3A_144 : i32
      %add3A_146 = arith.constant 1 : i32
      %add3A_147 = arith.addi %add3A_145, %add3A_146 : i32
      %lt3A = arith.constant 80 : i32
      %lt3A_148 = arith.cmpi slt, %add3A_147, %lt3A : i32
      %ge3A = arith.constant 1 : i32
      %ge3A_149 = arith.cmpi sge, %add3A_145, %ge3A : i32
      %and3A = arith.andi %lt3A_148, %ge3A_149 : i1
      %convert_element_type3A = arith.extui %and3A : i1 to i32
      %cond3A = arith.constant 0 : i32
      %cond3A_150 = arith.cmpi ne, %convert_element_type3A, %cond3A : i32
      scf.if %cond3A_150 {
        %sub3A = arith.constant 1 : i32
        %sub3A_295 = arith.subi %add3A_145, %sub3A : i32
        %mul3A_296 = arith.constant 2 : i32
        %mul3A_297 = arith.muli %sub3A_295, %mul3A_296 : i32
        %add3A_298 = arith.constant 0 : i32
        %add3A_299 = arith.addi %mul3A_297, %add3A_298 : i32
        %dma_wait3A_300 = arith.constant 2 : i32
        %dma_wait3A_301 = arith.constant 0 : i32
        %dma_wait3A_302 = arith.constant 0 : i32
        %dma_wait3A_303 = tpu.memref_slice %arg8[%dma_wait3A_300, %dma_wait3A_301, %dma_wait3A_302] : memref<4x128x64xf32, #tpu.memory_space<vmem>> -> memref<1x128x64xf32, #tpu.memory_space<vmem>>
        %dma_wait3A_304 = tpu.memref_squeeze %dma_wait3A_303 : memref<1x128x64xf32, #tpu.memory_space<vmem>> -> memref<128x64xf32, #tpu.memory_space<vmem>>
        %dma_wait3A_305 = arith.constant 0 : i32
        %dma_wait3A_306 = tpu.memref_slice %arg7[%add3A_299, %dma_wait3A_305] : memref<160x128xi32, #tpu.memory_space<vmem>> -> memref<1x128xi32, #tpu.memory_space<vmem>>
        %dma_wait3A_307 = tpu.memref_squeeze %dma_wait3A_306 : memref<1x128xi32, #tpu.memory_space<vmem>> -> memref<128xi32, #tpu.memory_space<vmem>>
        %dma_wait3A_308 = arith.constant 0 : i32
        %dma_wait3A_309 = arith.constant 0 : i32
        %dma_wait3A_310 = tpu.memref_slice %arg9[%dma_wait3A_308, %dma_wait3A_309] : memref<10240x64xf32, #tpu.memory_space<vmem_shared>> -> memref<10240x64xf32, #tpu.memory_space<vmem_shared>>
        tpu.wait_indirect_dma semaphore(%arg12 : memref<!tpu.dma_semaphore, #tpu.memory_space<semaphore_mem>>) src(%dma_wait3A_304 : memref<128x64xf32, #tpu.memory_space<vmem>>) dst(%dma_wait3A_310 : memref<10240x64xf32, #tpu.memory_space<vmem_shared>>)
        %sub3A_311 = arith.constant 1 : i32
        %sub3A_312 = arith.subi %add3A_145, %sub3A_311 : i32
        %mul3A_313 = arith.constant 2 : i32
        %mul3A_314 = arith.muli %sub3A_312, %mul3A_313 : i32
        %add3A_315 = arith.constant 1 : i32
        %add3A_316 = arith.addi %mul3A_314, %add3A_315 : i32
        %dma_wait3A_317 = arith.constant 3 : i32
        %dma_wait3A_318 = arith.constant 0 : i32
        %dma_wait3A_319 = arith.constant 0 : i32
        %dma_wait3A_320 = tpu.memref_slice %arg8[%dma_wait3A_317, %dma_wait3A_318, %dma_wait3A_319] : memref<4x128x64xf32, #tpu.memory_space<vmem>> -> memref<1x128x64xf32, #tpu.memory_space<vmem>>
        %dma_wait3A_321 = tpu.memref_squeeze %dma_wait3A_320 : memref<1x128x64xf32, #tpu.memory_space<vmem>> -> memref<128x64xf32, #tpu.memory_space<vmem>>
        %dma_wait3A_322 = arith.constant 0 : i32
        %dma_wait3A_323 = tpu.memref_slice %arg7[%add3A_316, %dma_wait3A_322] : memref<160x128xi32, #tpu.memory_space<vmem>> -> memref<1x128xi32, #tpu.memory_space<vmem>>
        %dma_wait3A_324 = tpu.memref_squeeze %dma_wait3A_323 : memref<1x128xi32, #tpu.memory_space<vmem>> -> memref<128xi32, #tpu.memory_space<vmem>>
        %dma_wait3A_325 = arith.constant 0 : i32
        %dma_wait3A_326 = arith.constant 0 : i32
        %dma_wait3A_327 = tpu.memref_slice %arg9[%dma_wait3A_325, %dma_wait3A_326] : memref<10240x64xf32, #tpu.memory_space<vmem_shared>> -> memref<10240x64xf32, #tpu.memory_space<vmem_shared>>
        tpu.wait_indirect_dma semaphore(%arg12 : memref<!tpu.dma_semaphore, #tpu.memory_space<semaphore_mem>>) src(%dma_wait3A_321 : memref<128x64xf32, #tpu.memory_space<vmem>>) dst(%dma_wait3A_327 : memref<10240x64xf32, #tpu.memory_space<vmem_shared>>)
      } else {
      }
      %lt3A_151 = arith.constant 80 : i32
      %lt3A_152 = arith.cmpi slt, %add3A_147, %lt3A_151 : i32
      %convert_element_type3A_153 = arith.extui %lt3A_152 : i1 to i32
      %cond3A_154 = arith.constant 0 : i32
      %cond3A_155 = arith.cmpi ne, %convert_element_type3A_153, %cond3A_154 : i32
      scf.if %cond3A_155 {
        %mul3A_295 = arith.constant 2 : i32
        %mul3A_296 = arith.muli %add3A_147, %mul3A_295 : i32
        %add3A_297 = arith.constant 0 : i32
        %add3A_298 = arith.addi %mul3A_296, %add3A_297 : i32
        %dma_start3A_299 = arith.constant 2 : i32
        %dma_start3A_300 = arith.constant 0 : i32
        %dma_start3A_301 = arith.constant 0 : i32
        %dma_start3A_302 = tpu.memref_slice %arg8[%dma_start3A_299, %dma_start3A_300, %dma_start3A_301] : memref<4x128x64xf32, #tpu.memory_space<vmem>> -> memref<1x128x64xf32, #tpu.memory_space<vmem>>
        %dma_start3A_303 = tpu.memref_squeeze %dma_start3A_302 : memref<1x128x64xf32, #tpu.memory_space<vmem>> -> memref<128x64xf32, #tpu.memory_space<vmem>>
        %dma_start3A_304 = arith.constant 0 : i32
        %dma_start3A_305 = tpu.memref_slice %arg6[%add3A_298, %dma_start3A_304] : memref<160x128xi32, #tpu.memory_space<vmem>> -> memref<1x128xi32, #tpu.memory_space<vmem>>
        %dma_start3A_306 = tpu.memref_squeeze %dma_start3A_305 : memref<1x128xi32, #tpu.memory_space<vmem>> -> memref<128xi32, #tpu.memory_space<vmem>>
        %dma_start3A_307 = arith.constant 0 : i32
        %dma_start3A_308 = arith.constant 0 : i32
        %dma_start3A_309 = tpu.memref_slice %arg2[%dma_start3A_307, %dma_start3A_308] : memref<20480x64xf32, #tpu.memory_space<hbm>> -> memref<20480x64xf32, #tpu.memory_space<hbm>>
        tpu.enqueue_indirect_dma source(%dma_start3A_309 : memref<20480x64xf32, #tpu.memory_space<hbm>>) target(%dma_start3A_303 : memref<128x64xf32, #tpu.memory_space<vmem>>) offsets(%dma_start3A_306 : memref<128xi32, #tpu.memory_space<vmem>>) semaphore(%arg11 : memref<!tpu.dma_semaphore, #tpu.memory_space<semaphore_mem>>)
        %mul3A_310 = arith.constant 2 : i32
        %mul3A_311 = arith.muli %add3A_147, %mul3A_310 : i32
        %add3A_312 = arith.constant 1 : i32
        %add3A_313 = arith.addi %mul3A_311, %add3A_312 : i32
        %dma_start3A_314 = arith.constant 3 : i32
        %dma_start3A_315 = arith.constant 0 : i32
        %dma_start3A_316 = arith.constant 0 : i32
        %dma_start3A_317 = tpu.memref_slice %arg8[%dma_start3A_314, %dma_start3A_315, %dma_start3A_316] : memref<4x128x64xf32, #tpu.memory_space<vmem>> -> memref<1x128x64xf32, #tpu.memory_space<vmem>>
        %dma_start3A_318 = tpu.memref_squeeze %dma_start3A_317 : memref<1x128x64xf32, #tpu.memory_space<vmem>> -> memref<128x64xf32, #tpu.memory_space<vmem>>
        %dma_start3A_319 = arith.constant 0 : i32
        %dma_start3A_320 = tpu.memref_slice %arg6[%add3A_313, %dma_start3A_319] : memref<160x128xi32, #tpu.memory_space<vmem>> -> memref<1x128xi32, #tpu.memory_space<vmem>>
        %dma_start3A_321 = tpu.memref_squeeze %dma_start3A_320 : memref<1x128xi32, #tpu.memory_space<vmem>> -> memref<128xi32, #tpu.memory_space<vmem>>
        %dma_start3A_322 = arith.constant 0 : i32
        %dma_start3A_323 = arith.constant 0 : i32
        %dma_start3A_324 = tpu.memref_slice %arg2[%dma_start3A_322, %dma_start3A_323] : memref<20480x64xf32, #tpu.memory_space<hbm>> -> memref<20480x64xf32, #tpu.memory_space<hbm>>
        tpu.enqueue_indirect_dma source(%dma_start3A_324 : memref<20480x64xf32, #tpu.memory_space<hbm>>) target(%dma_start3A_318 : memref<128x64xf32, #tpu.memory_space<vmem>>) offsets(%dma_start3A_321 : memref<128xi32, #tpu.memory_space<vmem>>) semaphore(%arg11 : memref<!tpu.dma_semaphore, #tpu.memory_space<semaphore_mem>>)
      } else {
      }
      %mul3A_156 = arith.constant 2 : i32
      %mul3A_157 = arith.muli %add3A_145, %mul3A_156 : i32
      %add3A_158 = arith.constant 0 : i32
      %add3A_159 = arith.addi %mul3A_157, %add3A_158 : i32
      %dma_wait3A_160 = arith.constant 0 : i32
      %dma_wait3A_161 = arith.constant 0 : i32
      %dma_wait3A_162 = arith.constant 0 : i32
      %dma_wait3A_163 = tpu.memref_slice %arg8[%dma_wait3A_160, %dma_wait3A_161, %dma_wait3A_162] : memref<4x128x64xf32, #tpu.memory_space<vmem>> -> memref<1x128x64xf32, #tpu.memory_space<vmem>>
      %dma_wait3A_164 = tpu.memref_squeeze %dma_wait3A_163 : memref<1x128x64xf32, #tpu.memory_space<vmem>> -> memref<128x64xf32, #tpu.memory_space<vmem>>
      %dma_wait3A_165 = arith.constant 0 : i32
      %dma_wait3A_166 = tpu.memref_slice %arg6[%add3A_159, %dma_wait3A_165] : memref<160x128xi32, #tpu.memory_space<vmem>> -> memref<1x128xi32, #tpu.memory_space<vmem>>
      %dma_wait3A_167 = tpu.memref_squeeze %dma_wait3A_166 : memref<1x128xi32, #tpu.memory_space<vmem>> -> memref<128xi32, #tpu.memory_space<vmem>>
      %dma_wait3A_168 = arith.constant 0 : i32
      %dma_wait3A_169 = arith.constant 0 : i32
      %dma_wait3A_170 = tpu.memref_slice %arg2[%dma_wait3A_168, %dma_wait3A_169] : memref<20480x64xf32, #tpu.memory_space<hbm>> -> memref<20480x64xf32, #tpu.memory_space<hbm>>
      tpu.wait_indirect_dma semaphore(%arg10 : memref<!tpu.dma_semaphore, #tpu.memory_space<semaphore_mem>>) src(%dma_wait3A_170 : memref<20480x64xf32, #tpu.memory_space<hbm>>) dst(%dma_wait3A_164 : memref<128x64xf32, #tpu.memory_space<vmem>>)
      %mul3A_171 = arith.constant 2 : i32
      %mul3A_172 = arith.muli %add3A_145, %mul3A_171 : i32
      %add3A_173 = arith.constant 1 : i32
      %add3A_174 = arith.addi %mul3A_172, %add3A_173 : i32
      %dma_wait3A_175 = arith.constant 1 : i32
      %dma_wait3A_176 = arith.constant 0 : i32
      %dma_wait3A_177 = arith.constant 0 : i32
      %dma_wait3A_178 = tpu.memref_slice %arg8[%dma_wait3A_175, %dma_wait3A_176, %dma_wait3A_177] : memref<4x128x64xf32, #tpu.memory_space<vmem>> -> memref<1x128x64xf32, #tpu.memory_space<vmem>>
      %dma_wait3A_179 = tpu.memref_squeeze %dma_wait3A_178 : memref<1x128x64xf32, #tpu.memory_space<vmem>> -> memref<128x64xf32, #tpu.memory_space<vmem>>
      %dma_wait3A_180 = arith.constant 0 : i32
      %dma_wait3A_181 = tpu.memref_slice %arg6[%add3A_174, %dma_wait3A_180] : memref<160x128xi32, #tpu.memory_space<vmem>> -> memref<1x128xi32, #tpu.memory_space<vmem>>
      %dma_wait3A_182 = tpu.memref_squeeze %dma_wait3A_181 : memref<1x128xi32, #tpu.memory_space<vmem>> -> memref<128xi32, #tpu.memory_space<vmem>>
      %dma_wait3A_183 = arith.constant 0 : i32
      %dma_wait3A_184 = arith.constant 0 : i32
      %dma_wait3A_185 = tpu.memref_slice %arg2[%dma_wait3A_183, %dma_wait3A_184] : memref<20480x64xf32, #tpu.memory_space<hbm>> -> memref<20480x64xf32, #tpu.memory_space<hbm>>
      tpu.wait_indirect_dma semaphore(%arg10 : memref<!tpu.dma_semaphore, #tpu.memory_space<semaphore_mem>>) src(%dma_wait3A_185 : memref<20480x64xf32, #tpu.memory_space<hbm>>) dst(%dma_wait3A_179 : memref<128x64xf32, #tpu.memory_space<vmem>>)
      %mul3A_186 = arith.constant 2 : i32
      %mul3A_187 = arith.muli %add3A_145, %mul3A_186 : i32
      %add3A_188 = arith.constant 0 : i32
      %add3A_189 = arith.addi %mul3A_187, %add3A_188 : i32
      %dma_start3A_190 = arith.constant 0 : i32
      %dma_start3A_191 = arith.constant 0 : i32
      %dma_start3A_192 = arith.constant 0 : i32
      %dma_start3A_193 = tpu.memref_slice %arg8[%dma_start3A_190, %dma_start3A_191, %dma_start3A_192] : memref<4x128x64xf32, #tpu.memory_space<vmem>> -> memref<1x128x64xf32, #tpu.memory_space<vmem>>
      %dma_start3A_194 = tpu.memref_squeeze %dma_start3A_193 : memref<1x128x64xf32, #tpu.memory_space<vmem>> -> memref<128x64xf32, #tpu.memory_space<vmem>>
      %dma_start3A_195 = arith.constant 0 : i32
      %dma_start3A_196 = tpu.memref_slice %arg7[%add3A_189, %dma_start3A_195] : memref<160x128xi32, #tpu.memory_space<vmem>> -> memref<1x128xi32, #tpu.memory_space<vmem>>
      %dma_start3A_197 = tpu.memref_squeeze %dma_start3A_196 : memref<1x128xi32, #tpu.memory_space<vmem>> -> memref<128xi32, #tpu.memory_space<vmem>>
      %dma_start3A_198 = arith.constant 0 : i32
      %dma_start3A_199 = arith.constant 0 : i32
      %dma_start3A_200 = tpu.memref_slice %arg9[%dma_start3A_198, %dma_start3A_199] : memref<10240x64xf32, #tpu.memory_space<vmem_shared>> -> memref<10240x64xf32, #tpu.memory_space<vmem_shared>>
      tpu.enqueue_indirect_dma source(%dma_start3A_194 : memref<128x64xf32, #tpu.memory_space<vmem>>) target(%dma_start3A_200 : memref<10240x64xf32, #tpu.memory_space<vmem_shared>>) offsets(%dma_start3A_197 : memref<128xi32, #tpu.memory_space<vmem>>) semaphore(%arg12 : memref<!tpu.dma_semaphore, #tpu.memory_space<semaphore_mem>>) {add = true}
      %mul3A_201 = arith.constant 2 : i32
      %mul3A_202 = arith.muli %add3A_145, %mul3A_201 : i32
      %add3A_203 = arith.constant 1 : i32
      %add3A_204 = arith.addi %mul3A_202, %add3A_203 : i32
      %dma_start3A_205 = arith.constant 1 : i32
      %dma_start3A_206 = arith.constant 0 : i32
      %dma_start3A_207 = arith.constant 0 : i32
      %dma_start3A_208 = tpu.memref_slice %arg8[%dma_start3A_205, %dma_start3A_206, %dma_start3A_207] : memref<4x128x64xf32, #tpu.memory_space<vmem>> -> memref<1x128x64xf32, #tpu.memory_space<vmem>>
      %dma_start3A_209 = tpu.memref_squeeze %dma_start3A_208 : memref<1x128x64xf32, #tpu.memory_space<vmem>> -> memref<128x64xf32, #tpu.memory_space<vmem>>
      %dma_start3A_210 = arith.constant 0 : i32
      %dma_start3A_211 = tpu.memref_slice %arg7[%add3A_204, %dma_start3A_210] : memref<160x128xi32, #tpu.memory_space<vmem>> -> memref<1x128xi32, #tpu.memory_space<vmem>>
      %dma_start3A_212 = tpu.memref_squeeze %dma_start3A_211 : memref<1x128xi32, #tpu.memory_space<vmem>> -> memref<128xi32, #tpu.memory_space<vmem>>
      %dma_start3A_213 = arith.constant 0 : i32
      %dma_start3A_214 = arith.constant 0 : i32
      %dma_start3A_215 = tpu.memref_slice %arg9[%dma_start3A_213, %dma_start3A_214] : memref<10240x64xf32, #tpu.memory_space<vmem_shared>> -> memref<10240x64xf32, #tpu.memory_space<vmem_shared>>
      tpu.enqueue_indirect_dma source(%dma_start3A_209 : memref<128x64xf32, #tpu.memory_space<vmem>>) target(%dma_start3A_215 : memref<10240x64xf32, #tpu.memory_space<vmem_shared>>) offsets(%dma_start3A_212 : memref<128xi32, #tpu.memory_space<vmem>>) semaphore(%arg12 : memref<!tpu.dma_semaphore, #tpu.memory_space<semaphore_mem>>) {add = true}
      %mul3A_216 = arith.constant 2 : i32
      %mul3A_217 = arith.muli %mul3A_216, %scan3A_141 : i32
      %add3A_218 = arith.constant 1 : i32
      %add3A_219 = arith.addi %mul3A_217, %add3A_218 : i32
      %add3A_220 = arith.constant 1 : i32
      %add3A_221 = arith.addi %add3A_219, %add3A_220 : i32
      %lt3A_222 = arith.constant 80 : i32
      %lt3A_223 = arith.cmpi slt, %add3A_221, %lt3A_222 : i32
      %ge3A_224 = arith.constant 1 : i32
      %ge3A_225 = arith.cmpi sge, %add3A_219, %ge3A_224 : i32
      %and3A_226 = arith.andi %lt3A_223, %ge3A_225 : i1
      %convert_element_type3A_227 = arith.extui %and3A_226 : i1 to i32
      %cond3A_228 = arith.constant 0 : i32
      %cond3A_229 = arith.cmpi ne, %convert_element_type3A_227, %cond3A_228 : i32
      scf.if %cond3A_229 {
        %sub3A = arith.constant 1 : i32
        %sub3A_295 = arith.subi %add3A_219, %sub3A : i32
        %mul3A_296 = arith.constant 2 : i32
        %mul3A_297 = arith.muli %sub3A_295, %mul3A_296 : i32
        %add3A_298 = arith.constant 0 : i32
        %add3A_299 = arith.addi %mul3A_297, %add3A_298 : i32
        %dma_wait3A_300 = arith.constant 0 : i32
        %dma_wait3A_301 = arith.constant 0 : i32
        %dma_wait3A_302 = arith.constant 0 : i32
        %dma_wait3A_303 = tpu.memref_slice %arg8[%dma_wait3A_300, %dma_wait3A_301, %dma_wait3A_302] : memref<4x128x64xf32, #tpu.memory_space<vmem>> -> memref<1x128x64xf32, #tpu.memory_space<vmem>>
        %dma_wait3A_304 = tpu.memref_squeeze %dma_wait3A_303 : memref<1x128x64xf32, #tpu.memory_space<vmem>> -> memref<128x64xf32, #tpu.memory_space<vmem>>
        %dma_wait3A_305 = arith.constant 0 : i32
        %dma_wait3A_306 = tpu.memref_slice %arg7[%add3A_299, %dma_wait3A_305] : memref<160x128xi32, #tpu.memory_space<vmem>> -> memref<1x128xi32, #tpu.memory_space<vmem>>
        %dma_wait3A_307 = tpu.memref_squeeze %dma_wait3A_306 : memref<1x128xi32, #tpu.memory_space<vmem>> -> memref<128xi32, #tpu.memory_space<vmem>>
        %dma_wait3A_308 = arith.constant 0 : i32
        %dma_wait3A_309 = arith.constant 0 : i32
        %dma_wait3A_310 = tpu.memref_slice %arg9[%dma_wait3A_308, %dma_wait3A_309] : memref<10240x64xf32, #tpu.memory_space<vmem_shared>> -> memref<10240x64xf32, #tpu.memory_space<vmem_shared>>
        tpu.wait_indirect_dma semaphore(%arg12 : memref<!tpu.dma_semaphore, #tpu.memory_space<semaphore_mem>>) src(%dma_wait3A_304 : memref<128x64xf32, #tpu.memory_space<vmem>>) dst(%dma_wait3A_310 : memref<10240x64xf32, #tpu.memory_space<vmem_shared>>)
        %sub3A_311 = arith.constant 1 : i32
        %sub3A_312 = arith.subi %add3A_219, %sub3A_311 : i32
        %mul3A_313 = arith.constant 2 : i32
        %mul3A_314 = arith.muli %sub3A_312, %mul3A_313 : i32
        %add3A_315 = arith.constant 1 : i32
        %add3A_316 = arith.addi %mul3A_314, %add3A_315 : i32
        %dma_wait3A_317 = arith.constant 1 : i32
        %dma_wait3A_318 = arith.constant 0 : i32
        %dma_wait3A_319 = arith.constant 0 : i32
        %dma_wait3A_320 = tpu.memref_slice %arg8[%dma_wait3A_317, %dma_wait3A_318, %dma_wait3A_319] : memref<4x128x64xf32, #tpu.memory_space<vmem>> -> memref<1x128x64xf32, #tpu.memory_space<vmem>>
        %dma_wait3A_321 = tpu.memref_squeeze %dma_wait3A_320 : memref<1x128x64xf32, #tpu.memory_space<vmem>> -> memref<128x64xf32, #tpu.memory_space<vmem>>
        %dma_wait3A_322 = arith.constant 0 : i32
        %dma_wait3A_323 = tpu.memref_slice %arg7[%add3A_316, %dma_wait3A_322] : memref<160x128xi32, #tpu.memory_space<vmem>> -> memref<1x128xi32, #tpu.memory_space<vmem>>
        %dma_wait3A_324 = tpu.memref_squeeze %dma_wait3A_323 : memref<1x128xi32, #tpu.memory_space<vmem>> -> memref<128xi32, #tpu.memory_space<vmem>>
        %dma_wait3A_325 = arith.constant 0 : i32
        %dma_wait3A_326 = arith.constant 0 : i32
        %dma_wait3A_327 = tpu.memref_slice %arg9[%dma_wait3A_325, %dma_wait3A_326] : memref<10240x64xf32, #tpu.memory_space<vmem_shared>> -> memref<10240x64xf32, #tpu.memory_space<vmem_shared>>
        tpu.wait_indirect_dma semaphore(%arg12 : memref<!tpu.dma_semaphore, #tpu.memory_space<semaphore_mem>>) src(%dma_wait3A_321 : memref<128x64xf32, #tpu.memory_space<vmem>>) dst(%dma_wait3A_327 : memref<10240x64xf32, #tpu.memory_space<vmem_shared>>)
      } else {
      }
      %lt3A_230 = arith.constant 80 : i32
      %lt3A_231 = arith.cmpi slt, %add3A_221, %lt3A_230 : i32
      %convert_element_type3A_232 = arith.extui %lt3A_231 : i1 to i32
      %cond3A_233 = arith.constant 0 : i32
      %cond3A_234 = arith.cmpi ne, %convert_element_type3A_232, %cond3A_233 : i32
      scf.if %cond3A_234 {
        %mul3A_295 = arith.constant 2 : i32
        %mul3A_296 = arith.muli %add3A_221, %mul3A_295 : i32
        %add3A_297 = arith.constant 0 : i32
        %add3A_298 = arith.addi %mul3A_296, %add3A_297 : i32
        %dma_start3A_299 = arith.constant 0 : i32
        %dma_start3A_300 = arith.constant 0 : i32
        %dma_start3A_301 = arith.constant 0 : i32
        %dma_start3A_302 = tpu.memref_slice %arg8[%dma_start3A_299, %dma_start3A_300, %dma_start3A_301] : memref<4x128x64xf32, #tpu.memory_space<vmem>> -> memref<1x128x64xf32, #tpu.memory_space<vmem>>
        %dma_start3A_303 = tpu.memref_squeeze %dma_start3A_302 : memref<1x128x64xf32, #tpu.memory_space<vmem>> -> memref<128x64xf32, #tpu.memory_space<vmem>>
        %dma_start3A_304 = arith.constant 0 : i32
        %dma_start3A_305 = tpu.memref_slice %arg6[%add3A_298, %dma_start3A_304] : memref<160x128xi32, #tpu.memory_space<vmem>> -> memref<1x128xi32, #tpu.memory_space<vmem>>
        %dma_start3A_306 = tpu.memref_squeeze %dma_start3A_305 : memref<1x128xi32, #tpu.memory_space<vmem>> -> memref<128xi32, #tpu.memory_space<vmem>>
        %dma_start3A_307 = arith.constant 0 : i32
        %dma_start3A_308 = arith.constant 0 : i32
        %dma_start3A_309 = tpu.memref_slice %arg2[%dma_start3A_307, %dma_start3A_308] : memref<20480x64xf32, #tpu.memory_space<hbm>> -> memref<20480x64xf32, #tpu.memory_space<hbm>>
        tpu.enqueue_indirect_dma source(%dma_start3A_309 : memref<20480x64xf32, #tpu.memory_space<hbm>>) target(%dma_start3A_303 : memref<128x64xf32, #tpu.memory_space<vmem>>) offsets(%dma_start3A_306 : memref<128xi32, #tpu.memory_space<vmem>>) semaphore(%arg10 : memref<!tpu.dma_semaphore, #tpu.memory_space<semaphore_mem>>)
        %mul3A_310 = arith.constant 2 : i32
        %mul3A_311 = arith.muli %add3A_221, %mul3A_310 : i32
        %add3A_312 = arith.constant 1 : i32
        %add3A_313 = arith.addi %mul3A_311, %add3A_312 : i32
        %dma_start3A_314 = arith.constant 1 : i32
        %dma_start3A_315 = arith.constant 0 : i32
        %dma_start3A_316 = arith.constant 0 : i32
        %dma_start3A_317 = tpu.memref_slice %arg8[%dma_start3A_314, %dma_start3A_315, %dma_start3A_316] : memref<4x128x64xf32, #tpu.memory_space<vmem>> -> memref<1x128x64xf32, #tpu.memory_space<vmem>>
        %dma_start3A_318 = tpu.memref_squeeze %dma_start3A_317 : memref<1x128x64xf32, #tpu.memory_space<vmem>> -> memref<128x64xf32, #tpu.memory_space<vmem>>
        %dma_start3A_319 = arith.constant 0 : i32
        %dma_start3A_320 = tpu.memref_slice %arg6[%add3A_313, %dma_start3A_319] : memref<160x128xi32, #tpu.memory_space<vmem>> -> memref<1x128xi32, #tpu.memory_space<vmem>>
        %dma_start3A_321 = tpu.memref_squeeze %dma_start3A_320 : memref<1x128xi32, #tpu.memory_space<vmem>> -> memref<128xi32, #tpu.memory_space<vmem>>
        %dma_start3A_322 = arith.constant 0 : i32
        %dma_start3A_323 = arith.constant 0 : i32
        %dma_start3A_324 = tpu.memref_slice %arg2[%dma_start3A_322, %dma_start3A_323] : memref<20480x64xf32, #tpu.memory_space<hbm>> -> memref<20480x64xf32, #tpu.memory_space<hbm>>
        tpu.enqueue_indirect_dma source(%dma_start3A_324 : memref<20480x64xf32, #tpu.memory_space<hbm>>) target(%dma_start3A_318 : memref<128x64xf32, #tpu.memory_space<vmem>>) offsets(%dma_start3A_321 : memref<128xi32, #tpu.memory_space<vmem>>) semaphore(%arg10 : memref<!tpu.dma_semaphore, #tpu.memory_space<semaphore_mem>>)
      } else {
      }
      %mul3A_235 = arith.constant 2 : i32
      %mul3A_236 = arith.muli %add3A_219, %mul3A_235 : i32
      %add3A_237 = arith.constant 0 : i32
      %add3A_238 = arith.addi %mul3A_236, %add3A_237 : i32
      %dma_wait3A_239 = arith.constant 2 : i32
      %dma_wait3A_240 = arith.constant 0 : i32
      %dma_wait3A_241 = arith.constant 0 : i32
      %dma_wait3A_242 = tpu.memref_slice %arg8[%dma_wait3A_239, %dma_wait3A_240, %dma_wait3A_241] : memref<4x128x64xf32, #tpu.memory_space<vmem>> -> memref<1x128x64xf32, #tpu.memory_space<vmem>>
      %dma_wait3A_243 = tpu.memref_squeeze %dma_wait3A_242 : memref<1x128x64xf32, #tpu.memory_space<vmem>> -> memref<128x64xf32, #tpu.memory_space<vmem>>
      %dma_wait3A_244 = arith.constant 0 : i32
      %dma_wait3A_245 = tpu.memref_slice %arg6[%add3A_238, %dma_wait3A_244] : memref<160x128xi32, #tpu.memory_space<vmem>> -> memref<1x128xi32, #tpu.memory_space<vmem>>
      %dma_wait3A_246 = tpu.memref_squeeze %dma_wait3A_245 : memref<1x128xi32, #tpu.memory_space<vmem>> -> memref<128xi32, #tpu.memory_space<vmem>>
      %dma_wait3A_247 = arith.constant 0 : i32
      %dma_wait3A_248 = arith.constant 0 : i32
      %dma_wait3A_249 = tpu.memref_slice %arg2[%dma_wait3A_247, %dma_wait3A_248] : memref<20480x64xf32, #tpu.memory_space<hbm>> -> memref<20480x64xf32, #tpu.memory_space<hbm>>
      tpu.wait_indirect_dma semaphore(%arg11 : memref<!tpu.dma_semaphore, #tpu.memory_space<semaphore_mem>>) src(%dma_wait3A_249 : memref<20480x64xf32, #tpu.memory_space<hbm>>) dst(%dma_wait3A_243 : memref<128x64xf32, #tpu.memory_space<vmem>>)
      %mul3A_250 = arith.constant 2 : i32
      %mul3A_251 = arith.muli %add3A_219, %mul3A_250 : i32
      %add3A_252 = arith.constant 1 : i32
      %add3A_253 = arith.addi %mul3A_251, %add3A_252 : i32
      %dma_wait3A_254 = arith.constant 3 : i32
      %dma_wait3A_255 = arith.constant 0 : i32
      %dma_wait3A_256 = arith.constant 0 : i32
      %dma_wait3A_257 = tpu.memref_slice %arg8[%dma_wait3A_254, %dma_wait3A_255, %dma_wait3A_256] : memref<4x128x64xf32, #tpu.memory_space<vmem>> -> memref<1x128x64xf32, #tpu.memory_space<vmem>>
      %dma_wait3A_258 = tpu.memref_squeeze %dma_wait3A_257 : memref<1x128x64xf32, #tpu.memory_space<vmem>> -> memref<128x64xf32, #tpu.memory_space<vmem>>
      %dma_wait3A_259 = arith.constant 0 : i32
      %dma_wait3A_260 = tpu.memref_slice %arg6[%add3A_253, %dma_wait3A_259] : memref<160x128xi32, #tpu.memory_space<vmem>> -> memref<1x128xi32, #tpu.memory_space<vmem>>
      %dma_wait3A_261 = tpu.memref_squeeze %dma_wait3A_260 : memref<1x128xi32, #tpu.memory_space<vmem>> -> memref<128xi32, #tpu.memory_space<vmem>>
      %dma_wait3A_262 = arith.constant 0 : i32
      %dma_wait3A_263 = arith.constant 0 : i32
      %dma_wait3A_264 = tpu.memref_slice %arg2[%dma_wait3A_262, %dma_wait3A_263] : memref<20480x64xf32, #tpu.memory_space<hbm>> -> memref<20480x64xf32, #tpu.memory_space<hbm>>
      tpu.wait_indirect_dma semaphore(%arg11 : memref<!tpu.dma_semaphore, #tpu.memory_space<semaphore_mem>>) src(%dma_wait3A_264 : memref<20480x64xf32, #tpu.memory_space<hbm>>) dst(%dma_wait3A_258 : memref<128x64xf32, #tpu.memory_space<vmem>>)
      %mul3A_265 = arith.constant 2 : i32
      %mul3A_266 = arith.muli %add3A_219, %mul3A_265 : i32
      %add3A_267 = arith.constant 0 : i32
      %add3A_268 = arith.addi %mul3A_266, %add3A_267 : i32
      %dma_start3A_269 = arith.constant 2 : i32
      %dma_start3A_270 = arith.constant 0 : i32
      %dma_start3A_271 = arith.constant 0 : i32
      %dma_start3A_272 = tpu.memref_slice %arg8[%dma_start3A_269, %dma_start3A_270, %dma_start3A_271] : memref<4x128x64xf32, #tpu.memory_space<vmem>> -> memref<1x128x64xf32, #tpu.memory_space<vmem>>
      %dma_start3A_273 = tpu.memref_squeeze %dma_start3A_272 : memref<1x128x64xf32, #tpu.memory_space<vmem>> -> memref<128x64xf32, #tpu.memory_space<vmem>>
      %dma_start3A_274 = arith.constant 0 : i32
      %dma_start3A_275 = tpu.memref_slice %arg7[%add3A_268, %dma_start3A_274] : memref<160x128xi32, #tpu.memory_space<vmem>> -> memref<1x128xi32, #tpu.memory_space<vmem>>
      %dma_start3A_276 = tpu.memref_squeeze %dma_start3A_275 : memref<1x128xi32, #tpu.memory_space<vmem>> -> memref<128xi32, #tpu.memory_space<vmem>>
      %dma_start3A_277 = arith.constant 0 : i32
      %dma_start3A_278 = arith.constant 0 : i32
      %dma_start3A_279 = tpu.memref_slice %arg9[%dma_start3A_277, %dma_start3A_278] : memref<10240x64xf32, #tpu.memory_space<vmem_shared>> -> memref<10240x64xf32, #tpu.memory_space<vmem_shared>>
      tpu.enqueue_indirect_dma source(%dma_start3A_273 : memref<128x64xf32, #tpu.memory_space<vmem>>) target(%dma_start3A_279 : memref<10240x64xf32, #tpu.memory_space<vmem_shared>>) offsets(%dma_start3A_276 : memref<128xi32, #tpu.memory_space<vmem>>) semaphore(%arg12 : memref<!tpu.dma_semaphore, #tpu.memory_space<semaphore_mem>>) {add = true}
      %mul3A_280 = arith.constant 2 : i32
      %mul3A_281 = arith.muli %add3A_219, %mul3A_280 : i32
      %add3A_282 = arith.constant 1 : i32
      %add3A_283 = arith.addi %mul3A_281, %add3A_282 : i32
      %dma_start3A_284 = arith.constant 3 : i32
      %dma_start3A_285 = arith.constant 0 : i32
      %dma_start3A_286 = arith.constant 0 : i32
      %dma_start3A_287 = tpu.memref_slice %arg8[%dma_start3A_284, %dma_start3A_285, %dma_start3A_286] : memref<4x128x64xf32, #tpu.memory_space<vmem>> -> memref<1x128x64xf32, #tpu.memory_space<vmem>>
      %dma_start3A_288 = tpu.memref_squeeze %dma_start3A_287 : memref<1x128x64xf32, #tpu.memory_space<vmem>> -> memref<128x64xf32, #tpu.memory_space<vmem>>
      %dma_start3A_289 = arith.constant 0 : i32
      %dma_start3A_290 = tpu.memref_slice %arg7[%add3A_283, %dma_start3A_289] : memref<160x128xi32, #tpu.memory_space<vmem>> -> memref<1x128xi32, #tpu.memory_space<vmem>>
      %dma_start3A_291 = tpu.memref_squeeze %dma_start3A_290 : memref<1x128xi32, #tpu.memory_space<vmem>> -> memref<128xi32, #tpu.memory_space<vmem>>
      %dma_start3A_292 = arith.constant 0 : i32
      %dma_start3A_293 = arith.constant 0 : i32
      %dma_start3A_294 = tpu.memref_slice %arg9[%dma_start3A_292, %dma_start3A_293] : memref<10240x64xf32, #tpu.memory_space<vmem_shared>> -> memref<10240x64xf32, #tpu.memory_space<vmem_shared>>
      tpu.enqueue_indirect_dma source(%dma_start3A_288 : memref<128x64xf32, #tpu.memory_space<vmem>>) target(%dma_start3A_294 : memref<10240x64xf32, #tpu.memory_space<vmem_shared>>) offsets(%dma_start3A_291 : memref<128xi32, #tpu.memory_space<vmem>>) semaphore(%arg12 : memref<!tpu.dma_semaphore, #tpu.memory_space<semaphore_mem>>) {add = true}
    }
    %scan3A_87 = arith.constant 40 : i32
    %dma_wait3A_88 = arith.constant 0 : i32
    %dma_wait3A_89 = arith.constant 156 : i32
    %dma_wait3A_90 = arith.constant 0 : i32
    %dma_wait3A_91 = arith.constant 0 : i32
    %dma_wait3A_92 = tpu.memref_slice %arg8[%dma_wait3A_88, %dma_wait3A_90, %dma_wait3A_91] : memref<4x128x64xf32, #tpu.memory_space<vmem>> -> memref<1x128x64xf32, #tpu.memory_space<vmem>>
    %dma_wait3A_93 = tpu.memref_squeeze %dma_wait3A_92 : memref<1x128x64xf32, #tpu.memory_space<vmem>> -> memref<128x64xf32, #tpu.memory_space<vmem>>
    %dma_wait3A_94 = arith.constant 0 : i32
    %dma_wait3A_95 = tpu.memref_slice %arg7[%dma_wait3A_89, %dma_wait3A_94] : memref<160x128xi32, #tpu.memory_space<vmem>> -> memref<1x128xi32, #tpu.memory_space<vmem>>
    %dma_wait3A_96 = tpu.memref_squeeze %dma_wait3A_95 : memref<1x128xi32, #tpu.memory_space<vmem>> -> memref<128xi32, #tpu.memory_space<vmem>>
    %dma_wait3A_97 = arith.constant 0 : i32
    %dma_wait3A_98 = arith.constant 0 : i32
    %dma_wait3A_99 = tpu.memref_slice %arg9[%dma_wait3A_97, %dma_wait3A_98] : memref<10240x64xf32, #tpu.memory_space<vmem_shared>> -> memref<10240x64xf32, #tpu.memory_space<vmem_shared>>
    tpu.wait_indirect_dma semaphore(%arg12 : memref<!tpu.dma_semaphore, #tpu.memory_space<semaphore_mem>>) src(%dma_wait3A_93 : memref<128x64xf32, #tpu.memory_space<vmem>>) dst(%dma_wait3A_99 : memref<10240x64xf32, #tpu.memory_space<vmem_shared>>)
    %dma_wait3A_100 = arith.constant 1 : i32
    %dma_wait3A_101 = arith.constant 157 : i32
    %dma_wait3A_102 = arith.constant 0 : i32
    %dma_wait3A_103 = arith.constant 0 : i32
    %dma_wait3A_104 = tpu.memref_slice %arg8[%dma_wait3A_100, %dma_wait3A_102, %dma_wait3A_103] : memref<4x128x64xf32, #tpu.memory_space<vmem>> -> memref<1x128x64xf32, #tpu.memory_space<vmem>>
    %dma_wait3A_105 = tpu.memref_squeeze %dma_wait3A_104 : memref<1x128x64xf32, #tpu.memory_space<vmem>> -> memref<128x64xf32, #tpu.memory_space<vmem>>
    %dma_wait3A_106 = arith.constant 0 : i32
    %dma_wait3A_107 = tpu.memref_slice %arg7[%dma_wait3A_101, %dma_wait3A_106] : memref<160x128xi32, #tpu.memory_space<vmem>> -> memref<1x128xi32, #tpu.memory_space<vmem>>
    %dma_wait3A_108 = tpu.memref_squeeze %dma_wait3A_107 : memref<1x128xi32, #tpu.memory_space<vmem>> -> memref<128xi32, #tpu.memory_space<vmem>>
    %dma_wait3A_109 = arith.constant 0 : i32
    %dma_wait3A_110 = arith.constant 0 : i32
    %dma_wait3A_111 = tpu.memref_slice %arg9[%dma_wait3A_109, %dma_wait3A_110] : memref<10240x64xf32, #tpu.memory_space<vmem_shared>> -> memref<10240x64xf32, #tpu.memory_space<vmem_shared>>
    tpu.wait_indirect_dma semaphore(%arg12 : memref<!tpu.dma_semaphore, #tpu.memory_space<semaphore_mem>>) src(%dma_wait3A_105 : memref<128x64xf32, #tpu.memory_space<vmem>>) dst(%dma_wait3A_111 : memref<10240x64xf32, #tpu.memory_space<vmem_shared>>)
    %dma_wait3A_112 = arith.constant 2 : i32
    %dma_wait3A_113 = arith.constant 158 : i32
    %dma_wait3A_114 = arith.constant 0 : i32
    %dma_wait3A_115 = arith.constant 0 : i32
    %dma_wait3A_116 = tpu.memref_slice %arg8[%dma_wait3A_112, %dma_wait3A_114, %dma_wait3A_115] : memref<4x128x64xf32, #tpu.memory_space<vmem>> -> memref<1x128x64xf32, #tpu.memory_space<vmem>>
    %dma_wait3A_117 = tpu.memref_squeeze %dma_wait3A_116 : memref<1x128x64xf32, #tpu.memory_space<vmem>> -> memref<128x64xf32, #tpu.memory_space<vmem>>
    %dma_wait3A_118 = arith.constant 0 : i32
    %dma_wait3A_119 = tpu.memref_slice %arg7[%dma_wait3A_113, %dma_wait3A_118] : memref<160x128xi32, #tpu.memory_space<vmem>> -> memref<1x128xi32, #tpu.memory_space<vmem>>
    %dma_wait3A_120 = tpu.memref_squeeze %dma_wait3A_119 : memref<1x128xi32, #tpu.memory_space<vmem>> -> memref<128xi32, #tpu.memory_space<vmem>>
    %dma_wait3A_121 = arith.constant 0 : i32
    %dma_wait3A_122 = arith.constant 0 : i32
    %dma_wait3A_123 = tpu.memref_slice %arg9[%dma_wait3A_121, %dma_wait3A_122] : memref<10240x64xf32, #tpu.memory_space<vmem_shared>> -> memref<10240x64xf32, #tpu.memory_space<vmem_shared>>
    tpu.wait_indirect_dma semaphore(%arg12 : memref<!tpu.dma_semaphore, #tpu.memory_space<semaphore_mem>>) src(%dma_wait3A_117 : memref<128x64xf32, #tpu.memory_space<vmem>>) dst(%dma_wait3A_123 : memref<10240x64xf32, #tpu.memory_space<vmem_shared>>)
    %dma_wait3A_124 = arith.constant 3 : i32
    %dma_wait3A_125 = arith.constant 159 : i32
    %dma_wait3A_126 = arith.constant 0 : i32
    %dma_wait3A_127 = arith.constant 0 : i32
    %dma_wait3A_128 = tpu.memref_slice %arg8[%dma_wait3A_124, %dma_wait3A_126, %dma_wait3A_127] : memref<4x128x64xf32, #tpu.memory_space<vmem>> -> memref<1x128x64xf32, #tpu.memory_space<vmem>>
    %dma_wait3A_129 = tpu.memref_squeeze %dma_wait3A_128 : memref<1x128x64xf32, #tpu.memory_space<vmem>> -> memref<128x64xf32, #tpu.memory_space<vmem>>
    %dma_wait3A_130 = arith.constant 0 : i32
    %dma_wait3A_131 = tpu.memref_slice %arg7[%dma_wait3A_125, %dma_wait3A_130] : memref<160x128xi32, #tpu.memory_space<vmem>> -> memref<1x128xi32, #tpu.memory_space<vmem>>
    %dma_wait3A_132 = tpu.memref_squeeze %dma_wait3A_131 : memref<1x128xi32, #tpu.memory_space<vmem>> -> memref<128xi32, #tpu.memory_space<vmem>>
    %dma_wait3A_133 = arith.constant 0 : i32
    %dma_wait3A_134 = arith.constant 0 : i32
    %dma_wait3A_135 = tpu.memref_slice %arg9[%dma_wait3A_133, %dma_wait3A_134] : memref<10240x64xf32, #tpu.memory_space<vmem_shared>> -> memref<10240x64xf32, #tpu.memory_space<vmem_shared>>
    tpu.wait_indirect_dma semaphore(%arg12 : memref<!tpu.dma_semaphore, #tpu.memory_space<semaphore_mem>>) src(%dma_wait3A_129 : memref<128x64xf32, #tpu.memory_space<vmem>>) dst(%dma_wait3A_135 : memref<10240x64xf32, #tpu.memory_space<vmem_shared>>)
    %barrier3A_136 = arith.constant 0 : index
    tpu.barrier barrier_id(%barrier3A_136)
    %mul3A_137 = arith.constant 640 : i32
    %mul3A_138 = arith.muli %arg1, %mul3A_137 : i32
    %mul3A_139 = arith.constant 640 : i32
    %mul3A_140 = arith.muli %arg1, %mul3A_139 : i32
    "tpu.region"() ({
      %run_scoped3A_141 = tpu.sem_alloc : memref<!tpu.dma_semaphore, #tpu.memory_space<semaphore_mem>>
      %dma_start3A_142 = arith.constant 0 : i32
      %dma_start3A_143 = tpu.memref_slice %arg5[%arg0, %mul3A_140, %dma_start3A_142] : memref<2x10240x64xf32, #tpu.memory_space<hbm>> -> memref<1x640x64xf32, #tpu.memory_space<hbm>>
      %dma_start3A_144 = tpu.memref_squeeze %dma_start3A_143 : memref<1x640x64xf32, #tpu.memory_space<hbm>> -> memref<640x64xf32, #tpu.memory_space<hbm>>
      %dma_start3A_145 = arith.constant 0 : i32
      %dma_start3A_146 = tpu.memref_slice %arg9[%mul3A_138, %dma_start3A_145] : memref<10240x64xf32, #tpu.memory_space<vmem_shared>> -> memref<640x64xf32, #tpu.memory_space<vmem_shared>>
      tpu.enqueue_dma source(%dma_start3A_146 : memref<640x64xf32, #tpu.memory_space<vmem_shared>>) target(%dma_start3A_144 : memref<640x64xf32, #tpu.memory_space<hbm>>) target_semaphore(%run_scoped3A_141 : memref<!tpu.dma_semaphore, #tpu.memory_space<semaphore_mem>>)
      %dma_wait3A_147 = arith.constant 0 : i32
      %dma_wait3A_148 = tpu.memref_slice %arg5[%arg0, %mul3A_140, %dma_wait3A_147] : memref<2x10240x64xf32, #tpu.memory_space<hbm>> -> memref<1x640x64xf32, #tpu.memory_space<hbm>>
      %dma_wait3A_149 = tpu.memref_squeeze %dma_wait3A_148 : memref<1x640x64xf32, #tpu.memory_space<hbm>> -> memref<640x64xf32, #tpu.memory_space<hbm>>
      %dma_wait3A_150 = arith.constant 0 : i32
      %dma_wait3A_151 = tpu.memref_slice %arg9[%mul3A_138, %dma_wait3A_150] : memref<10240x64xf32, #tpu.memory_space<vmem_shared>> -> memref<640x64xf32, #tpu.memory_space<vmem_shared>>
      tpu.wait_dma2 semaphore(%run_scoped3A_141 : memref<!tpu.dma_semaphore, #tpu.memory_space<semaphore_mem>>) src(%dma_wait3A_151 : memref<640x64xf32, #tpu.memory_space<vmem_shared>>) dst(%dma_wait3A_149 : memref<640x64xf32, #tpu.memory_space<hbm>>)
      tpu.yield
    }) : () -> ()
    return
  }
}

module attributes {stable_mosaic.version = 14 : i64} {
  func.func @_tc1_body(%arg0: i32, %arg1: memref<1024x128xf32, #tpu.memory_space<vmem>>, %arg2: memref<128x128xf32, #tpu.memory_space<vmem>>, %arg3: memref<32x1024xf32, #tpu.memory_space<vmem>>, %arg4: memref<2x1024x64xf32, #tpu.memory_space<vmem>>) attributes {dimension_semantics = [#tpu.dimension_semantics<arbitrary>], iteration_bounds = array<i64: 10>, scalar_prefetch = 0 : i64, scratch_operands = 0 : i64, tpu.core_type = #tpu.core_type<tc>, window_params = [{transform_indices = @transform_0, window_bounds = array<i64: 1024, 128>}, {pipeline_mode = #tpu.pipeline_mode<synchronous>, transform_indices = @transform_1, window_bounds = array<i64: 128, 128>}, {transform_indices = @transform_2, window_bounds = array<i64: 32, 1024>}, {transform_indices = @transform_3, window_bounds = array<i64: 2, 1024, 64>}]} {
    %get3A = arith.constant 0 : index
    %get3A_0 = arith.constant 0 : index
    %get3A_1 = vector.load %arg1[%get3A, %get3A_0] : memref<1024x128xf32, #tpu.memory_space<vmem>>, vector<1024x128xf32>
    %get3A_2 = arith.constant 0 : index
    %get3A_3 = arith.constant 0 : index
    %get3A_4 = vector.load %arg2[%get3A_2, %get3A_3] : memref<128x128xf32, #tpu.memory_space<vmem>>, vector<128x128xf32>
    %dot_general3A = arith.constant dense<0.000000e+00> : vector<1024x128xf32>
    %dot_general3A_5 = tpu.matmul %get3A_1, %get3A_4, %dot_general3A {dimension_numbers = #tpu.dot_dimension_numbers<[1], [0], [0], [1], [0, 0, 1, 1], [], []>, transpose_lhs_hint = false} : vector<1024x128xf32>, vector<128x128xf32>, vector<1024x128xf32> -> vector<1024x128xf32>
    %get3A_6 = arith.constant 0 : index
    %get3A_7 = arith.constant 0 : index
    %get3A_8 = vector.load %arg3[%get3A_6, %get3A_7] : memref<32x1024xf32, #tpu.memory_space<vmem>>, vector<32x1024xf32>
    %broadcast_in_dim3A = arith.constant 1.000000e+00 : f32
    %broadcast_in_dim3A_9 = vector.broadcast %broadcast_in_dim3A : f32 to vector<32x1xf32>
    %dot_general3A_10 = arith.constant dense<0.000000e+00> : vector<1024x1xf32>
    %dot_general3A_11 = tpu.matmul %get3A_8, %broadcast_in_dim3A_9, %dot_general3A_10 {dimension_numbers = #tpu.dot_dimension_numbers<[0], [0], [1], [1], [0, 1, 1, 1], [], []>, transpose_lhs_hint = false} : vector<32x1024xf32>, vector<32x1xf32>, vector<1024x1xf32> -> vector<1024x1xf32>
    %add3A = arith.constant 1.000000e+00 : f32
    %add3A_12 = vector.broadcast %add3A : f32 to vector<1024x1xf32>
    %add3A_13 = arith.addf %add3A_12, %dot_general3A_11 : vector<1024x1xf32>
    %rsqrt3A = math.rsqrt %add3A_13 : vector<1024x1xf32>
    %mul3A = vector.broadcast %rsqrt3A : vector<1024x1xf32> to vector<1024x128xf32>
    %mul3A_14 = arith.mulf %dot_general3A_5, %mul3A : vector<1024x128xf32>
    %slice3A = vector.extract_strided_slice %mul3A_14 {offsets = [0, 0], sizes = [1024, 64], strides = [1, 1]} : vector<1024x128xf32> to vector<1024x64xf32>
    %swap3A = arith.constant 0 : index
    %swap3A_15 = arith.constant 0 : index
    %swap3A_16 = arith.constant 0 : index
    %swap3A_17 = vector.load %arg4[%swap3A, %swap3A_15, %swap3A_16] : memref<2x1024x64xf32, #tpu.memory_space<vmem>>, vector<1x1024x64xf32>
    %swap3A_18 = vector.shape_cast %swap3A_17 : vector<1x1024x64xf32> to vector<1024x64xf32>
    %swap3A_19 = vector.shape_cast %slice3A : vector<1024x64xf32> to vector<1x1024x64xf32>
    tpu.vector_store %arg4[%swap3A, %swap3A_15, %swap3A_16], %swap3A_19 {strides = array<i32>} : memref<2x1024x64xf32, #tpu.memory_space<vmem>>, vector<1x1024x64xf32>,
    %slice3A_20 = vector.extract_strided_slice %mul3A_14 {offsets = [0, 64], sizes = [1024, 64], strides = [1, 1]} : vector<1024x128xf32> to vector<1024x64xf32>
    %swap3A_21 = arith.constant 1 : index
    %swap3A_22 = arith.constant 0 : index
    %swap3A_23 = arith.constant 0 : index
    %swap3A_24 = vector.load %arg4[%swap3A_21, %swap3A_22, %swap3A_23] : memref<2x1024x64xf32, #tpu.memory_space<vmem>>, vector<1x1024x64xf32>
    %swap3A_25 = vector.shape_cast %swap3A_24 : vector<1x1024x64xf32> to vector<1024x64xf32>
    %swap3A_26 = vector.shape_cast %slice3A_20 : vector<1024x64xf32> to vector<1x1024x64xf32>
    tpu.vector_store %arg4[%swap3A_21, %swap3A_22, %swap3A_23], %swap3A_26 {strides = array<i32>} : memref<2x1024x64xf32, #tpu.memory_space<vmem>>, vector<1x1024x64xf32>,
    return
  }
  func.func @transform_0(%arg0: i32) -> (i32, i32) {
    %c0_i32 = arith.constant 0 : i32
    %c0_i32_0 = arith.constant 0 : i32
    return %arg0, %c0_i32 : i32, i32
  }
  func.func @transform_1(%arg0: i32) -> (i32, i32) {
    %c0_i32 = arith.constant 0 : i32
    %c0_i32_0 = arith.constant 0 : i32
    %c0_i32_1 = arith.constant 0 : i32
    return %c0_i32, %c0_i32_0 : i32, i32
  }
  func.func @transform_2(%arg0: i32) -> (i32, i32) {
    %c0_i32 = arith.constant 0 : i32
    %c0_i32_0 = arith.constant 0 : i32
    return %c0_i32, %arg0 : i32, i32
  }
  func.func @transform_3(%arg0: i32) -> (i32, i32, i32) {
    %c0_i32 = arith.constant 0 : i32
    %c0_i32_0 = arith.constant 0 : i32
    %c0_i32_1 = arith.constant 0 : i32
    return %c0_i32, %arg0, %c0_i32_0 : i32, i32, i32
  }
}

module attributes {stable_mosaic.version = 14 : i64} {
  func.func @_tc2_body(%arg0: i32, %arg1: memref<2x1024x64xf32, #tpu.memory_space<vmem>>, %arg2: memref<2x1024x64xf32, #tpu.memory_space<vmem>>, %arg3: memref<32x1024xf32, #tpu.memory_space<vmem>>, %arg4: memref<1x128xf32, #tpu.memory_space<vmem>>, %arg5: memref<128x64xf32, #tpu.memory_space<vmem>>, %arg6: memref<2x1024x32xf32, #tpu.memory_space<vmem>>) attributes {dimension_semantics = [#tpu.dimension_semantics<arbitrary>], iteration_bounds = array<i64: 10>, scalar_prefetch = 0 : i64, scratch_operands = 0 : i64, tpu.core_type = #tpu.core_type<tc>, window_params = [{transform_indices = @transform_0, window_bounds = array<i64: 2, 1024, 64>}, {transform_indices = @transform_1, window_bounds = array<i64: 2, 1024, 64>}, {transform_indices = @transform_2, window_bounds = array<i64: 32, 1024>}, {pipeline_mode = #tpu.pipeline_mode<synchronous>, transform_indices = @transform_3, window_bounds = array<i64: 1, 128>}, {pipeline_mode = #tpu.pipeline_mode<synchronous>, transform_indices = @transform_4, window_bounds = array<i64: 128, 64>}, {transform_indices = @transform_5, window_bounds = array<i64: 2, 1024, 32>}]} {
    %get3A = arith.constant 0 : index
    %get3A_0 = arith.constant 0 : index
    %get3A_1 = vector.load %arg3[%get3A, %get3A_0] : memref<32x1024xf32, #tpu.memory_space<vmem>>, vector<32x1024xf32>
    %broadcast_in_dim3A = arith.constant 1.000000e+00 : f32
    %broadcast_in_dim3A_2 = vector.broadcast %broadcast_in_dim3A : f32 to vector<32x1xf32>
    %dot_general3A = arith.constant dense<0.000000e+00> : vector<1024x1xf32>
    %dot_general3A_3 = tpu.matmul %get3A_1, %broadcast_in_dim3A_2, %dot_general3A {dimension_numbers = #tpu.dot_dimension_numbers<[0], [0], [1], [1], [0, 1, 1, 1], [], []>, transpose_lhs_hint = false} : vector<32x1024xf32>, vector<32x1xf32>, vector<1024x1xf32> -> vector<1024x1xf32>
    %add3A = arith.constant 1.000000e+00 : f32
    %add3A_4 = vector.broadcast %add3A : f32 to vector<1024x1xf32>
    %add3A_5 = arith.addf %add3A_4, %dot_general3A_3 : vector<1024x1xf32>
    %rsqrt3A = math.rsqrt %add3A_5 : vector<1024x1xf32>
    %get3A_6 = arith.constant 0 : index
    %get3A_7 = arith.constant 0 : index
    %get3A_8 = arith.constant 0 : index
    %get3A_9 = vector.load %arg1[%get3A_6, %get3A_7, %get3A_8] : memref<2x1024x64xf32, #tpu.memory_space<vmem>>, vector<1x1024x64xf32>
    %get3A_10 = vector.shape_cast %get3A_9 : vector<1x1024x64xf32> to vector<1024x64xf32>
    %get3A_11 = arith.constant 0 : index
    %get3A_12 = arith.constant 0 : index
    %get3A_13 = arith.constant 0 : index
    %get3A_14 = vector.load %arg2[%get3A_11, %get3A_12, %get3A_13] : memref<2x1024x64xf32, #tpu.memory_space<vmem>>, vector<1x1024x64xf32>
    %get3A_15 = vector.shape_cast %get3A_14 : vector<1x1024x64xf32> to vector<1024x64xf32>
    %add3A_16 = arith.addf %get3A_10, %get3A_15 : vector<1024x64xf32>
    %get3A_17 = arith.constant 1 : index
    %get3A_18 = arith.constant 0 : index
    %get3A_19 = arith.constant 0 : index
    %get3A_20 = vector.load %arg1[%get3A_17, %get3A_18, %get3A_19] : memref<2x1024x64xf32, #tpu.memory_space<vmem>>, vector<1x1024x64xf32>
    %get3A_21 = vector.shape_cast %get3A_20 : vector<1x1024x64xf32> to vector<1024x64xf32>
    %get3A_22 = arith.constant 1 : index
    %get3A_23 = arith.constant 0 : index
    %get3A_24 = arith.constant 0 : index
    %get3A_25 = vector.load %arg2[%get3A_22, %get3A_23, %get3A_24] : memref<2x1024x64xf32, #tpu.memory_space<vmem>>, vector<1x1024x64xf32>
    %get3A_26 = vector.shape_cast %get3A_25 : vector<1x1024x64xf32> to vector<1024x64xf32>
    %add3A_27 = arith.addf %get3A_21, %get3A_26 : vector<1024x64xf32>
    %concatenate3A = tpu.concatenate %add3A_16, %add3A_27 in 1 : vector<1024x64xf32>, vector<1024x64xf32> -> vector<1024x128xf32>
    %mul3A = vector.broadcast %rsqrt3A : vector<1024x1xf32> to vector<1024x128xf32>
    %mul3A_28 = arith.mulf %concatenate3A, %mul3A : vector<1024x128xf32>
    %get3A_29 = arith.constant 0 : index
    %get3A_30 = arith.constant 0 : index
    %get3A_31 = vector.load %arg4[%get3A_29, %get3A_30] : memref<1x128xf32, #tpu.memory_space<vmem>>, vector<1x128xf32>
    %add3A_32 = vector.broadcast %get3A_31 : vector<1x128xf32> to vector<1024x128xf32>
    %add3A_33 = arith.addf %mul3A_28, %add3A_32 : vector<1024x128xf32>
    %max3A = arith.constant 0.000000e+00 : f32
    %max3A_34 = vector.broadcast %max3A : f32 to vector<1024x128xf32>
    %max3A_35 = arith.maximumf %add3A_33, %max3A_34 : vector<1024x128xf32>
    %get3A_36 = arith.constant 0 : index
    %get3A_37 = arith.constant 0 : index
    %get3A_38 = vector.load %arg5[%get3A_36, %get3A_37] : memref<128x64xf32, #tpu.memory_space<vmem>>, vector<128x64xf32>
    %dot_general3A_39 = arith.constant dense<0.000000e+00> : vector<1024x64xf32>
    %dot_general3A_40 = tpu.matmul %max3A_35, %get3A_38, %dot_general3A_39 {dimension_numbers = #tpu.dot_dimension_numbers<[1], [0], [0], [1], [0, 0, 1, 1], [], []>, transpose_lhs_hint = false} : vector<1024x128xf32>, vector<128x64xf32>, vector<1024x64xf32> -> vector<1024x64xf32>
    %mul3A_41 = vector.broadcast %rsqrt3A : vector<1024x1xf32> to vector<1024x64xf32>
    %mul3A_42 = arith.mulf %dot_general3A_40, %mul3A_41 : vector<1024x64xf32>
    %slice3A = vector.extract_strided_slice %mul3A_42 {offsets = [0, 0], sizes = [1024, 32], strides = [1, 1]} : vector<1024x64xf32> to vector<1024x32xf32>
    %swap3A = arith.constant 0 : index
    %swap3A_43 = arith.constant 0 : index
    %swap3A_44 = arith.constant 0 : index
    %swap3A_45 = vector.load %arg6[%swap3A, %swap3A_43, %swap3A_44] : memref<2x1024x32xf32, #tpu.memory_space<vmem>>, vector<1x1024x32xf32>
    %swap3A_46 = vector.shape_cast %swap3A_45 : vector<1x1024x32xf32> to vector<1024x32xf32>
    %swap3A_47 = vector.shape_cast %slice3A : vector<1024x32xf32> to vector<1x1024x32xf32>
    tpu.vector_store %arg6[%swap3A, %swap3A_43, %swap3A_44], %swap3A_47 {strides = array<i32>} : memref<2x1024x32xf32, #tpu.memory_space<vmem>>, vector<1x1024x32xf32>,
    %slice3A_48 = vector.extract_strided_slice %mul3A_42 {offsets = [0, 32], sizes = [1024, 32], strides = [1, 1]} : vector<1024x64xf32> to vector<1024x32xf32>
    %swap3A_49 = arith.constant 1 : index
    %swap3A_50 = arith.constant 0 : index
    %swap3A_51 = arith.constant 0 : index
    %swap3A_52 = vector.load %arg6[%swap3A_49, %swap3A_50, %swap3A_51] : memref<2x1024x32xf32, #tpu.memory_space<vmem>>, vector<1x1024x32xf32>
    %swap3A_53 = vector.shape_cast %swap3A_52 : vector<1x1024x32xf32> to vector<1024x32xf32>
    %swap3A_54 = vector.shape_cast %slice3A_48 : vector<1024x32xf32> to vector<1x1024x32xf32>
    tpu.vector_store %arg6[%swap3A_49, %swap3A_50, %swap3A_51], %swap3A_54 {strides = array<i32>} : memref<2x1024x32xf32, #tpu.memory_space<vmem>>, vector<1x1024x32xf32>,
    return
  }
  func.func @transform_0(%arg0: i32) -> (i32, i32, i32) {
    %c0_i32 = arith.constant 0 : i32
    %c0_i32_0 = arith.constant 0 : i32
    %c0_i32_1 = arith.constant 0 : i32
    return %c0_i32, %arg0, %c0_i32_0 : i32, i32, i32
  }
  func.func @transform_1(%arg0: i32) -> (i32, i32, i32) {
    %c0_i32 = arith.constant 0 : i32
    %c0_i32_0 = arith.constant 0 : i32
    %c0_i32_1 = arith.constant 0 : i32
    return %c0_i32, %arg0, %c0_i32_0 : i32, i32, i32
  }
  func.func @transform_2(%arg0: i32) -> (i32, i32) {
    %c0_i32 = arith.constant 0 : i32
    %c0_i32_0 = arith.constant 0 : i32
    return %c0_i32, %arg0 : i32, i32
  }
  func.func @transform_3(%arg0: i32) -> (i32, i32) {
    %c0_i32 = arith.constant 0 : i32
    %c0_i32_0 = arith.constant 0 : i32
    %c0_i32_1 = arith.constant 0 : i32
    return %c0_i32, %c0_i32_0 : i32, i32
  }
  func.func @transform_4(%arg0: i32) -> (i32, i32) {
    %c0_i32 = arith.constant 0 : i32
    %c0_i32_0 = arith.constant 0 : i32
    %c0_i32_1 = arith.constant 0 : i32
    return %c0_i32, %c0_i32_0 : i32, i32
  }
  func.func @transform_5(%arg0: i32) -> (i32, i32, i32) {
    %c0_i32 = arith.constant 0 : i32
    %c0_i32_0 = arith.constant 0 : i32
    %c0_i32_1 = arith.constant 0 : i32
    return %c0_i32, %arg0, %c0_i32_0 : i32, i32, i32
  }
}

module attributes {stable_mosaic.version = 14 : i64} {
  func.func @_tc3_body(%arg0: memref<2x10240x32xf32, #tpu.memory_space<vmem>>, %arg1: memref<2x10240x32xf32, #tpu.memory_space<vmem>>, %arg2: memref<32x10240xf32, #tpu.memory_space<vmem>>, %arg3: memref<1x64xf32, #tpu.memory_space<vmem>>, %arg4: memref<1x10240xf32, #tpu.memory_space<vmem>>, %arg5: memref<1024x1xf32, #tpu.memory_space<vmem>>, %arg6: memref<1024x1xf32, #tpu.memory_space<vmem>>, %arg7: memref<64x1xf32, #tpu.memory_space<vmem>>, %arg8: memref<64x1xf32, #tpu.memory_space<vmem>>, %arg9: memref<1x1xf32, #tpu.memory_space<vmem>>, %arg10: memref<1024x1xf32, #tpu.memory_space<vmem>>) attributes {dimension_semantics = [], scalar_prefetch = 0 : i64, scratch_operands = 0 : i64, tpu.core_type = #tpu.core_type<tc>} {
    %get3A = arith.constant 0 : index
    %get3A_0 = arith.constant 0 : index
    %get3A_1 = vector.load %arg2[%get3A, %get3A_0] : memref<32x10240xf32, #tpu.memory_space<vmem>>, vector<32x10240xf32>
    %broadcast_in_dim3A = arith.constant 1.000000e+00 : f32
    %broadcast_in_dim3A_2 = vector.broadcast %broadcast_in_dim3A : f32 to vector<32x1xf32>
    %dot_general3A = arith.constant dense<0.000000e+00> : vector<10240x1xf32>
    %dot_general3A_3 = tpu.matmul %get3A_1, %broadcast_in_dim3A_2, %dot_general3A {dimension_numbers = #tpu.dot_dimension_numbers<[0], [0], [1], [1], [0, 1, 1, 1], [], []>, transpose_lhs_hint = false} : vector<32x10240xf32>, vector<32x1xf32>, vector<10240x1xf32> -> vector<10240x1xf32>
    %add3A = arith.constant 1.000000e+00 : f32
    %add3A_4 = vector.broadcast %add3A : f32 to vector<10240x1xf32>
    %add3A_5 = arith.addf %add3A_4, %dot_general3A_3 : vector<10240x1xf32>
    %rsqrt3A = math.rsqrt %add3A_5 : vector<10240x1xf32>
    %get3A_6 = arith.constant 0 : index
    %get3A_7 = arith.constant 0 : index
    %get3A_8 = arith.constant 0 : index
    %get3A_9 = vector.load %arg0[%get3A_6, %get3A_7, %get3A_8] : memref<2x10240x32xf32, #tpu.memory_space<vmem>>, vector<1x10240x32xf32>
    %get3A_10 = vector.shape_cast %get3A_9 : vector<1x10240x32xf32> to vector<10240x32xf32>
    %get3A_11 = arith.constant 0 : index
    %get3A_12 = arith.constant 0 : index
    %get3A_13 = arith.constant 0 : index
    %get3A_14 = vector.load %arg1[%get3A_11, %get3A_12, %get3A_13] : memref<2x10240x32xf32, #tpu.memory_space<vmem>>, vector<1x10240x32xf32>
    %get3A_15 = vector.shape_cast %get3A_14 : vector<1x10240x32xf32> to vector<10240x32xf32>
    %add3A_16 = arith.addf %get3A_10, %get3A_15 : vector<10240x32xf32>
    %get3A_17 = arith.constant 1 : index
    %get3A_18 = arith.constant 0 : index
    %get3A_19 = arith.constant 0 : index
    %get3A_20 = vector.load %arg0[%get3A_17, %get3A_18, %get3A_19] : memref<2x10240x32xf32, #tpu.memory_space<vmem>>, vector<1x10240x32xf32>
    %get3A_21 = vector.shape_cast %get3A_20 : vector<1x10240x32xf32> to vector<10240x32xf32>
    %get3A_22 = arith.constant 1 : index
    %get3A_23 = arith.constant 0 : index
    %get3A_24 = arith.constant 0 : index
    %get3A_25 = vector.load %arg1[%get3A_22, %get3A_23, %get3A_24] : memref<2x10240x32xf32, #tpu.memory_space<vmem>>, vector<1x10240x32xf32>
    %get3A_26 = vector.shape_cast %get3A_25 : vector<1x10240x32xf32> to vector<10240x32xf32>
    %add3A_27 = arith.addf %get3A_21, %get3A_26 : vector<10240x32xf32>
    %concatenate3A = tpu.concatenate %add3A_16, %add3A_27 in 1 : vector<10240x32xf32>, vector<10240x32xf32> -> vector<10240x64xf32>
    %mul3A = vector.broadcast %rsqrt3A : vector<10240x1xf32> to vector<10240x64xf32>
    %mul3A_28 = arith.mulf %concatenate3A, %mul3A : vector<10240x64xf32>
    %get3A_29 = arith.constant 0 : index
    %get3A_30 = arith.constant 0 : index
    %get3A_31 = vector.load %arg3[%get3A_29, %get3A_30] : memref<1x64xf32, #tpu.memory_space<vmem>>, vector<1x64xf32>
    %add3A_32 = vector.broadcast %get3A_31 : vector<1x64xf32> to vector<10240x64xf32>
    %add3A_33 = arith.addf %mul3A_28, %add3A_32 : vector<10240x64xf32>
    %iota3A = tpu.iota {dimensions = array<i32: 0>} : vector<100x10240xi32>
    %convert_element_type3A = arith.sitofp %iota3A : vector<100x10240xi32> to vector<100x10240xf32>
    %get3A_34 = arith.constant 0 : index
    %get3A_35 = arith.constant 0 : index
    %get3A_36 = vector.load %arg4[%get3A_34, %get3A_35] : memref<1x10240xf32, #tpu.memory_space<vmem>>, vector<1x10240xf32>
    %eq3A = vector.broadcast %get3A_36 : vector<1x10240xf32> to vector<100x10240xf32>
    %eq3A_37 = arith.cmpf oeq, %eq3A, %convert_element_type3A : vector<100x10240xf32>
    %convert_element_type3A_38 = arith.extui %eq3A_37 : vector<100x10240xi1> to vector<100x10240xi32>
    %convert_element_type3A_39 = arith.sitofp %convert_element_type3A_38 : vector<100x10240xi32> to vector<100x10240xf32>
    %broadcast_in_dim3A_40 = arith.constant 1.000000e+00 : f32
    %broadcast_in_dim3A_41 = vector.broadcast %broadcast_in_dim3A_40 : f32 to vector<10240x1xf32>
    %dot_general3A_42 = arith.constant dense<0.000000e+00> : vector<100x1xf32>
    %dot_general3A_43 = tpu.matmul %convert_element_type3A_39, %broadcast_in_dim3A_41, %dot_general3A_42 {dimension_numbers = #tpu.dot_dimension_numbers<[1], [0], [0], [1], [0, 0, 1, 1], [], []>, transpose_lhs_hint = false} : vector<100x10240xf32>, vector<10240x1xf32>, vector<100x1xf32> -> vector<100x1xf32>
    %dot_general3A_44 = arith.constant dense<0.000000e+00> : vector<100x64xf32>
    %dot_general3A_45 = tpu.matmul %convert_element_type3A_39, %add3A_33, %dot_general3A_44 {dimension_numbers = #tpu.dot_dimension_numbers<[1], [0], [0], [1], [0, 0, 1, 1], [], []>, transpose_lhs_hint = false} : vector<100x10240xf32>, vector<10240x64xf32>, vector<100x64xf32> -> vector<100x64xf32>
    %max3A = arith.constant 1.000000e+00 : f32
    %max3A_46 = vector.broadcast %max3A : f32 to vector<100x1xf32>
    %max3A_47 = arith.maximumf %dot_general3A_43, %max3A_46 : vector<100x1xf32>
    %div3A = vector.broadcast %max3A_47 : vector<100x1xf32> to vector<100x64xf32>
    %div3A_48 = arith.divf %dot_general3A_45, %div3A : vector<100x64xf32>
    %get3A_49 = arith.constant 0 : index
    %get3A_50 = arith.constant 0 : index
    %get3A_51 = vector.load %arg7[%get3A_49, %get3A_50] : memref<64x1xf32, #tpu.memory_space<vmem>>, vector<64x1xf32>
    %dot_general3A_52 = arith.constant dense<0.000000e+00> : vector<100x1xf32>
    %dot_general3A_53 = tpu.matmul %div3A_48, %get3A_51, %dot_general3A_52 {dimension_numbers = #tpu.dot_dimension_numbers<[1], [0], [0], [1], [0, 0, 1, 1], [], []>, transpose_lhs_hint = false} : vector<100x64xf32>, vector<64x1xf32>, vector<100x1xf32> -> vector<100x1xf32>
    %get3A_54 = arith.constant 0 : index
    %get3A_55 = arith.constant 0 : index
    %get3A_56 = vector.load %arg8[%get3A_54, %get3A_55] : memref<64x1xf32, #tpu.memory_space<vmem>>, vector<64x1xf32>
    %dot_general3A_57 = arith.constant dense<0.000000e+00> : vector<100x1xf32>
    %dot_general3A_58 = tpu.matmul %div3A_48, %get3A_56, %dot_general3A_57 {dimension_numbers = #tpu.dot_dimension_numbers<[1], [0], [0], [1], [0, 0, 1, 1], [], []>, transpose_lhs_hint = false} : vector<100x64xf32>, vector<64x1xf32>, vector<100x1xf32> -> vector<100x1xf32>
    %iota3A_59 = tpu.iota {dimensions = array<i32: 1>} : vector<1024x100xi32>
    %convert_element_type3A_60 = arith.sitofp %iota3A_59 : vector<1024x100xi32> to vector<1024x100xf32>
    %get3A_61 = arith.constant 0 : index
    %get3A_62 = arith.constant 0 : index
    %get3A_63 = vector.load %arg5[%get3A_61, %get3A_62] : memref<1024x1xf32, #tpu.memory_space<vmem>>, vector<1024x1xf32>
    %eq3A_64 = vector.broadcast %get3A_63 : vector<1024x1xf32> to vector<1024x100xf32>
    %eq3A_65 = arith.cmpf oeq, %eq3A_64, %convert_element_type3A_60 : vector<1024x100xf32>
    %convert_element_type3A_66 = arith.extui %eq3A_65 : vector<1024x100xi1> to vector<1024x100xi32>
    %convert_element_type3A_67 = arith.sitofp %convert_element_type3A_66 : vector<1024x100xi32> to vector<1024x100xf32>
    %get3A_68 = arith.constant 0 : index
    %get3A_69 = arith.constant 0 : index
    %get3A_70 = vector.load %arg6[%get3A_68, %get3A_69] : memref<1024x1xf32, #tpu.memory_space<vmem>>, vector<1024x1xf32>
    %eq3A_71 = vector.broadcast %get3A_70 : vector<1024x1xf32> to vector<1024x100xf32>
    %eq3A_72 = arith.cmpf oeq, %eq3A_71, %convert_element_type3A_60 : vector<1024x100xf32>
    %convert_element_type3A_73 = arith.extui %eq3A_72 : vector<1024x100xi1> to vector<1024x100xi32>
    %convert_element_type3A_74 = arith.sitofp %convert_element_type3A_73 : vector<1024x100xi32> to vector<1024x100xf32>
    %dot_general3A_75 = arith.constant dense<0.000000e+00> : vector<1024x1xf32>
    %dot_general3A_76 = tpu.matmul %convert_element_type3A_67, %dot_general3A_53, %dot_general3A_75 {dimension_numbers = #tpu.dot_dimension_numbers<[1], [0], [0], [1], [0, 0, 1, 1], [], []>, transpose_lhs_hint = false} : vector<1024x100xf32>, vector<100x1xf32>, vector<1024x1xf32> -> vector<1024x1xf32>
    %dot_general3A_77 = arith.constant dense<0.000000e+00> : vector<1024x1xf32>
    %dot_general3A_78 = tpu.matmul %convert_element_type3A_74, %dot_general3A_58, %dot_general3A_77 {dimension_numbers = #tpu.dot_dimension_numbers<[1], [0], [0], [1], [0, 0, 1, 1], [], []>, transpose_lhs_hint = false} : vector<1024x100xf32>, vector<100x1xf32>, vector<1024x1xf32> -> vector<1024x1xf32>
    %add3A_79 = arith.addf %dot_general3A_76, %dot_general3A_78 : vector<1024x1xf32>
    %get3A_80 = arith.constant 0 : index
    %get3A_81 = arith.constant 0 : index
    %get3A_82 = vector.load %arg9[%get3A_80, %get3A_81] : memref<1x1xf32, #tpu.memory_space<vmem>>, vector<1x1xf32>
    %add3A_83 = vector.broadcast %get3A_82 : vector<1x1xf32> to vector<1024x1xf32>
    %add3A_84 = arith.addf %add3A_79, %add3A_83 : vector<1024x1xf32>
    %neg3A = arith.constant 0.000000e+00 : f32
    %neg3A_85 = vector.broadcast %neg3A : f32 to vector<1024x1xf32>
    %neg3A_86 = arith.subf %neg3A_85, %add3A_84 : vector<1024x1xf32>
    %exp3A = math.exp %neg3A_86 : vector<1024x1xf32>
    %add3A_87 = arith.constant 1.000000e+00 : f32
    %add3A_88 = vector.broadcast %add3A_87 : f32 to vector<1024x1xf32>
    %add3A_89 = arith.addf %add3A_88, %exp3A : vector<1024x1xf32>
    %div3A_90 = arith.constant 1.000000e+00 : f32
    %div3A_91 = vector.broadcast %div3A_90 : f32 to vector<1024x1xf32>
    %div3A_92 = arith.divf %div3A_91, %add3A_89 : vector<1024x1xf32>
    %swap3A = arith.constant 0 : index
    %swap3A_93 = arith.constant 0 : index
    %swap3A_94 = vector.load %arg10[%swap3A, %swap3A_93] : memref<1024x1xf32, #tpu.memory_space<vmem>>, vector<1024x1xf32>
    tpu.vector_store %arg10[%swap3A, %swap3A_93], %div3A_92 {strides = array<i32>} : memref<1024x1xf32, #tpu.memory_space<vmem>>, vector<1024x1xf32>,
    return
  }
}

</mosaic_0001>

<sc_bundles>
// kernel: kernel.11.cloned.1.call-start
scs
__scs_entry_jumppad:
0x0: {  	(pc) =	sbr.rel $0x88, $3  }
0x1: {  	(tag) =	ssettag $0x0;
	lr =	simm.s32 $0x1  }
0x2: {  	[smem:$0x3F97] =	sst lr;
	_ =	strace $0xD0000000  }
0x3: {  	_ = 	snop  }
0x4: {  	_ = 	snop  }
0x5: {  	_ = 	snop  }
0x6: {  	_ = 	snop  }
0x7: {  	_ = 	snop  }
__scs_overlays_trampoline_lowered:
0x8: {  	[smem:$0x3FA6] =	sst s0  }
0x9: {  	[smem:$0x3FA7] =	sst s1  }
0xa: {  	[smem:$0x3FA8] =	sst s2  }
0xb: {  	[smem:$0x3FA9] =	sst s3  }
0xc: {  	[smem:$0x3FAA] =	sst s4  }
0xd: {  	[smem:$0x3FAB] =	sst s5  }
0xe: {  	[smem:$0x3FAC] =	sst s6  }
0xf: {  	[smem:$0x3FAD] =	sst s7  }
0x10: {  	[smem:$0x3FAE] =	sst s8  }
0x11: {  	[smem:$0x3FAF] =	sst s9;
	s0 =	simm.s32 @!p0 $0x0  }
0x12: {  	s1 =	sld [smem:$0x3F95];
	s0 =	simm.s32 @p0 $0x1  }
0x13: {  	[smem:$0x3FB0] =	sst s0;
	s0 =	simm.s32 @!p1 $0x0  }
0x14: {  	s2 =	sld [smem:$0x3F94];
	s0 =	simm.s32 @p1 $0x1  }
0x15: {  	[smem:$0x3FB1] =	sst s0;
	s0 =	simm.s32 @!p2 $0x0  }
0x16: {  	s3 =	sld [smem:$0x3FDB];
	s0 =	simm.s32 @p2 $0x1  }
0x17: {  	s4 =	simm.s32 $0x1BF5;
	[smem:$0x3FB3] =	sst s0  }
0x18: {  	s0 =	sld [smem:$0x3F96];
	_ =	swait.ge [sflag:s4], $0x0  }
0x19: {  	s7 =	sld [smem:$0x3F97]  }
0x1a: {  	s8 =	sadd.s32 $0xFFFFE003, lr  }
0x1b: {  	s9 =	sadd.s32 $0xFFFFFEF7, lr;
	s5 =	simm.s32 $0xFFFFFFFF;
	p2 =	slt.u32 s8, $0xFFFFF086  }
0x1c: {  	p1 =	slt.u32 s9, $0xF7A;
	s5 =	simm.s32 @!p2 $0x0  }
0x1d: {  	s5 =	simm.s32 @p1 $0x1;
	p0 =	seq.s32 s7, s2  }
0x1e: {  	s7 =	smul.u32 @!p0 $0xF7A, s2;
	p2 =	seq.s32 @!p0 s5, $0x0  }
0x1f: {  	s9 =	smul.u32 $0xF7A, s1;
	s8 =	simm.s32 @!p0 $0x1BF5;
	p2 =	por !p2, p0  }
0x20: {  	[sflag:s8] =	ssyncset.s32 @!p0 $0xFFFFF086;
	s6 =	sadd.s32 @!p0 s3, s7;
	s7 =	simm.s32 @!p0 $0x108  }
0x21: {  	s3 =	sadd.s32 s3, s9;
	s6 =	sadd.s32 @!p0 $0x88, s6;
	s7 =	simm.s32 @p2 $0x1082  }
0x22: {  	[simem:s7], [sflag:s8] =	dma.local @!p0 [hbm:s6], $0xF7A  }
0x23: {  	s9 =	sor.u32 $0xD0000000, s2;
	s6 =	simm.s32 $0x108;
	_ =	swait.ge @!p0 [sflag:s8], $0x0  }
0x24: {  	s3 =	sadd.s32 $0x88, s3;
	s6 =	simm.s32 @!p1 $0x1082;
	[sflag:s4] =	ssyncset.s32 $0xFFFFF086  }
0x25: {  	[simem:s6], [sflag:s4] =	dma.local [hbm:s3], $0xF7A  }
0x26: {  	[smem:$0x3F97] =	sst s1;
	(tag) =	ssettag s2;
	_ =	strace s9  }
0x27: {  	s1 =	sld [smem:$0x3FA7]  }
0x28: {  	s2 =	sld [smem:$0x3FA8]  }
0x29: {  	s4 =	sld [smem:$0x3FAA]  }
0x2a: {  	p0 =	seq.s32 s5, $0x0;
	s5 =	sld [smem:$0x3FAB]  }
0x2b: {  	s6 =	sld [smem:$0x3FAC]  }
0x2c: {  	s7 =	sld [smem:$0x3FAD]  }
0x2d: {  	s3 =	simm.s32 $0x108;
	s8 =	sld [smem:$0x3FAE]  }
0x2e: {  	s3 =	simm.s32 @!p0 $0x1082;
	s9 =	sld [smem:$0x3FAF]  }
0x2f: {  	lr =	sadd.s32 s0, s3;
	s0 =	sld [smem:$0x3FA6]  }
0x30: {  	s3 =	sld [smem:$0x3FA9]  }
0x31: {  	[smem:$0x3FB2] =	sst s10  }
0x32: {  	s10 =	sld [smem:$0x3FB0];
	_ =	sdelay $0x3  }
0x33: {  	p0 =	seq.s32 s10, $0x1;
	s10 =	sld [smem:$0x3FB2];
	_ =	sdelay $0x3  }
0x34: {  	[smem:$0x3FB2] =	sst s10  }
0x35: {  	s10 =	sld [smem:$0x3FB1];
	_ =	sdelay $0x3  }
0x36: {  	p1 =	seq.s32 s10, $0x1;
	s10 =	sld [smem:$0x3FB2];
	_ =	sdelay $0x3  }
0x37: {  	[smem:$0x3FB2] =	sst s10  }
0x38: {  	s10 =	sld [smem:$0x3FB3]  }
0x39: {  	_ = 	snop;
	(pc) =	sbr.ind lr, $3  }
0x3a: {  	_ = 	snop  }
0x3b: {  	_ = 	snop  }
0x3c: {  	p2 =	seq.s32 s10, $0x1;
	s10 =	sld [smem:$0x3FB2]  }
0x3d: {  	_ =	shalt  }
0x3e: {  	_ =	shalt  }
0x3f: {  	_ =	shalt  }
0x40: {  	_ =	shalt  }
0x41: {  	_ =	shalt  }
0x42: {  	_ =	shalt  }
0x43: {  	_ =	shalt  }
0x44: {  	_ =	shalt  }
0x45: {  	_ =	shalt  }
0x46: {  	_ =	shalt  }
0x47: {  	_ =	shalt  }
0x48: {  	_ =	shalt  }
0x49: {  	_ =	shalt  }
0x4a: {  	_ =	shalt  }
0x4b: {  	_ =	shalt  }
0x4c: {  	_ =	shalt  }
0x4d: {  	_ =	shalt  }
0x4e: {  	_ =	shalt  }
0x4f: {  	_ =	shalt  }
0x50: {  	_ =	shalt  }
0x51: {  	_ =	shalt  }
0x52: {  	_ =	shalt  }
0x53: {  	_ =	shalt  }
0x54: {  	_ =	shalt  }
0x55: {  	_ =	shalt  }
0x56: {  	_ =	shalt  }
0x57: {  	_ =	shalt  }
0x58: {  	_ =	shalt  }
0x59: {  	_ =	shalt  }
0x5a: {  	_ =	shalt  }
0x5b: {  	_ =	shalt  }
0x5c: {  	_ =	shalt  }
0x5d: {  	_ =	shalt  }
0x5e: {  	_ =	shalt  }
0x5f: {  	_ =	shalt  }
0x60: {  	_ =	shalt  }
0x61: {  	_ =	shalt  }
0x62: {  	_ =	shalt  }
0x63: {  	_ =	shalt  }
0x64: {  	_ =	shalt  }
0x65: {  	_ =	shalt  }
0x66: {  	_ =	shalt  }
0x67: {  	_ =	shalt  }
0x68: {  	_ =	shalt  }
0x69: {  	_ =	shalt  }
0x6a: {  	_ =	shalt  }
0x6b: {  	_ =	shalt  }
0x6c: {  	_ =	shalt  }
0x6d: {  	_ =	shalt  }
0x6e: {  	_ =	shalt  }
0x6f: {  	_ =	shalt  }
0x70: {  	_ =	shalt  }
0x71: {  	_ =	shalt  }
0x72: {  	_ =	shalt  }
0x73: {  	_ =	shalt  }
0x74: {  	_ =	shalt  }
0x75: {  	_ =	shalt  }
0x76: {  	_ =	shalt  }
0x77: {  	_ =	shalt  }
0x78: {  	_ =	shalt  }
0x79: {  	_ =	shalt  }
0x7a: {  	_ =	shalt  }
0x7b: {  	_ =	shalt  }
0x7c: {  	_ =	shalt  }
0x7d: {  	_ =	shalt  }
0x7e: {  	_ =	shalt  }
0x7f: {  	_ =	shalt  }
0x80: {  	_ =	shalt  }
0x81: {  	_ =	shalt  }
0x82: {  	_ =	shalt  }
0x83: {  	_ =	shalt  }
0x84: {  	_ =	shalt  }
0x85: {  	_ =	shalt  }
0x86: {  	_ =	shalt  }
0x87: {  	_ =	shalt  }
.Lfunc_end0:
.L_simem_size_0:
called_computation.1_lowered:
.L_overlay_start_0:
0x88: {  	s2 =	sld [smem:$0x3FD9]  }
0x89: {  	s3 =	sld [smem:$0x3FFE];
	_ =	sdelay $0x1  }
0x8a: {  	s1 =	srdreg.scid  }
0x8b: {  	s0 =	sand.u32 $0x1, s1  }
0x8c: {  	s16 =	sshll.u32 s0, $0xA;
	s2 =	sadd.s32 s3, s2  }
0x8d: {  	s2 =	sadd.s32 s2, s16  }
0x8e: {  	[smem:$0x3FBE] =	sst s2  }
0x8f: {  	_ = 	snop  }
0x90: {  	(tm) =	ssettm $0x1  }
0x91: {  	s17 =	sld [smem:$0x3FFB];
	_ =	sdelay $0x3  }
0x92: {  	_ =	strace s17  }
0x93: {  	s2 =	sld [smem:$0x3FFC];
	_ =	sdelay $0x3  }
0x94: {  	_ =	strace s2  }
0x95: {  	s2 =	sld [smem:$0x3FFD];
	_ =	sdelay $0x3  }
0x96: {  	_ =	strace s2  }
0x97: {  	_ =	strace $0x8FFFFFFF  }
0x98: {  	s18 =	sld [smem:$0x3FDB];
	_ =	sdelay $0x1  }
0x99: {  	s19 =	simm.s32 $_scs_section_size  }
0x9a: {  	s4 =	simm.s32 $_size__tile_overlayer_lowered;
	s5 =	simm.s32 $_tile_overlayer_lowered  }
0x9b: {  	s22 =	simm.s32 $0x1BFF;
	s21 =	sshll.u32 s5, $0x1;
	s2 =	sadd.s32 s19, s18  }
0x9c: {  	s6 =	simm.s32 $0x0;
	s20 =	sshll.u32 s4, $0x1;
	s4 =	sadd.s32 s21, s2  }
0x9d: {  	[timem:s6], [sflag:s22] =	dma.local [hbm:s4], s20  }
0x9e: {  	_ =	swait.ge [sflag:s22], s20  }
0x9f: {  	s3 =	ssub.s32 $0x0, s20;
	[sflag:s22] =	ssyncset.done $0x0  }
0xa0: {  	[sflag:s22] =	ssyncadd.s32 s3;
	_ =	sdelay $0x1  }
0xa1: {  	s23 =	simm.s32 $0x1B8B  }
0xa2: {  	_ =	swait.ge [sflag:s23], $0x1  }
0xa3: {  	[sflag:s23] =	ssyncset.done $0x0  }
0xa4: {  	s25 =	simm.s32 $0x1B8E;
	s24 =	sld [smem:$0x3FFE];
	[sflag:s23] =	ssyncadd.s32 $0xFFFFFFFF  }
0xa5: {  	s26 =	simm.s32 $execute0_lowered;
	[smem:$0x3FD2] =	sst s25  }
0xa6: {  	s4 =	sshll.u32 s26, $0x1;
	_ =	strace $0x80000049;
	[dreg:$0x1] =	wrdreg $0xFFFFFFFF  }
0xa7: {  	s28 =	simm.s32 $_size_execute0_lowered;
	s2 =	sadd.s32 s2, s4;
	[dreg:$0x0] =	wrdreg $0x0  }
0xa8: {  	s4 =	sshll.u32 s28, $0x1;
	[dreg:$0x2] =	wrdreg s2  }
0xa9: {  	[dreg:$0x3] =	wrdreg s4  }
0xaa: {  	[dreg:$0x4] =	wrdreg $0xC0  }
0xab: {  	_ =	task [dreg:s6], $0x5FFFF  }
0xac: {  	[dreg:$0x1] =	wrdreg $0xFFFFFFFF  }
0xad: {  	[dreg:$0x0] =	wrdreg $0x60  }
0xae: {  	[dreg:$0x2] =	wrdreg s24  }
0xaf: {  	[dreg:$0x3] =	wrdreg $0x120000  }
0xb0: {  	[dreg:$0x4] =	wrdreg $0x9  }
0xb1: {  	_ =	task.clear_ibuf [dreg:s6], $0x5FFFF;
	_ =	strace $0x90000049  }
0xb2: {  	s29 =	simm.s32 $0x9;
	_ =	strace $0x8000004B  }
0xb3: {  	_ =	swait.ge [sflag:s29], $0x1  }
0xb4: {  	[sflag:s29] =	ssyncadd.s32 $0xFFFFFFFF  }
0xb5: {  	_ =	strace $0x9000004B  }
0xb6: {  	_ =	sfence  }
0xb7: {  	s30 =	sld [smem:$0x0];
	_ =	sdelay $0x2  }
0xb8: {  	s31 =	sshll.u32 s1, $0xD;
	s1 =	sshrl.u32 s1, $0x2  }
0xb9: {  	s3 =	sand.u32 $0x4000, s31;
	s1 =	sadd.s32 s1, s30  }
0xba: {  	s0 =	sor.u32 s3, s0;
	s1 =	sshll.u32 s1, $0x11  }
0xbb: {  	s0 =	sor.u32 s1, s0  }
0xbc: {  	s0 =	sadd.s32 $0x8F2B, s0  }
0xbd: {  	[sflag:s0] =	ssyncadd.remote.s32 $0x1  }
0xbe: {  	_ =	sfence.sel $0xFFFF  }
0xbf: {  	[dreg:$0x0] =	wrdreg $0xFFFFFFFF;
	(pc) =	sbr.abs _section_cstart, $3  }
0xc0: {  	[dreg:$0x1] =	wrdreg $0xFFFFFFFF  }
0xc1: {  	_ =	task.clear_ibuf [dreg:s6], $0x2FFFF;
	_ =	strace $0x9FFFFFFF  }
0xc2: {  	(tm) =	ssettm $0x7FFFFFFF  }
0xc3: {  	_ =	shalt  }
tec
execute0_lowered:
.L_overlay_start_1:
0x0: {  	(tag) =	ssettag $0x1  }
0x1: {  	s0 =	srdreg.scid;
	s1 =	rddreg [dreg:$0x0]  }
0x2: {  	s9 =	stileid.u32;
	s2 =	rddreg [dreg:$0x1]  }
0x3: {  	s3 =	simm.s32 $0x0;
	s14 =	simm.s32 $0x5000;
	s15 =	simm.s32 $0x1  }
0x4: {  	s16 =	simm.s32 $0x2;
	s17 =	simm.s32 $0xA000;
	s18 =	simm.s32 $0x4  }
0x5: {  	s19 =	simm.s32 $0x80;
	s20 =	simm.s32 $0xC000;
	s22 =	simm.s32 $0xE000  }
0x6: {  	s24 =	simm.s32 $0x10000;
	s26 =	simm.s32 $0x3;
	s5 =	smul.u32 $0x5000, s9  }
0x7: {  	s21 =	simm.s32 $0x9E00;
	s23 =	simm.s32 $0x9E80;
	s7 =	smul.u32 $0xA000, s9  }
0x8: {  	s25 =	simm.s32 $0x9F00;
	s0 =	sand.u32 $0x1, s0;
	s9 =	smul.u32 $0x28000, s9  }
0x9: {  	s28 =	simm.s32 $0x9F80;
	s29 =	simm.s32 $0x0;
	s4 =	smul.u32 $0x50000, s0  }
0xa: {  	[smem:$0x7FF] =	sst s3;
	s8 =	smul.u32 $0xA0000, s0;
	s0 =	ssub.s32 $0x2, s0  }
0xb: {  	_ =	strace $0x8000004A;
	s30 =	sshrl.u32 s0, $0x1;
	s31 =	sshrl.u32 s9, $0x2  }
0xc: {  	s6 =	sadd.s32 s5, s4;
	s4 =	sadd.s32 $0x7A400, s1;
	s5 =	sshrl.u32 s5, $0x3  }
0xd: {  	s8 =	sadd.s32 s7, s8;
	s0 =	ssub.s32 s0, s30;
	s7 =	sadd.s32 s7, s2  }
0xe: {  	s11 =	sadd.s32 s31, s2;
	s6 =	sshrl.u32 s6, $0x3;
	s8 =	sshrl.u32 s8, $0x3  }
0xf: {  	s10 =	sadd.s32 s5, s1;
	s9 =	sadd.s32 $0x4000, s11;
	s13 =	smax.u32 s0, $0x1  }
0x10: {  	s0 =	simm.s32 $0x4F80;
	s6 =	sadd.s32 s6, s1;
	s1 =	sadd.s32 s8, s1  }
0x11: {  	s8 =	sadd.s32 $0x2000, s11;
	s5 =	sadd.s32 $0x16400, s6;
	s6 =	sadd.s32 $0x2400, s10  }
0x12: {  	v0 =	vimm.f32 $0.0e+00;
	s10 =	sadd.s32 $0x6000, s11;
	s11 =	sadd.s32 $0x8000, s11;
	s12 =	sadd.s32 $0xA2400, s1  }
.LBB2_1:
0x13: {  	[tilespmem:s3], [sflag:$0x1] =	stream.linear.gather [hbm4b:s5+s3], $0x5000, $0x38;
	[tilespmem:$0x1C000] =	vst v63  }
0x14: {  	s31 =	simm.s32 $0x100;
	s30 =	simm.s32 $0x0  }
0x15: {  	[tilespmem:s14], [sflag:$0x2] =	stream.linear.gather [hbm4b:s6+s3], $0x5000, $0x38;
	[tilespmem:$0x1C000] =	vst v63  }
.LBB2_2:
0x16: {  	p0 =	sne.s32 s31, $0x7F00;
	[tilespmem:s30+$0xA030] =	vst v0;
	s1 =	smov.u32 s31;
	s31 =	sadd.s32 $0x100, s31  }
.Ltmp0:
0x17: {  	[tilespmem:s30+$0xA020] =	vst v0;
	(pc) =	sbr.rel @p0 .LBB2_2-.Ltmp0, $3  }
0x18: {  	[tilespmem:s30+$0xA000] =	vst v0  }
0x19: {  	[tilespmem:s30+$0xA010] =	vst v0;
	_ =	sdelay $0x1  }
0x1a: {  	s30 =	sshra.s32 s1, $0x2  }
0x1b: {  	[tilespmem:s30+$0xA030] =	vst v0  }
0x1c: {  	[tilespmem:s30+$0xA020] =	vst v0  }
0x1d: {  	[tilespmem:s30+$0xA000] =	vst v0  }
0x1e: {  	[tilespmem:s30+$0xA010] =	vst v0  }
0x1f: {  	_ =	swait.ge [sflag:s15], $0x5000  }
0x20: {  	[sflag:s15] =	ssyncset.done $0x0  }
0x21: {  	[sflag:s15] =	ssyncadd.s32 $0xFFFFB000  }
0x22: {  	_ =	swait.ge [sflag:s16], $0x5000  }
0x23: {  	[sflag:s16] =	ssyncset.done $0x0  }
0x24: {  	[sflag:s16] =	ssyncadd.s32 $0xFFFFB000  }
0x25: {  	[spmem:s7] =	stream.linear.scatter [tilespmem:s17], [sflag:$0x4], $0x2000, $0x38;
	[tilespmem:$0x1C000] =	vst v63  }
0x26: {  	_ =	swait.ge [sflag:s18], $0x2000  }
0x27: {  	[sflag:s18] =	ssyncset.done $0x0  }
0x28: {  	[sflag:s18] =	ssyncadd.s32 $0xFFFFE000  }
0x29: {  	[spmem:s8] =	stream.linear.scatter [tilespmem:s17], [sflag:$0x4], $0x2000, $0x38;
	[tilespmem:$0x1C000] =	vst v63  }
0x2a: {  	_ =	swait.ge [sflag:s18], $0x2000  }
0x2b: {  	[sflag:s18] =	ssyncset.done $0x0  }
0x2c: {  	[sflag:s18] =	ssyncadd.s32 $0xFFFFE000  }
0x2d: {  	[spmem:s9] =	stream.linear.scatter [tilespmem:s17], [sflag:$0x4], $0x2000, $0x38;
	[tilespmem:$0x1C000] =	vst v63  }
0x2e: {  	_ =	swait.ge [sflag:s18], $0x2000  }
0x2f: {  	[sflag:s18] =	ssyncset.done $0x0  }
0x30: {  	[sflag:s18] =	ssyncadd.s32 $0xFFFFE000  }
0x31: {  	[spmem:s10] =	stream.linear.scatter [tilespmem:s17], [sflag:$0x4], $0x2000, $0x38;
	[tilespmem:$0x1C000] =	vst v63  }
0x32: {  	_ =	swait.ge [sflag:s18], $0x2000  }
0x33: {  	[sflag:s18] =	ssyncset.done $0x0  }
0x34: {  	[sflag:s18] =	ssyncadd.s32 $0xFFFFE000  }
0x35: {  	[spmem:s11] =	stream.linear.scatter [tilespmem:s17], [sflag:$0x4], $0x2000, $0x38;
	[tilespmem:$0x1C000] =	vst v63  }
0x36: {  	_ =	swait.ge [sflag:s18], $0x2000  }
0x37: {  	[sflag:s18] =	ssyncset.done $0x0  }
0x38: {  	s1 =	simm.s32 $0x0;
	[sflag:s18] =	ssyncadd.s32 $0xFFFFE000  }
0x39: {  	[tilespmem:s17], [sflag:$0x1] =	stream.indirect.gather [hbm4b:s4+s19], $0x40, s1, s19, $0xb8;
	[tilespmem:$0x1C000] =	vst v63  }
0x3a: {  	_ = 	snop  }
0x3b: {  	[tilespmem:s20], [sflag:$0x1] =	stream.indirect.gather [hbm4b:s4+s19], $0x40, s19, s19, $0xb8;
	[tilespmem:$0x1C000] =	vst v63  }
0x3c: {  	s1 =	simm.s32 $0x100;
	[bflag:$0x0] =	sbarrier.arrive $0xFFFF  }
0x3d: {  	[tilespmem:s22], [sflag:$0x2] =	stream.indirect.gather [hbm4b:s4+s19], $0x40, s1, s19, $0xb8;
	[tilespmem:$0x1C000] =	vst v63  }
0x3e: {  	s1 =	simm.s32 $0x180  }
0x3f: {  	[tilespmem:s24], [sflag:$0x2] =	stream.indirect.gather [hbm4b:s4+s19], $0x40, s1, s19, $0xb8;
	[tilespmem:$0x1C000] =	vst v63  }
0x40: {  	_ =	swait.ge [sflag:s15], $0x2000  }
0x41: {  	[sflag:s15] =	ssyncset.done $0x0  }
0x42: {  	[sflag:s15] =	ssyncadd.s32 $0xFFFFE000  }
0x43: {  	_ =	swait.ge [sflag:s15], $0x2000  }
0x44: {  	[sflag:s15] =	ssyncset.done $0x0  }
0x45: {  	[sflag:s15] =	ssyncadd.s32 $0xFFFFE000  }
0x46: {  	[spmem:s2] =	stream.indirect.scatter.add.f32 [tilespmem:s17], [sflag:$0x3], $0x40, s14, s19, $0xb8;
	[tilespmem:$0x1C000] =	vst v63  }
0x47: {  	s1 =	simm.s32 $0x5080  }
0x48: {  	[spmem:s2] =	stream.indirect.scatter.add.f32 [tilespmem:s20], [sflag:$0x3], $0x40, s1, s19, $0xb8;
	[tilespmem:$0x1C000] =	vst v63  }
0x49: {  	_ =	swait.ge [sflag:s26], $0x2000  }
0x4a: {  	[sflag:s26] =	ssyncset.done $0x0  }
0x4b: {  	[sflag:s26] =	ssyncadd.s32 $0xFFFFE000  }
0x4c: {  	_ =	swait.ge [sflag:s26], $0x2000  }
0x4d: {  	[sflag:s26] =	ssyncset.done $0x0  }
0x4e: {  	s1 =	simm.s32 $0x200;
	[sflag:s26] =	ssyncadd.s32 $0xFFFFE000  }
0x4f: {  	[tilespmem:s17], [sflag:$0x1] =	stream.indirect.gather [hbm4b:s4+s19], $0x40, s1, s19, $0xb8;
	[tilespmem:$0x1C000] =	vst v63  }
0x50: {  	s1 =	simm.s32 $0x280  }
0x51: {  	[tilespmem:s20], [sflag:$0x1] =	stream.indirect.gather [hbm4b:s4+s19], $0x40, s1, s19, $0xb8;
	[tilespmem:$0x1C000] =	vst v63  }
0x52: {  	_ =	swait.ge [sflag:s16], $0x2000  }
0x53: {  	[sflag:s16] =	ssyncset.done $0x0  }
0x54: {  	[sflag:s16] =	ssyncadd.s32 $0xFFFFE000  }
0x55: {  	_ =	swait.ge [sflag:s16], $0x2000  }
0x56: {  	[sflag:s16] =	ssyncset.done $0x0  }
0x57: {  	s1 =	simm.s32 $0x5100;
	[sflag:s16] =	ssyncadd.s32 $0xFFFFE000  }
0x58: {  	[spmem:s2] =	stream.indirect.scatter.add.f32 [tilespmem:s22], [sflag:$0x3], $0x40, s1, s19, $0xb8;
	[tilespmem:$0x1C000] =	vst v63  }
0x59: {  	s1 =	simm.s32 $0x5180  }
0x5a: {  	[spmem:s2] =	stream.indirect.scatter.add.f32 [tilespmem:s24], [sflag:$0x3], $0x40, s1, s19, $0xb8;
	[tilespmem:$0x1C000] =	vst v63  }
0x5b: {  	_ =	swait.ge [sflag:s26], $0x2000  }
0x5c: {  	[sflag:s26] =	ssyncset.done $0x0  }
0x5d: {  	[sflag:s26] =	ssyncadd.s32 $0xFFFFE000  }
0x5e: {  	_ =	swait.ge [sflag:s26], $0x2000  }
0x5f: {  	[sflag:s26] =	ssyncset.done $0x0  }
0x60: {  	s1 =	simm.s32 $0x300;
	[sflag:s26] =	ssyncadd.s32 $0xFFFFE000  }
0x61: {  	[tilespmem:s22], [sflag:$0x2] =	stream.indirect.gather [hbm4b:s4+s19], $0x40, s1, s19, $0xb8;
	[tilespmem:$0x1C000] =	vst v63  }
0x62: {  	s1 =	simm.s32 $0x380  }
0x63: {  	[tilespmem:s24], [sflag:$0x2] =	stream.indirect.gather [hbm4b:s4+s19], $0x40, s1, s19, $0xb8;
	[tilespmem:$0x1C000] =	vst v63  }
0x64: {  	_ =	swait.ge [sflag:s15], $0x2000  }
0x65: {  	[sflag:s15] =	ssyncset.done $0x0  }
0x66: {  	[sflag:s15] =	ssyncadd.s32 $0xFFFFE000  }
0x67: {  	_ =	swait.ge [sflag:s15], $0x2000  }
0x68: {  	[sflag:s15] =	ssyncset.done $0x0  }
0x69: {  	s1 =	simm.s32 $0x5200;
	[sflag:s15] =	ssyncadd.s32 $0xFFFFE000  }
0x6a: {  	[spmem:s2] =	stream.indirect.scatter.add.f32 [tilespmem:s17], [sflag:$0x3], $0x40, s1, s19, $0xb8;
	[tilespmem:$0x1C000] =	vst v63  }
0x6b: {  	s1 =	simm.s32 $0x5280  }
0x6c: {  	[spmem:s2] =	stream.indirect.scatter.add.f32 [tilespmem:s20], [sflag:$0x3], $0x40, s1, s19, $0xb8;
	[tilespmem:$0x1C000] =	vst v63  }
0x6d: {  	_ =	swait.ge [sflag:s26], $0x2000  }
0x6e: {  	[sflag:s26] =	ssyncset.done $0x0  }
0x6f: {  	[sflag:s26] =	ssyncadd.s32 $0xFFFFE000  }
0x70: {  	_ =	swait.ge [sflag:s26], $0x2000  }
0x71: {  	[sflag:s26] =	ssyncset.done $0x0  }
0x72: {  	s1 =	simm.s32 $0x400;
	[sflag:s26] =	ssyncadd.s32 $0xFFFFE000  }
0x73: {  	[tilespmem:s17], [sflag:$0x1] =	stream.indirect.gather [hbm4b:s4+s19], $0x40, s1, s19, $0xb8;
	[tilespmem:$0x1C000] =	vst v63  }
0x74: {  	s1 =	simm.s32 $0x480  }
0x75: {  	[tilespmem:s20], [sflag:$0x1] =	stream.indirect.gather [hbm4b:s4+s19], $0x40, s1, s19, $0xb8;
	[tilespmem:$0x1C000] =	vst v63  }
0x76: {  	_ =	swait.ge [sflag:s16], $0x2000  }
0x77: {  	[sflag:s16] =	ssyncset.done $0x0  }
0x78: {  	[sflag:s16] =	ssyncadd.s32 $0xFFFFE000  }
0x79: {  	_ =	swait.ge [sflag:s16], $0x2000  }
0x7a: {  	s30 =	simm.s32 $0x800;
	[sflag:s16] =	ssyncset.done $0x0  }
0x7b: {  	s31 =	simm.s32 $0x5380;
	s1 =	simm.s32 $0x5300;
	[sflag:s16] =	ssyncadd.s32 $0xFFFFE000  }
0x7c: {  	[spmem:s2] =	stream.indirect.scatter.add.f32 [tilespmem:s22], [sflag:$0x3], $0x40, s1, s19, $0xb8;
	[tilespmem:$0x1C000] =	vst v63  }
.LBB2_4:
0x7d: {  	[spmem:s2] =	stream.indirect.scatter.add.f32 [tilespmem:s24], [sflag:$0x3], $0x40, s31, s19, $0xb8;
	[tilespmem:$0x1C000] =	vst v63  }
0x7e: {  	s1 =	smov.u32 s30  }
0x7f: {  	p0 =	sne.s32 s30, $0x12800;
	s30 =	sadd.s32 $0x800, s30;
	_ =	swait.ge [sflag:s26], $0x2000  }
0x80: {  	[sflag:s26] =	ssyncset.done $0x0  }
0x81: {  	[sflag:s26] =	ssyncadd.s32 $0xFFFFE000  }
0x82: {  	_ =	swait.ge [sflag:s26], $0x2000  }
0x83: {  	s31 =	sshra.s32 s1, $0x2;
	[sflag:s26] =	ssyncset.done $0x0  }
0x84: {  	s1 =	sadd.s32 $0x300, s31;
	[sflag:s26] =	ssyncadd.s32 $0xFFFFE000  }
0x85: {  	[tilespmem:s22], [sflag:$0x2] =	stream.indirect.gather [hbm4b:s4+s19], $0x40, s1, s19, $0xb8;
	[tilespmem:$0x1C000] =	vst v63  }
0x86: {  	s1 =	sadd.s32 $0x380, s31  }
0x87: {  	[tilespmem:s24], [sflag:$0x2] =	stream.indirect.gather [hbm4b:s4+s19], $0x40, s1, s19, $0xb8;
	[tilespmem:$0x1C000] =	vst v63  }
0x88: {  	_ =	swait.ge [sflag:s15], $0x2000  }
0x89: {  	[sflag:s15] =	ssyncset.done $0x0  }
0x8a: {  	[sflag:s15] =	ssyncadd.s32 $0xFFFFE000  }
0x8b: {  	_ =	swait.ge [sflag:s15], $0x2000  }
0x8c: {  	[sflag:s15] =	ssyncset.done $0x0  }
0x8d: {  	s1 =	sadd.s32 $0x5200, s31;
	[sflag:s15] =	ssyncadd.s32 $0xFFFFE000  }
0x8e: {  	[spmem:s2] =	stream.indirect.scatter.add.f32 [tilespmem:s17], [sflag:$0x3], $0x40, s1, s19, $0xb8;
	[tilespmem:$0x1C000] =	vst v63  }
0x8f: {  	s1 =	sadd.s32 $0x5280, s31  }
0x90: {  	[spmem:s2] =	stream.indirect.scatter.add.f32 [tilespmem:s20], [sflag:$0x3], $0x40, s1, s19, $0xb8;
	[tilespmem:$0x1C000] =	vst v63  }
0x91: {  	_ =	swait.ge [sflag:s26], $0x2000  }
0x92: {  	[sflag:s26] =	ssyncset.done $0x0  }
0x93: {  	[sflag:s26] =	ssyncadd.s32 $0xFFFFE000  }
0x94: {  	_ =	swait.ge [sflag:s26], $0x2000  }
0x95: {  	[sflag:s26] =	ssyncset.done $0x0  }
0x96: {  	s1 =	sadd.s32 $0x400, s31;
	[sflag:s26] =	ssyncadd.s32 $0xFFFFE000  }
0x97: {  	[tilespmem:s17], [sflag:$0x1] =	stream.indirect.gather [hbm4b:s4+s19], $0x40, s1, s19, $0xb8;
	[tilespmem:$0x1C000] =	vst v63  }
0x98: {  	s1 =	sadd.s32 $0x480, s31  }
0x99: {  	[tilespmem:s20], [sflag:$0x1] =	stream.indirect.gather [hbm4b:s4+s19], $0x40, s1, s19, $0xb8;
	[tilespmem:$0x1C000] =	vst v63  }
0x9a: {  	_ =	swait.ge [sflag:s16], $0x2000  }
0x9b: {  	[sflag:s16] =	ssyncset.done $0x0  }
0x9c: {  	[sflag:s16] =	ssyncadd.s32 $0xFFFFE000  }
.Ltmp1:
0x9d: {  	_ =	swait.ge [sflag:s16], $0x2000;
	(pc) =	sbr.rel @p0 .LBB2_4-.Ltmp1, $4  }
0x9e: {  	[sflag:s16] =	ssyncset.done $0x0  }
0x9f: {  	s1 =	sadd.s32 $0x5300, s31;
	[sflag:s16] =	ssyncadd.s32 $0xFFFFE000  }
0xa0: {  	[spmem:s2] =	stream.indirect.scatter.add.f32 [tilespmem:s22], [sflag:$0x3], $0x40, s1, s19, $0xb8;
	[tilespmem:$0x1C000] =	vst v63  }
0xa1: {  	s31 =	sadd.s32 $0x5380, s31  }
0xa2: {  	[spmem:s2] =	stream.indirect.scatter.add.f32 [tilespmem:s24], [sflag:$0x3], $0x40, s31, s19, $0xb8;
	[tilespmem:$0x1C000] =	vst v63  }
0xa3: {  	_ =	swait.ge [sflag:s26], $0x2000  }
0xa4: {  	[sflag:s26] =	ssyncset.done $0x0  }
0xa5: {  	[sflag:s26] =	ssyncadd.s32 $0xFFFFE000  }
0xa6: {  	_ =	swait.ge [sflag:s26], $0x2000  }
0xa7: {  	[sflag:s26] =	ssyncset.done $0x0  }
0xa8: {  	s1 =	simm.s32 $0x4F00;
	[sflag:s26] =	ssyncadd.s32 $0xFFFFE000  }
0xa9: {  	[tilespmem:s22], [sflag:$0x2] =	stream.indirect.gather [hbm4b:s4+s19], $0x40, s1, s19, $0xb8;
	[tilespmem:$0x1C000] =	vst v63  }
0xaa: {  	_ = 	snop  }
0xab: {  	[tilespmem:s24], [sflag:$0x2] =	stream.indirect.gather [hbm4b:s4+s19], $0x40, s0, s19, $0xb8;
	[tilespmem:$0x1C000] =	vst v63  }
0xac: {  	_ =	swait.ge [sflag:s15], $0x2000  }
0xad: {  	[sflag:s15] =	ssyncset.done $0x0  }
0xae: {  	[sflag:s15] =	ssyncadd.s32 $0xFFFFE000  }
0xaf: {  	_ =	swait.ge [sflag:s15], $0x2000  }
0xb0: {  	[sflag:s15] =	ssyncset.done $0x0  }
0xb1: {  	[sflag:s15] =	ssyncadd.s32 $0xFFFFE000  }
0xb2: {  	[spmem:s2] =	stream.indirect.scatter.add.f32 [tilespmem:s17], [sflag:$0x3], $0x40, s21, s19, $0xb8;
	[tilespmem:$0x1C000] =	vst v63  }
0xb3: {  	_ = 	snop  }
0xb4: {  	[spmem:s2] =	stream.indirect.scatter.add.f32 [tilespmem:s20], [sflag:$0x3], $0x40, s23, s19, $0xb8;
	[tilespmem:$0x1C000] =	vst v63  }
0xb5: {  	_ =	swait.ge [sflag:s16], $0x2000  }
0xb6: {  	[sflag:s16] =	ssyncset.done $0x0  }
0xb7: {  	[sflag:s16] =	ssyncadd.s32 $0xFFFFE000  }
0xb8: {  	_ =	swait.ge [sflag:s16], $0x2000  }
0xb9: {  	[sflag:s16] =	ssyncset.done $0x0  }
0xba: {  	[sflag:s16] =	ssyncadd.s32 $0xFFFFE000  }
0xbb: {  	[spmem:s2] =	stream.indirect.scatter.add.f32 [tilespmem:s22], [sflag:$0x3], $0x40, s25, s19, $0xb8;
	[tilespmem:$0x1C000] =	vst v63  }
0xbc: {  	_ = 	snop  }
0xbd: {  	[spmem:s2] =	stream.indirect.scatter.add.f32 [tilespmem:s24], [sflag:$0x3], $0x40, s28, s19, $0xb8;
	[tilespmem:$0x1C000] =	vst v63  }
0xbe: {  	_ =	swait.ge [sflag:s26], $0x2000  }
0xbf: {  	[sflag:s26] =	ssyncset.done $0x0  }
0xc0: {  	[sflag:s26] =	ssyncadd.s32 $0xFFFFE000  }
0xc1: {  	_ =	swait.ge [sflag:s26], $0x2000  }
0xc2: {  	[sflag:s26] =	ssyncset.done $0x0  }
0xc3: {  	[sflag:s26] =	ssyncadd.s32 $0xFFFFE000  }
0xc4: {  	_ =	swait.ge [sflag:s26], $0x2000  }
0xc5: {  	[sflag:s26] =	ssyncset.done $0x0  }
0xc6: {  	[sflag:s26] =	ssyncadd.s32 $0xFFFFE000  }
0xc7: {  	s31 =	stileid.u32;
	_ =	swait.ge [sflag:s26], $0x2000  }
0xc8: {  	s30 =	sshrl.u32 s7, $0x3;
	s29 =	sadd.s32 $0x1, s29;
	[sflag:s26] =	ssyncset.done $0x0  }
0xc9: {  	p0 =	sne.s32 s29, s13;
	s1 =	sshll.u32 s31, $0x6;
	[sflag:s26] =	ssyncadd.s32 $0xFFFFE000  }
.Ltmp2:
0xca: {  	s1 =	sor.u32 $0x1C04, s1;
	[bflag:$0x0] =	sbarrier.arrive $0xFFFF;
	(pc) =	sbr.rel @p0 .LBB2_1-.Ltmp2, $4  }
0xcb: {  	[hbm:s12], [sflag:s1] =	dma.local [spmem:s30], $0x1400  }
0xcc: {  	_ =	swait.ge [sflag:s18], $0x1400  }
0xcd: {  	[sflag:s18] =	ssyncset.done $0x0  }
0xce: {  	[sflag:s18] =	ssyncadd.s32 $0xFFFFEC00  }
0xcf: {  	_ =	sfence.sel $0x180000  }
0xd0: {  	[bflag:$0x0] =	sbarrier.arrive $0xFFFF  }
0xd1: {  	_ =	strace $0x9000004A  }
0xd2: {  	s0 =	stileid.u32;
	[bflag:$0x2] =	sbarrier.arrive $0xFFFF  }
0xd3: {  	p0 =	sne.s32 s0, $0x0;
	s0 =	rddreg [dreg:$0x2]  }
0xd4: {  	s0 =	sadd.s32 @!p0 $0x100000, s0  }
0xd5: {  	[sflag:s0] =	ssyncadd.tile.s32 @!p0 $0x1;
	_ =	shalt  }
.Lfunc_end2:
_tile_overlayer_lowered:
.L_overlay_start_2:
0xd6: {  	(tag) =	ssettag $0x2  }
0xd7: {  	s0 =	rddreg [dreg:$0x0];
	s2 =	stileid.u32  }
0xd8: {  	s1 =	rddreg [dreg:$0x1];
	p0 =	sne.s32 s2, $0x0  }
0xd9: {  	s3 =	rddreg [dreg:$0x2];
	[bflag:$0x3] =	sbarrier.arrive $0xFFFF;
	s2 =	simm.s32 @!p0 $0x1C04  }
0xda: {  	[timem:s3], [sflag:s2] =	dma.local @!p0 [hbm:s0], s1  }
0xdb: {  	s0 =	simm.s32 @!p0 $0x4  }
0xdc: {  	_ =	swait.ge @!p0 [sflag:s0], s1  }
0xdd: {  	s1 =	ssub.s32 @!p0 $0x0, s1;
	[sflag:s0] =	ssyncset.done @!p0 $0x0  }
0xde: {  	[sflag:s0] =	ssyncadd.s32 @!p0 s1  }
0xdf: {  	[bflag:$0x3] =	sbarrier.arrive $0xFFFF  }
0xe0: {  	_ =	shalt  }

// kernel: kernel.14.cloned.1.call-start
scs
__scs_entry_jumppad:
0x0: {  	(pc) =	sbr.rel $0x88, $3  }
0x1: {  	(tag) =	ssettag $0x0;
	lr =	simm.s32 $0x1  }
0x2: {  	[smem:$0x3F97] =	sst lr;
	_ =	strace $0xD0000000  }
0x3: {  	_ = 	snop  }
0x4: {  	_ = 	snop  }
0x5: {  	_ = 	snop  }
0x6: {  	_ = 	snop  }
0x7: {  	_ = 	snop  }
__scs_overlays_trampoline_lowered:
0x8: {  	[smem:$0x3FA6] =	sst s0  }
0x9: {  	[smem:$0x3FA7] =	sst s1  }
0xa: {  	[smem:$0x3FA8] =	sst s2  }
0xb: {  	[smem:$0x3FA9] =	sst s3  }
0xc: {  	[smem:$0x3FAA] =	sst s4  }
0xd: {  	[smem:$0x3FAB] =	sst s5  }
0xe: {  	[smem:$0x3FAC] =	sst s6  }
0xf: {  	[smem:$0x3FAD] =	sst s7  }
0x10: {  	[smem:$0x3FAE] =	sst s8  }
0x11: {  	[smem:$0x3FAF] =	sst s9;
	s0 =	simm.s32 @!p0 $0x0  }
0x12: {  	s1 =	sld [smem:$0x3F95];
	s0 =	simm.s32 @p0 $0x1  }
0x13: {  	[smem:$0x3FB0] =	sst s0;
	s0 =	simm.s32 @!p1 $0x0  }
0x14: {  	s2 =	sld [smem:$0x3F94];
	s0 =	simm.s32 @p1 $0x1  }
0x15: {  	[smem:$0x3FB1] =	sst s0;
	s0 =	simm.s32 @!p2 $0x0  }
0x16: {  	s3 =	sld [smem:$0x3FDB];
	s0 =	simm.s32 @p2 $0x1  }
0x17: {  	s4 =	simm.s32 $0x1BF5;
	[smem:$0x3FB3] =	sst s0  }
0x18: {  	s0 =	sld [smem:$0x3F96];
	_ =	swait.ge [sflag:s4], $0x0  }
0x19: {  	s7 =	sld [smem:$0x3F97]  }
0x1a: {  	s8 =	sadd.s32 $0xFFFFE003, lr  }
0x1b: {  	s9 =	sadd.s32 $0xFFFFFEF7, lr;
	s5 =	simm.s32 $0xFFFFFFFF;
	p2 =	slt.u32 s8, $0xFFFFF086  }
0x1c: {  	p1 =	slt.u32 s9, $0xF7A;
	s5 =	simm.s32 @!p2 $0x0  }
0x1d: {  	s5 =	simm.s32 @p1 $0x1;
	p0 =	seq.s32 s7, s2  }
0x1e: {  	s7 =	smul.u32 @!p0 $0xF7A, s2;
	p2 =	seq.s32 @!p0 s5, $0x0  }
0x1f: {  	s9 =	smul.u32 $0xF7A, s1;
	s8 =	simm.s32 @!p0 $0x1BF5;
	p2 =	por !p2, p0  }
0x20: {  	[sflag:s8] =	ssyncset.s32 @!p0 $0xFFFFF086;
	s6 =	sadd.s32 @!p0 s3, s7;
	s7 =	simm.s32 @!p0 $0x108  }
0x21: {  	s3 =	sadd.s32 s3, s9;
	s6 =	sadd.s32 @!p0 $0x88, s6;
	s7 =	simm.s32 @p2 $0x1082  }
0x22: {  	[simem:s7], [sflag:s8] =	dma.local @!p0 [hbm:s6], $0xF7A  }
0x23: {  	s9 =	sor.u32 $0xD0000000, s2;
	s6 =	simm.s32 $0x108;
	_ =	swait.ge @!p0 [sflag:s8], $0x0  }
0x24: {  	s3 =	sadd.s32 $0x88, s3;
	s6 =	simm.s32 @!p1 $0x1082;
	[sflag:s4] =	ssyncset.s32 $0xFFFFF086  }
0x25: {  	[simem:s6], [sflag:s4] =	dma.local [hbm:s3], $0xF7A  }
0x26: {  	[smem:$0x3F97] =	sst s1;
	(tag) =	ssettag s2;
	_ =	strace s9  }
0x27: {  	s1 =	sld [smem:$0x3FA7]  }
0x28: {  	s2 =	sld [smem:$0x3FA8]  }
0x29: {  	s4 =	sld [smem:$0x3FAA]  }
0x2a: {  	p0 =	seq.s32 s5, $0x0;
	s5 =	sld [smem:$0x3FAB]  }
0x2b: {  	s6 =	sld [smem:$0x3FAC]  }
0x2c: {  	s7 =	sld [smem:$0x3FAD]  }
0x2d: {  	s3 =	simm.s32 $0x108;
	s8 =	sld [smem:$0x3FAE]  }
0x2e: {  	s3 =	simm.s32 @!p0 $0x1082;
	s9 =	sld [smem:$0x3FAF]  }
0x2f: {  	lr =	sadd.s32 s0, s3;
	s0 =	sld [smem:$0x3FA6]  }
0x30: {  	s3 =	sld [smem:$0x3FA9]  }
0x31: {  	[smem:$0x3FB2] =	sst s10  }
0x32: {  	s10 =	sld [smem:$0x3FB0];
	_ =	sdelay $0x3  }
0x33: {  	p0 =	seq.s32 s10, $0x1;
	s10 =	sld [smem:$0x3FB2];
	_ =	sdelay $0x3  }
0x34: {  	[smem:$0x3FB2] =	sst s10  }
0x35: {  	s10 =	sld [smem:$0x3FB1];
	_ =	sdelay $0x3  }
0x36: {  	p1 =	seq.s32 s10, $0x1;
	s10 =	sld [smem:$0x3FB2];
	_ =	sdelay $0x3  }
0x37: {  	[smem:$0x3FB2] =	sst s10  }
0x38: {  	s10 =	sld [smem:$0x3FB3]  }
0x39: {  	_ = 	snop;
	(pc) =	sbr.ind lr, $3  }
0x3a: {  	_ = 	snop  }
0x3b: {  	_ = 	snop  }
0x3c: {  	p2 =	seq.s32 s10, $0x1;
	s10 =	sld [smem:$0x3FB2]  }
0x3d: {  	_ =	shalt  }
0x3e: {  	_ =	shalt  }
0x3f: {  	_ =	shalt  }
0x40: {  	_ =	shalt  }
0x41: {  	_ =	shalt  }
0x42: {  	_ =	shalt  }
0x43: {  	_ =	shalt  }
0x44: {  	_ =	shalt  }
0x45: {  	_ =	shalt  }
0x46: {  	_ =	shalt  }
0x47: {  	_ =	shalt  }
0x48: {  	_ =	shalt  }
0x49: {  	_ =	shalt  }
0x4a: {  	_ =	shalt  }
0x4b: {  	_ =	shalt  }
0x4c: {  	_ =	shalt  }
0x4d: {  	_ =	shalt  }
0x4e: {  	_ =	shalt  }
0x4f: {  	_ =	shalt  }
0x50: {  	_ =	shalt  }
0x51: {  	_ =	shalt  }
0x52: {  	_ =	shalt  }
0x53: {  	_ =	shalt  }
0x54: {  	_ =	shalt  }
0x55: {  	_ =	shalt  }
0x56: {  	_ =	shalt  }
0x57: {  	_ =	shalt  }
0x58: {  	_ =	shalt  }
0x59: {  	_ =	shalt  }
0x5a: {  	_ =	shalt  }
0x5b: {  	_ =	shalt  }
0x5c: {  	_ =	shalt  }
0x5d: {  	_ =	shalt  }
0x5e: {  	_ =	shalt  }
0x5f: {  	_ =	shalt  }
0x60: {  	_ =	shalt  }
0x61: {  	_ =	shalt  }
0x62: {  	_ =	shalt  }
0x63: {  	_ =	shalt  }
0x64: {  	_ =	shalt  }
0x65: {  	_ =	shalt  }
0x66: {  	_ =	shalt  }
0x67: {  	_ =	shalt  }
0x68: {  	_ =	shalt  }
0x69: {  	_ =	shalt  }
0x6a: {  	_ =	shalt  }
0x6b: {  	_ =	shalt  }
0x6c: {  	_ =	shalt  }
0x6d: {  	_ =	shalt  }
0x6e: {  	_ =	shalt  }
0x6f: {  	_ =	shalt  }
0x70: {  	_ =	shalt  }
0x71: {  	_ =	shalt  }
0x72: {  	_ =	shalt  }
0x73: {  	_ =	shalt  }
0x74: {  	_ =	shalt  }
0x75: {  	_ =	shalt  }
0x76: {  	_ =	shalt  }
0x77: {  	_ =	shalt  }
0x78: {  	_ =	shalt  }
0x79: {  	_ =	shalt  }
0x7a: {  	_ =	shalt  }
0x7b: {  	_ =	shalt  }
0x7c: {  	_ =	shalt  }
0x7d: {  	_ =	shalt  }
0x7e: {  	_ =	shalt  }
0x7f: {  	_ =	shalt  }
0x80: {  	_ =	shalt  }
0x81: {  	_ =	shalt  }
0x82: {  	_ =	shalt  }
0x83: {  	_ =	shalt  }
0x84: {  	_ =	shalt  }
0x85: {  	_ =	shalt  }
0x86: {  	_ =	shalt  }
0x87: {  	_ =	shalt  }
.Lfunc_end0:
.L_simem_size_0:
called_computation.2_lowered:
.L_overlay_start_0:
0x88: {  	s2 =	sld [smem:$0x3FD9]  }
0x89: {  	s3 =	sld [smem:$0x3FFE];
	_ =	sdelay $0x1  }
0x8a: {  	s1 =	srdreg.scid  }
0x8b: {  	s0 =	sand.u32 $0x1, s1  }
0x8c: {  	s16 =	sshll.u32 s0, $0xA;
	s2 =	sadd.s32 s3, s2  }
0x8d: {  	s2 =	sadd.s32 s2, s16  }
0x8e: {  	[smem:$0x3FBE] =	sst s2  }
0x8f: {  	_ = 	snop  }
0x90: {  	(tm) =	ssettm $0x1  }
0x91: {  	s17 =	sld [smem:$0x3FFB];
	_ =	sdelay $0x3  }
0x92: {  	_ =	strace s17  }
0x93: {  	s2 =	sld [smem:$0x3FFC];
	_ =	sdelay $0x3  }
0x94: {  	_ =	strace s2  }
0x95: {  	s2 =	sld [smem:$0x3FFD];
	_ =	sdelay $0x3  }
0x96: {  	_ =	strace s2  }
0x97: {  	_ =	strace $0x8FFFFFFF  }
0x98: {  	s18 =	sld [smem:$0x3FDB];
	_ =	sdelay $0x1  }
0x99: {  	s19 =	simm.s32 $_scs_section_size  }
0x9a: {  	s4 =	simm.s32 $_size__tile_overlayer_lowered;
	s5 =	simm.s32 $_tile_overlayer_lowered  }
0x9b: {  	s22 =	simm.s32 $0x1BFF;
	s21 =	sshll.u32 s5, $0x1;
	s2 =	sadd.s32 s19, s18  }
0x9c: {  	s6 =	simm.s32 $0x0;
	s20 =	sshll.u32 s4, $0x1;
	s4 =	sadd.s32 s21, s2  }
0x9d: {  	[timem:s6], [sflag:s22] =	dma.local [hbm:s4], s20  }
0x9e: {  	_ =	swait.ge [sflag:s22], s20  }
0x9f: {  	s3 =	ssub.s32 $0x0, s20;
	[sflag:s22] =	ssyncset.done $0x0  }
0xa0: {  	[sflag:s22] =	ssyncadd.s32 s3;
	_ =	sdelay $0x1  }
0xa1: {  	s23 =	simm.s32 $0x1B8B  }
0xa2: {  	_ =	swait.ge [sflag:s23], $0x1  }
0xa3: {  	[sflag:s23] =	ssyncset.done $0x0  }
0xa4: {  	s25 =	simm.s32 $0x1B8E;
	s24 =	sld [smem:$0x3FFE];
	[sflag:s23] =	ssyncadd.s32 $0xFFFFFFFF  }
0xa5: {  	s26 =	simm.s32 $execute0_lowered;
	[smem:$0x3FD2] =	sst s25  }
0xa6: {  	s4 =	sshll.u32 s26, $0x1;
	_ =	strace $0x8000004C;
	[dreg:$0x1] =	wrdreg $0xFFFFFFFF  }
0xa7: {  	s28 =	simm.s32 $_size_execute0_lowered;
	s2 =	sadd.s32 s2, s4;
	[dreg:$0x0] =	wrdreg $0x0  }
0xa8: {  	s4 =	sshll.u32 s28, $0x1;
	[dreg:$0x2] =	wrdreg s2  }
0xa9: {  	[dreg:$0x3] =	wrdreg s4  }
0xaa: {  	[dreg:$0x4] =	wrdreg $0xC0  }
0xab: {  	_ =	task [dreg:s6], $0x5FFFF  }
0xac: {  	[dreg:$0x1] =	wrdreg $0xFFFFFFFF  }
0xad: {  	[dreg:$0x0] =	wrdreg $0x60  }
0xae: {  	[dreg:$0x2] =	wrdreg s24  }
0xaf: {  	[dreg:$0x3] =	wrdreg $0x120000  }
0xb0: {  	[dreg:$0x4] =	wrdreg $0x9  }
0xb1: {  	_ =	task.clear_ibuf [dreg:s6], $0x5FFFF;
	_ =	strace $0x9000004C  }
0xb2: {  	s29 =	simm.s32 $0x9;
	_ =	strace $0x8000004E  }
0xb3: {  	_ =	swait.ge [sflag:s29], $0x1  }
0xb4: {  	[sflag:s29] =	ssyncadd.s32 $0xFFFFFFFF  }
0xb5: {  	_ =	strace $0x9000004E  }
0xb6: {  	_ =	sfence  }
0xb7: {  	s30 =	sld [smem:$0x0];
	_ =	sdelay $0x2  }
0xb8: {  	s31 =	sshll.u32 s1, $0xD;
	s1 =	sshrl.u32 s1, $0x2  }
0xb9: {  	s3 =	sand.u32 $0x4000, s31;
	s1 =	sadd.s32 s1, s30  }
0xba: {  	s0 =	sor.u32 s3, s0;
	s1 =	sshll.u32 s1, $0x11  }
0xbb: {  	s0 =	sor.u32 s1, s0  }
0xbc: {  	s0 =	sadd.s32 $0x8F2B, s0  }
0xbd: {  	[sflag:s0] =	ssyncadd.remote.s32 $0x1  }
0xbe: {  	_ =	sfence.sel $0xFFFF  }
0xbf: {  	[dreg:$0x0] =	wrdreg $0xFFFFFFFF;
	(pc) =	sbr.abs _section_cstart, $3  }
0xc0: {  	[dreg:$0x1] =	wrdreg $0xFFFFFFFF  }
0xc1: {  	_ =	task.clear_ibuf [dreg:s6], $0x2FFFF;
	_ =	strace $0x9FFFFFFF  }
0xc2: {  	(tm) =	ssettm $0x7FFFFFFF  }
0xc3: {  	_ =	shalt  }
tec
execute0_lowered:
.L_overlay_start_1:
0x0: {  	(tag) =	ssettag $0x1  }
0x1: {  	s0 =	rddreg [dreg:$0x0]  }
0x2: {  	s2 =	rddreg [dreg:$0x1]  }
0x3: {  	s3 =	stileid.u32;
	s1 =	srdreg.scid  }
0x4: {  	s4 =	simm.s32 $0x0;
	s15 =	simm.s32 $0x1;
	s16 =	simm.s32 $0x2  }
0x5: {  	s17 =	simm.s32 $0xA000;
	s18 =	simm.s32 $0x4;
	s19 =	simm.s32 $0x80  }
0x6: {  	s20 =	simm.s32 $0xB000;
	s22 =	simm.s32 $0xC000;
	s24 =	simm.s32 $0xD000  }
0x7: {  	s29 =	simm.s32 $0xF000;
	s31 =	simm.s32 $0x10000;
	s21 =	simm.s32 $0x11000  }
0x8: {  	s28 =	simm.s32 $0x3;
	s23 =	simm.s32 $0x0;
	s7 =	smul.u32 $0x5000, s3  }
0x9: {  	s1 =	sand.u32 $0x1, s1;
	[smem:$0x7FF] =	sst s4;
	s8 =	smul.u32 $0x14000, s3  }
0xa: {  	s4 =	sadd.s32 $0x7A400, s0;
	s3 =	simm.s32 $0x5000;
	s5 =	smul.u32 $0x50000, s1  }
0xb: {  	_ =	strace $0x8000004D;
	s1 =	ssub.s32 $0x2, s1;
	s6 =	sshrl.u32 s7, $0x3  }
0xc: {  	s9 =	sshrl.u32 s1, $0x1;
	s8 =	sshrl.u32 s8, $0x2;
	s5 =	sadd.s32 s7, s5  }
0xd: {  	s6 =	sadd.s32 s6, s0;
	s1 =	ssub.s32 s1, s9;
	s11 =	sadd.s32 s8, s2  }
0xe: {  	s7 =	sadd.s32 s7, s2;
	s5 =	sshrl.u32 s5, $0x3;
	s26 =	sadd.s32 $0x2400, s6  }
0xf: {  	s30 =	sadd.s32 $0x1000, s11;
	s9 =	sadd.s32 $0x2000, s11;
	s10 =	sadd.s32 $0x3000, s11  }
0x10: {  	s11 =	sadd.s32 $0x4000, s11;
	s0 =	sadd.s32 s5, s0;
	[dreg:$0x4] =	wrdreg s26  }
0x11: {  	s13 =	smax.u32 s1, $0x1;
	[dreg:$0x5] =	wrdreg s30;
	s25 =	sadd.s32 $0x16400, s0  }
0x12: {  	v0 =	vimm.f32 $0.0e+00;
	s26 =	simm.s32 $0xE000;
	s12 =	sadd.s32 $0x8E400, s0;
	[dreg:$0x3] =	wrdreg s25  }
.LBB2_1:
0x13: {  	s0 =	simm.s32 $0x0;
	s1 =	rddreg [dreg:$0x3]  }
0x14: {  	[tilespmem:s0], [sflag:$0x1] =	stream.linear.gather [hbm4b:s1+s0], $0x5000, $0x38;
	[tilespmem:$0x17000] =	vst v63  }
0x15: {  	s30 =	rddreg [dreg:$0x4]  }
0x16: {  	[tilespmem:s3], [sflag:$0x2] =	stream.linear.gather [hbm4b:s30+s0], $0x5000, $0x38;
	[tilespmem:$0x17000] =	vst v63  }
0x17: {  	s25 =	simm.s32 $0x0;
	s0 =	simm.s32 $0x80  }
.LBB2_2:
0x18: {  	p0 =	sne.s32 s0, $0x3F80;
	[tilespmem:s25+$0xA000] =	vst v0;
	s30 =	smov.u32 s0;
	s0 =	sadd.s32 $0x80, s0  }
.Ltmp0:
0x19: {  	[tilespmem:s25+$0xA010] =	vst v0;
	(pc) =	sbr.rel @p0 .LBB2_2-.Ltmp0, $2  }
0x1a: {  	_ =	sdelay $0x2  }
0x1b: {  	s25 =	sshra.s32 s30, $0x2  }
0x1c: {  	[tilespmem:s25+$0xA000] =	vst v0  }
0x1d: {  	[tilespmem:s25+$0xA010] =	vst v0  }
0x1e: {  	_ =	swait.ge [sflag:s15], $0x5000  }
0x1f: {  	[sflag:s15] =	ssyncset.done $0x0  }
0x20: {  	[sflag:s15] =	ssyncadd.s32 $0xFFFFB000  }
0x21: {  	_ =	swait.ge [sflag:s16], $0x5000  }
0x22: {  	[sflag:s16] =	ssyncset.done $0x0  }
0x23: {  	[sflag:s16] =	ssyncadd.s32 $0xFFFFB000  }
0x24: {  	[spmem:s7] =	stream.linear.scatter [tilespmem:s17], [sflag:$0x4], $0x1000, $0x38;
	[tilespmem:$0x17000] =	vst v63  }
0x25: {  	_ =	swait.ge [sflag:s18], $0x1000  }
0x26: {  	[sflag:s18] =	ssyncset.done $0x0  }
0x27: {  	s0 =	rddreg [dreg:$0x5];
	[sflag:s18] =	ssyncadd.s32 $0xFFFFF000  }
0x28: {  	[spmem:s0] =	stream.linear.scatter [tilespmem:s17], [sflag:$0x4], $0x1000, $0x38;
	[tilespmem:$0x17000] =	vst v63  }
0x29: {  	_ =	swait.ge [sflag:s18], $0x1000  }
0x2a: {  	[sflag:s18] =	ssyncset.done $0x0  }
0x2b: {  	[sflag:s18] =	ssyncadd.s32 $0xFFFFF000  }
0x2c: {  	[spmem:s9] =	stream.linear.scatter [tilespmem:s17], [sflag:$0x4], $0x1000, $0x38;
	[tilespmem:$0x17000] =	vst v63  }
0x2d: {  	_ =	swait.ge [sflag:s18], $0x1000  }
0x2e: {  	[sflag:s18] =	ssyncset.done $0x0  }
0x2f: {  	[sflag:s18] =	ssyncadd.s32 $0xFFFFF000  }
0x30: {  	[spmem:s10] =	stream.linear.scatter [tilespmem:s17], [sflag:$0x4], $0x1000, $0x38;
	[tilespmem:$0x17000] =	vst v63  }
0x31: {  	_ =	swait.ge [sflag:s18], $0x1000  }
0x32: {  	[sflag:s18] =	ssyncset.done $0x0  }
0x33: {  	[sflag:s18] =	ssyncadd.s32 $0xFFFFF000  }
0x34: {  	[spmem:s11] =	stream.linear.scatter [tilespmem:s17], [sflag:$0x4], $0x1000, $0x38;
	[tilespmem:$0x17000] =	vst v63  }
0x35: {  	_ =	swait.ge [sflag:s18], $0x1000  }
0x36: {  	[sflag:s18] =	ssyncset.done $0x0  }
0x37: {  	s14 =	simm.s32 $0x0;
	[sflag:s18] =	ssyncadd.s32 $0xFFFFF000  }
0x38: {  	[tilespmem:s17], [sflag:$0x1] =	stream.indirect.gather [hbm4b:s4+s19], $0x20, s14, s19, $0xb8;
	[tilespmem:$0x17000] =	vst v63  }
0x39: {  	_ = 	snop  }
0x3a: {  	[tilespmem:s20], [sflag:$0x1] =	stream.indirect.gather [hbm4b:s4+s19], $0x20, s19, s19, $0xb8;
	[tilespmem:$0x17000] =	vst v63  }
0x3b: {  	s25 =	simm.s32 $0x100  }
0x3c: {  	[tilespmem:s22], [sflag:$0x1] =	stream.indirect.gather [hbm4b:s4+s19], $0x20, s25, s19, $0xb8;
	[tilespmem:$0x17000] =	vst v63  }
0x3d: {  	s1 =	simm.s32 $0x180  }
0x3e: {  	[tilespmem:s24], [sflag:$0x1] =	stream.indirect.gather [hbm4b:s4+s19], $0x20, s1, s19, $0xb8;
	[tilespmem:$0x17000] =	vst v63  }
0x3f: {  	s5 =	simm.s32 $0x200;
	[bflag:$0x0] =	sbarrier.arrive $0xFFFF  }
0x40: {  	[tilespmem:s26], [sflag:$0x2] =	stream.indirect.gather [hbm4b:s4+s19], $0x20, s5, s19, $0xb8;
	[tilespmem:$0x17000] =	vst v63  }
0x41: {  	s6 =	simm.s32 $0x280  }
0x42: {  	[tilespmem:s29], [sflag:$0x2] =	stream.indirect.gather [hbm4b:s4+s19], $0x20, s6, s19, $0xb8;
	[tilespmem:$0x17000] =	vst v63  }
0x43: {  	s8 =	simm.s32 $0x300  }
0x44: {  	[tilespmem:s31], [sflag:$0x2] =	stream.indirect.gather [hbm4b:s4+s19], $0x20, s8, s19, $0xb8;
	[tilespmem:$0x17000] =	vst v63  }
0x45: {  	s14 =	simm.s32 $0x380  }
0x46: {  	[tilespmem:s21], [sflag:$0x2] =	stream.indirect.gather [hbm4b:s4+s19], $0x20, s14, s19, $0xb8;
	[tilespmem:$0x17000] =	vst v63  }
0x47: {  	_ =	swait.ge [sflag:s15], $0x1000  }
0x48: {  	[sflag:s15] =	ssyncset.done $0x0  }
0x49: {  	[sflag:s15] =	ssyncadd.s32 $0xFFFFF000  }
0x4a: {  	_ =	swait.ge [sflag:s15], $0x1000  }
0x4b: {  	[sflag:s15] =	ssyncset.done $0x0  }
0x4c: {  	[sflag:s15] =	ssyncadd.s32 $0xFFFFF000  }
0x4d: {  	_ =	swait.ge [sflag:s15], $0x1000  }
0x4e: {  	[sflag:s15] =	ssyncset.done $0x0  }
0x4f: {  	[sflag:s15] =	ssyncadd.s32 $0xFFFFF000  }
0x50: {  	_ =	swait.ge [sflag:s15], $0x1000  }
0x51: {  	[sflag:s15] =	ssyncset.done $0x0  }
0x52: {  	[sflag:s15] =	ssyncadd.s32 $0xFFFFF000  }
0x53: {  	[spmem:s2] =	stream.indirect.scatter.add.f32 [tilespmem:s17], [sflag:$0x3], $0x20, s3, s19, $0xb8;
	[tilespmem:$0x17000] =	vst v63  }
0x54: {  	s25 =	simm.s32 $0x5080  }
0x55: {  	[spmem:s2] =	stream.indirect.scatter.add.f32 [tilespmem:s20], [sflag:$0x3], $0x20, s25, s19, $0xb8;
	[tilespmem:$0x17000] =	vst v63  }
0x56: {  	s1 =	simm.s32 $0x5100  }
0x57: {  	[spmem:s2] =	stream.indirect.scatter.add.f32 [tilespmem:s22], [sflag:$0x3], $0x20, s1, s19, $0xb8;
	[tilespmem:$0x17000] =	vst v63  }
0x58: {  	s3 =	simm.s32 $0x5180  }
0x59: {  	[spmem:s2] =	stream.indirect.scatter.add.f32 [tilespmem:s24], [sflag:$0x3], $0x20, s3, s19, $0xb8;
	[tilespmem:$0x17000] =	vst v63  }
0x5a: {  	_ =	swait.ge [sflag:s28], $0x1000  }
0x5b: {  	[sflag:s28] =	ssyncset.done $0x0  }
0x5c: {  	[sflag:s28] =	ssyncadd.s32 $0xFFFFF000  }
0x5d: {  	_ =	swait.ge [sflag:s28], $0x1000  }
0x5e: {  	[sflag:s28] =	ssyncset.done $0x0  }
0x5f: {  	[sflag:s28] =	ssyncadd.s32 $0xFFFFF000  }
0x60: {  	_ =	swait.ge [sflag:s28], $0x1000  }
0x61: {  	[sflag:s28] =	ssyncset.done $0x0  }
0x62: {  	[sflag:s28] =	ssyncadd.s32 $0xFFFFF000  }
0x63: {  	_ =	swait.ge [sflag:s28], $0x1000  }
0x64: {  	[sflag:s28] =	ssyncset.done $0x0  }
0x65: {  	s5 =	simm.s32 $0x400;
	[sflag:s28] =	ssyncadd.s32 $0xFFFFF000  }
0x66: {  	[tilespmem:s17], [sflag:$0x1] =	stream.indirect.gather [hbm4b:s4+s19], $0x20, s5, s19, $0xb8;
	[tilespmem:$0x17000] =	vst v63  }
0x67: {  	s6 =	simm.s32 $0x480  }
0x68: {  	[tilespmem:s20], [sflag:$0x1] =	stream.indirect.gather [hbm4b:s4+s19], $0x20, s6, s19, $0xb8;
	[tilespmem:$0x17000] =	vst v63  }
0x69: {  	s8 =	simm.s32 $0x500  }
0x6a: {  	[tilespmem:s22], [sflag:$0x1] =	stream.indirect.gather [hbm4b:s4+s19], $0x20, s8, s19, $0xb8;
	[tilespmem:$0x17000] =	vst v63  }
0x6b: {  	s14 =	simm.s32 $0x580  }
0x6c: {  	[tilespmem:s24], [sflag:$0x1] =	stream.indirect.gather [hbm4b:s4+s19], $0x20, s14, s19, $0xb8;
	[tilespmem:$0x17000] =	vst v63  }
0x6d: {  	_ =	swait.ge [sflag:s16], $0x1000  }
0x6e: {  	[sflag:s16] =	ssyncset.done $0x0  }
0x6f: {  	[sflag:s16] =	ssyncadd.s32 $0xFFFFF000  }
0x70: {  	_ =	swait.ge [sflag:s16], $0x1000  }
0x71: {  	[sflag:s16] =	ssyncset.done $0x0  }
0x72: {  	[sflag:s16] =	ssyncadd.s32 $0xFFFFF000  }
0x73: {  	_ =	swait.ge [sflag:s16], $0x1000  }
0x74: {  	[sflag:s16] =	ssyncset.done $0x0  }
0x75: {  	[sflag:s16] =	ssyncadd.s32 $0xFFFFF000  }
0x76: {  	_ =	swait.ge [sflag:s16], $0x1000  }
0x77: {  	[sflag:s16] =	ssyncset.done $0x0  }
0x78: {  	s25 =	simm.s32 $0x5200;
	[sflag:s16] =	ssyncadd.s32 $0xFFFFF000  }
0x79: {  	[spmem:s2] =	stream.indirect.scatter.add.f32 [tilespmem:s26], [sflag:$0x3], $0x20, s25, s19, $0xb8;
	[tilespmem:$0x17000] =	vst v63  }
0x7a: {  	s1 =	simm.s32 $0x5280  }
0x7b: {  	[spmem:s2] =	stream.indirect.scatter.add.f32 [tilespmem:s29], [sflag:$0x3], $0x20, s1, s19, $0xb8;
	[tilespmem:$0x17000] =	vst v63  }
0x7c: {  	s3 =	simm.s32 $0x5300  }
0x7d: {  	[spmem:s2] =	stream.indirect.scatter.add.f32 [tilespmem:s31], [sflag:$0x3], $0x20, s3, s19, $0xb8;
	[tilespmem:$0x17000] =	vst v63  }
0x7e: {  	s5 =	simm.s32 $0x5380  }
0x7f: {  	[spmem:s2] =	stream.indirect.scatter.add.f32 [tilespmem:s21], [sflag:$0x3], $0x20, s5, s19, $0xb8;
	[tilespmem:$0x17000] =	vst v63  }
0x80: {  	_ =	swait.ge [sflag:s28], $0x1000  }
0x81: {  	[sflag:s28] =	ssyncset.done $0x0  }
0x82: {  	[sflag:s28] =	ssyncadd.s32 $0xFFFFF000  }
0x83: {  	_ =	swait.ge [sflag:s28], $0x1000  }
0x84: {  	[sflag:s28] =	ssyncset.done $0x0  }
0x85: {  	[sflag:s28] =	ssyncadd.s32 $0xFFFFF000  }
0x86: {  	_ =	swait.ge [sflag:s28], $0x1000  }
0x87: {  	[sflag:s28] =	ssyncset.done $0x0  }
0x88: {  	[sflag:s28] =	ssyncadd.s32 $0xFFFFF000  }
0x89: {  	_ =	swait.ge [sflag:s28], $0x1000  }
0x8a: {  	[sflag:s28] =	ssyncset.done $0x0  }
0x8b: {  	s6 =	simm.s32 $0x600;
	[sflag:s28] =	ssyncadd.s32 $0xFFFFF000  }
0x8c: {  	[tilespmem:s26], [sflag:$0x2] =	stream.indirect.gather [hbm4b:s4+s19], $0x20, s6, s19, $0xb8;
	[tilespmem:$0x17000] =	vst v63  }
0x8d: {  	s8 =	simm.s32 $0x680  }
0x8e: {  	[tilespmem:s29], [sflag:$0x2] =	stream.indirect.gather [hbm4b:s4+s19], $0x20, s8, s19, $0xb8;
	[tilespmem:$0x17000] =	vst v63  }
0x8f: {  	s14 =	simm.s32 $0x700  }
0x90: {  	[tilespmem:s31], [sflag:$0x2] =	stream.indirect.gather [hbm4b:s4+s19], $0x20, s14, s19, $0xb8;
	[tilespmem:$0x17000] =	vst v63  }
0x91: {  	s25 =	simm.s32 $0x780  }
0x92: {  	[tilespmem:s21], [sflag:$0x2] =	stream.indirect.gather [hbm4b:s4+s19], $0x20, s25, s19, $0xb8;
	[tilespmem:$0x17000] =	vst v63  }
0x93: {  	_ =	swait.ge [sflag:s15], $0x1000  }
0x94: {  	[sflag:s15] =	ssyncset.done $0x0  }
0x95: {  	[sflag:s15] =	ssyncadd.s32 $0xFFFFF000  }
0x96: {  	_ =	swait.ge [sflag:s15], $0x1000  }
0x97: {  	[sflag:s15] =	ssyncset.done $0x0  }
0x98: {  	[sflag:s15] =	ssyncadd.s32 $0xFFFFF000  }
0x99: {  	_ =	swait.ge [sflag:s15], $0x1000  }
0x9a: {  	[sflag:s15] =	ssyncset.done $0x0  }
0x9b: {  	[sflag:s15] =	ssyncadd.s32 $0xFFFFF000  }
0x9c: {  	_ =	swait.ge [sflag:s15], $0x1000  }
0x9d: {  	[sflag:s15] =	ssyncset.done $0x0  }
0x9e: {  	s1 =	simm.s32 $0x5400;
	[sflag:s15] =	ssyncadd.s32 $0xFFFFF000  }
0x9f: {  	[spmem:s2] =	stream.indirect.scatter.add.f32 [tilespmem:s17], [sflag:$0x3], $0x20, s1, s19, $0xb8;
	[tilespmem:$0x17000] =	vst v63  }
0xa0: {  	s3 =	simm.s32 $0x5480  }
0xa1: {  	[spmem:s2] =	stream.indirect.scatter.add.f32 [tilespmem:s20], [sflag:$0x3], $0x20, s3, s19, $0xb8;
	[tilespmem:$0x17000] =	vst v63  }
0xa2: {  	p0 =	por $0x0, $0x0;
	s5 =	simm.s32 $0x5500  }
0xa3: {  	[spmem:s2] =	stream.indirect.scatter.add.f32 [tilespmem:s22], [sflag:$0x3], $0x20, s5, s19, $0xb8;
	[tilespmem:$0x17000] =	vst v63  }
0xa4: {  	s0 =	simm.s32 @!p0 $0x3;
	s6 =	simm.s32 $0x5580  }
0xa5: {  	[spmem:s2] =	stream.indirect.scatter.add.f32 [tilespmem:s24], [sflag:$0x3], $0x20, s6, s19, $0xb8;
	[tilespmem:$0x17000] =	vst v63  }
0xa6: {  	_ =	swait.ge @!p0 [sflag:s0], $0x1000  }
0xa7: {  	[sflag:s0] =	ssyncset.done @!p0 $0x0  }
0xa8: {  	[sflag:s0] =	ssyncadd.s32 @!p0 $0xFFFFF000  }
0xa9: {  	_ =	swait.ge @!p0 [sflag:s0], $0x1000  }
0xaa: {  	[sflag:s0] =	ssyncset.done @!p0 $0x0  }
0xab: {  	[sflag:s0] =	ssyncadd.s32 @!p0 $0xFFFFF000  }
0xac: {  	_ =	swait.ge @!p0 [sflag:s0], $0x1000  }
0xad: {  	[sflag:s0] =	ssyncset.done @!p0 $0x0  }
0xae: {  	[sflag:s0] =	ssyncadd.s32 @!p0 $0xFFFFF000  }
0xaf: {  	_ =	swait.ge @!p0 [sflag:s0], $0x1000  }
0xb0: {  	s30 =	simm.s32 @!p0 $0x80;
	[sflag:s0] =	ssyncset.done @!p0 $0x0  }
0xb1: {  	s25 =	simm.s32 @!p0 $0x800;
	[sflag:s0] =	ssyncadd.s32 @!p0 $0xFFFFF000;
	s0 =	simm.s32 @!p0 $0xA000  }
0xb2: {  	[tilespmem:s0], [sflag:$0x1] =	stream.indirect.gather @!p0 [hbm4b:s4+s30], $0x20, s25, s30, $0xb8;
	[tilespmem:$0x17000] =	vst v63  }
0xb3: {  	s0 =	simm.s32 @!p0 $0x880;
	s25 =	simm.s32 @!p0 $0xB000  }
0xb4: {  	[tilespmem:s25], [sflag:$0x1] =	stream.indirect.gather @!p0 [hbm4b:s4+s30], $0x20, s0, s30, $0xb8;
	[tilespmem:$0x17000] =	vst v63  }
0xb5: {  	s0 =	simm.s32 @!p0 $0x900;
	s25 =	simm.s32 @!p0 $0xC000  }
0xb6: {  	[tilespmem:s25], [sflag:$0x1] =	stream.indirect.gather @!p0 [hbm4b:s4+s30], $0x20, s0, s30, $0xb8;
	[tilespmem:$0x17000] =	vst v63  }
0xb7: {  	s0 =	simm.s32 @!p0 $0x980;
	s25 =	simm.s32 @!p0 $0xD000  }
0xb8: {  	[tilespmem:s25], [sflag:$0x1] =	stream.indirect.gather @!p0 [hbm4b:s4+s30], $0x20, s0, s30, $0xb8;
	[tilespmem:$0x17000] =	vst v63  }
0xb9: {  	_ =	swait.ge [sflag:s16], $0x1000  }
0xba: {  	[sflag:s16] =	ssyncset.done $0x0  }
0xbb: {  	[sflag:s16] =	ssyncadd.s32 $0xFFFFF000  }
0xbc: {  	_ =	swait.ge [sflag:s16], $0x1000  }
0xbd: {  	[sflag:s16] =	ssyncset.done $0x0  }
0xbe: {  	[sflag:s16] =	ssyncadd.s32 $0xFFFFF000  }
0xbf: {  	_ =	swait.ge [sflag:s16], $0x1000  }
0xc0: {  	[sflag:s16] =	ssyncset.done $0x0  }
0xc1: {  	[sflag:s16] =	ssyncadd.s32 $0xFFFFF000  }
0xc2: {  	_ =	swait.ge [sflag:s16], $0x1000  }
0xc3: {  	[sflag:s16] =	ssyncset.done $0x0  }
0xc4: {  	s8 =	simm.s32 $0x5600;
	[sflag:s16] =	ssyncadd.s32 $0xFFFFF000  }
0xc5: {  	[spmem:s2] =	stream.indirect.scatter.add.f32 [tilespmem:s26], [sflag:$0x3], $0x20, s8, s19, $0xb8;
	[tilespmem:$0x17000] =	vst v63  }
0xc6: {  	s14 =	simm.s32 $0x5680  }
0xc7: {  	[spmem:s2] =	stream.indirect.scatter.add.f32 [tilespmem:s29], [sflag:$0x3], $0x20, s14, s19, $0xb8;
	[tilespmem:$0x17000] =	vst v63  }
0xc8: {  	s25 =	simm.s32 $0x5700  }
0xc9: {  	[spmem:s2] =	stream.indirect.scatter.add.f32 [tilespmem:s31], [sflag:$0x3], $0x20, s25, s19, $0xb8;
	[tilespmem:$0x17000] =	vst v63  }
0xca: {  	s30 =	simm.s32 $0x5780;
	s25 =	simm.s32 $0x1000  }
.LBB2_4:
0xcb: {  	s0 =	smov.u32 s25;
	s25 =	sadd.s32 $0x1000, s25  }
0xcc: {  	[spmem:s2] =	stream.indirect.scatter.add.f32 [tilespmem:s21], [sflag:$0x3], $0x20, s30, s19, $0xb8;
	[tilespmem:$0x17000] =	vst v63  }
0xcd: {  	p0 =	sne.s32 s25, $0x13000;
	_ =	swait.ge [sflag:s28], $0x1000  }
0xce: {  	[sflag:s28] =	ssyncset.done $0x0  }
0xcf: {  	[sflag:s28] =	ssyncadd.s32 $0xFFFFF000  }
0xd0: {  	_ =	swait.ge [sflag:s28], $0x1000  }
0xd1: {  	[sflag:s28] =	ssyncset.done $0x0  }
0xd2: {  	[sflag:s28] =	ssyncadd.s32 $0xFFFFF000  }
0xd3: {  	_ =	swait.ge [sflag:s28], $0x1000  }
0xd4: {  	[sflag:s28] =	ssyncset.done $0x0  }
0xd5: {  	[sflag:s28] =	ssyncadd.s32 $0xFFFFF000  }
0xd6: {  	_ =	swait.ge [sflag:s28], $0x1000  }
0xd7: {  	s30 =	sshra.s32 s0, $0x2;
	[sflag:s28] =	ssyncset.done $0x0  }
0xd8: {  	s1 =	sadd.s32 $0x600, s30;
	[sflag:s28] =	ssyncadd.s32 $0xFFFFF000  }
0xd9: {  	[tilespmem:s26], [sflag:$0x2] =	stream.indirect.gather [hbm4b:s4+s19], $0x20, s1, s19, $0xb8;
	[tilespmem:$0x17000] =	vst v63  }
0xda: {  	s1 =	sadd.s32 $0x680, s30  }
0xdb: {  	[tilespmem:s29], [sflag:$0x2] =	stream.indirect.gather [hbm4b:s4+s19], $0x20, s1, s19, $0xb8;
	[tilespmem:$0x17000] =	vst v63  }
0xdc: {  	s1 =	sadd.s32 $0x700, s30  }
0xdd: {  	[tilespmem:s31], [sflag:$0x2] =	stream.indirect.gather [hbm4b:s4+s19], $0x20, s1, s19, $0xb8;
	[tilespmem:$0x17000] =	vst v63  }
0xde: {  	s1 =	sadd.s32 $0x780, s30  }
0xdf: {  	[tilespmem:s21], [sflag:$0x2] =	stream.indirect.gather [hbm4b:s4+s19], $0x20, s1, s19, $0xb8;
	[tilespmem:$0x17000] =	vst v63  }
0xe0: {  	_ =	swait.ge [sflag:s15], $0x1000  }
0xe1: {  	[sflag:s15] =	ssyncset.done $0x0  }
0xe2: {  	[sflag:s15] =	ssyncadd.s32 $0xFFFFF000  }
0xe3: {  	_ =	swait.ge [sflag:s15], $0x1000  }
0xe4: {  	[sflag:s15] =	ssyncset.done $0x0  }
0xe5: {  	[sflag:s15] =	ssyncadd.s32 $0xFFFFF000  }
0xe6: {  	_ =	swait.ge [sflag:s15], $0x1000  }
0xe7: {  	[sflag:s15] =	ssyncset.done $0x0  }
0xe8: {  	[sflag:s15] =	ssyncadd.s32 $0xFFFFF000  }
0xe9: {  	_ =	swait.ge [sflag:s15], $0x1000  }
0xea: {  	[sflag:s15] =	ssyncset.done $0x0  }
0xeb: {  	s1 =	sadd.s32 $0x5400, s30;
	[sflag:s15] =	ssyncadd.s32 $0xFFFFF000  }
0xec: {  	[spmem:s2] =	stream.indirect.scatter.add.f32 [tilespmem:s17], [sflag:$0x3], $0x20, s1, s19, $0xb8;
	[tilespmem:$0x17000] =	vst v63  }
0xed: {  	s1 =	sadd.s32 $0x5480, s30  }
0xee: {  	[spmem:s2] =	stream.indirect.scatter.add.f32 [tilespmem:s20], [sflag:$0x3], $0x20, s1, s19, $0xb8;
	[tilespmem:$0x17000] =	vst v63  }
0xef: {  	s1 =	sadd.s32 $0x5500, s30  }
0xf0: {  	[spmem:s2] =	stream.indirect.scatter.add.f32 [tilespmem:s22], [sflag:$0x3], $0x20, s1, s19, $0xb8;
	[tilespmem:$0x17000] =	vst v63  }
0xf1: {  	p1 =	seq.s32 s0, $0x12000;
	s1 =	sadd.s32 $0x5580, s30  }
0xf2: {  	[spmem:s2] =	stream.indirect.scatter.add.f32 [tilespmem:s24], [sflag:$0x3], $0x20, s1, s19, $0xb8;
	[tilespmem:$0x17000] =	vst v63  }
0xf3: {  	s0 =	sshra.s32 @!p1 s0, $0x2;
	s1 =	simm.s32 @!p1 $0x3  }
0xf4: {  	s3 =	sadd.s32 @!p1 $0x800, s0;
	s5 =	sadd.s32 @!p1 $0x880, s0;
	_ =	swait.ge @!p1 [sflag:s1], $0x1000  }
0xf5: {  	s6 =	sadd.s32 @!p1 $0x900, s0;
	s0 =	sadd.s32 @!p1 $0x980, s0;
	[sflag:s1] =	ssyncset.done @!p1 $0x0  }
0xf6: {  	[sflag:s1] =	ssyncadd.s32 @!p1 $0xFFFFF000  }
0xf7: {  	_ =	swait.ge @!p1 [sflag:s1], $0x1000  }
0xf8: {  	[sflag:s1] =	ssyncset.done @!p1 $0x0  }
0xf9: {  	[sflag:s1] =	ssyncadd.s32 @!p1 $0xFFFFF000  }
0xfa: {  	_ =	swait.ge @!p1 [sflag:s1], $0x1000  }
0xfb: {  	[sflag:s1] =	ssyncset.done @!p1 $0x0  }
0xfc: {  	[sflag:s1] =	ssyncadd.s32 @!p1 $0xFFFFF000  }
0xfd: {  	_ =	swait.ge @!p1 [sflag:s1], $0x1000  }
0xfe: {  	s14 =	simm.s32 @!p1 $0x80;
	s8 =	simm.s32 @!p1 $0xA000;
	[sflag:s1] =	ssyncset.done @!p1 $0x0  }
0xff: {  	[sflag:s1] =	ssyncadd.s32 @!p1 $0xFFFFF000;
	s1 =	simm.s32 @!p1 $0xB000  }
0x100: {  	[tilespmem:s8], [sflag:$0x1] =	stream.indirect.gather @!p1 [hbm4b:s4+s14], $0x20, s3, s14, $0xb8;
	[tilespmem:$0x17000] =	vst v63  }
0x101: {  	s3 =	simm.s32 @!p1 $0xC000  }
0x102: {  	[tilespmem:s1], [sflag:$0x1] =	stream.indirect.gather @!p1 [hbm4b:s4+s14], $0x20, s5, s14, $0xb8;
	[tilespmem:$0x17000] =	vst v63  }
0x103: {  	s1 =	simm.s32 @!p1 $0xD000  }
0x104: {  	[tilespmem:s3], [sflag:$0x1] =	stream.indirect.gather @!p1 [hbm4b:s4+s14], $0x20, s6, s14, $0xb8;
	[tilespmem:$0x17000] =	vst v63  }
0x105: {  	_ = 	snop  }
0x106: {  	[tilespmem:s1], [sflag:$0x1] =	stream.indirect.gather @!p1 [hbm4b:s4+s14], $0x20, s0, s14, $0xb8;
	[tilespmem:$0x17000] =	vst v63  }
0x107: {  	_ =	swait.ge [sflag:s16], $0x1000  }
0x108: {  	[sflag:s16] =	ssyncset.done $0x0  }
0x109: {  	[sflag:s16] =	ssyncadd.s32 $0xFFFFF000  }
0x10a: {  	_ =	swait.ge [sflag:s16], $0x1000  }
0x10b: {  	[sflag:s16] =	ssyncset.done $0x0  }
0x10c: {  	[sflag:s16] =	ssyncadd.s32 $0xFFFFF000  }
0x10d: {  	_ =	swait.ge [sflag:s16], $0x1000  }
0x10e: {  	[sflag:s16] =	ssyncset.done $0x0  }
0x10f: {  	[sflag:s16] =	ssyncadd.s32 $0xFFFFF000  }
0x110: {  	_ =	swait.ge [sflag:s16], $0x1000  }
0x111: {  	s0 =	sadd.s32 $0x5600, s30;
	[sflag:s16] =	ssyncset.done $0x0  }
0x112: {  	s1 =	sadd.s32 $0x5680, s30;
	[sflag:s16] =	ssyncadd.s32 $0xFFFFF000  }
0x113: {  	[spmem:s2] =	stream.indirect.scatter.add.f32 [tilespmem:s26], [sflag:$0x3], $0x20, s0, s19, $0xb8;
	[tilespmem:$0x17000] =	vst v63  }
.Ltmp1:
0x114: {  	_ = 	snop;
	(pc) =	sbr.rel @p0 .LBB2_4-.Ltmp1, $4  }
0x115: {  	s0 =	sadd.s32 $0x5700, s30  }
0x116: {  	[spmem:s2] =	stream.indirect.scatter.add.f32 [tilespmem:s29], [sflag:$0x3], $0x20, s1, s19, $0xb8;
	[tilespmem:$0x17000] =	vst v63  }
0x117: {  	s30 =	sadd.s32 $0x5780, s30  }
0x118: {  	[spmem:s2] =	stream.indirect.scatter.add.f32 [tilespmem:s31], [sflag:$0x3], $0x20, s0, s19, $0xb8;
	[tilespmem:$0x17000] =	vst v63  }
0x119: {  	[spmem:s2] =	stream.indirect.scatter.add.f32 [tilespmem:s21], [sflag:$0x3], $0x20, s30, s19, $0xb8;
	[tilespmem:$0x17000] =	vst v63  }
0x11a: {  	_ =	swait.ge [sflag:s28], $0x1000  }
0x11b: {  	[sflag:s28] =	ssyncset.done $0x0  }
0x11c: {  	[sflag:s28] =	ssyncadd.s32 $0xFFFFF000  }
0x11d: {  	_ =	swait.ge [sflag:s28], $0x1000  }
0x11e: {  	[sflag:s28] =	ssyncset.done $0x0  }
0x11f: {  	[sflag:s28] =	ssyncadd.s32 $0xFFFFF000  }
0x120: {  	_ =	swait.ge [sflag:s28], $0x1000  }
0x121: {  	[sflag:s28] =	ssyncset.done $0x0  }
0x122: {  	[sflag:s28] =	ssyncadd.s32 $0xFFFFF000  }
0x123: {  	_ =	swait.ge [sflag:s28], $0x1000  }
0x124: {  	[sflag:s28] =	ssyncset.done $0x0  }
0x125: {  	[sflag:s28] =	ssyncadd.s32 $0xFFFFF000  }
0x126: {  	_ =	swait.ge [sflag:s28], $0x1000  }
0x127: {  	[sflag:s28] =	ssyncset.done $0x0  }
0x128: {  	[sflag:s28] =	ssyncadd.s32 $0xFFFFF000  }
0x129: {  	_ =	swait.ge [sflag:s28], $0x1000  }
0x12a: {  	[sflag:s28] =	ssyncset.done $0x0  }
0x12b: {  	[sflag:s28] =	ssyncadd.s32 $0xFFFFF000  }
0x12c: {  	_ =	swait.ge [sflag:s28], $0x1000  }
0x12d: {  	[sflag:s28] =	ssyncset.done $0x0  }
0x12e: {  	[sflag:s28] =	ssyncadd.s32 $0xFFFFF000  }
0x12f: {  	s0 =	stileid.u32;
	_ =	swait.ge [sflag:s28], $0x1000  }
0x130: {  	s1 =	sshrl.u32 s7, $0x3;
	s23 =	sadd.s32 $0x1, s23;
	[sflag:s28] =	ssyncset.done $0x0  }
0x131: {  	s0 =	sshll.u32 s0, $0x6;
	p0 =	sne.s32 s23, s13;
	[sflag:s28] =	ssyncadd.s32 $0xFFFFF000  }
.Ltmp2:
0x132: {  	s0 =	sor.u32 $0x1C04, s0;
	[bflag:$0x0] =	sbarrier.arrive $0xFFFF;
	(pc) =	sbr.rel @p0 .LBB2_1-.Ltmp2, $4  }
0x133: {  	[hbm:s12], [sflag:s0] =	dma.local [spmem:s1], $0xA00  }
0x134: {  	_ =	swait.ge [sflag:s18], $0xA00  }
0x135: {  	[sflag:s18] =	ssyncset.done $0x0  }
0x136: {  	s3 =	simm.s32 $0x5000;
	[sflag:s18] =	ssyncadd.s32 $0xFFFFF600  }
0x137: {  	_ =	sfence.sel $0x180000  }
0x138: {  	[bflag:$0x0] =	sbarrier.arrive $0xFFFF  }
0x139: {  	_ =	strace $0x9000004D  }
0x13a: {  	s0 =	stileid.u32;
	[bflag:$0x2] =	sbarrier.arrive $0xFFFF  }
0x13b: {  	p0 =	sne.s32 s0, $0x0;
	s0 =	rddreg [dreg:$0x2]  }
0x13c: {  	s0 =	sadd.s32 @!p0 $0x100000, s0  }
0x13d: {  	[sflag:s0] =	ssyncadd.tile.s32 @!p0 $0x1;
	_ =	shalt  }
.Lfunc_end2:
_tile_overlayer_lowered:
.L_overlay_start_2:
0x13e: {  	(tag) =	ssettag $0x2  }
0x13f: {  	s0 =	rddreg [dreg:$0x0];
	s2 =	stileid.u32  }
0x140: {  	s1 =	rddreg [dreg:$0x1];
	p0 =	sne.s32 s2, $0x0  }
0x141: {  	s3 =	rddreg [dreg:$0x2];
	[bflag:$0x3] =	sbarrier.arrive $0xFFFF;
	s2 =	simm.s32 @!p0 $0x1C04  }
0x142: {  	[timem:s3], [sflag:s2] =	dma.local @!p0 [hbm:s0], s1  }
0x143: {  	s0 =	simm.s32 @!p0 $0x4  }
0x144: {  	_ =	swait.ge @!p0 [sflag:s0], s1  }
0x145: {  	s1 =	ssub.s32 @!p0 $0x0, s1;
	[sflag:s0] =	ssyncset.done @!p0 $0x0  }
0x146: {  	[sflag:s0] =	ssyncadd.s32 @!p0 s1  }
0x147: {  	[bflag:$0x3] =	sbarrier.arrive $0xFFFF  }
0x148: {  	_ =	shalt  }

// kernel: kernel.8.cloned.1.call-start
scs
__scs_entry_jumppad:
0x0: {  	(pc) =	sbr.rel $0x88, $3  }
0x1: {  	(tag) =	ssettag $0x0;
	lr =	simm.s32 $0x1  }
0x2: {  	[smem:$0x3F97] =	sst lr;
	_ =	strace $0xD0000000  }
0x3: {  	_ = 	snop  }
0x4: {  	_ = 	snop  }
0x5: {  	_ = 	snop  }
0x6: {  	_ = 	snop  }
0x7: {  	_ = 	snop  }
__scs_overlays_trampoline_lowered:
0x8: {  	[smem:$0x3FA6] =	sst s0  }
0x9: {  	[smem:$0x3FA7] =	sst s1  }
0xa: {  	[smem:$0x3FA8] =	sst s2  }
0xb: {  	[smem:$0x3FA9] =	sst s3  }
0xc: {  	[smem:$0x3FAA] =	sst s4  }
0xd: {  	[smem:$0x3FAB] =	sst s5  }
0xe: {  	[smem:$0x3FAC] =	sst s6  }
0xf: {  	[smem:$0x3FAD] =	sst s7  }
0x10: {  	[smem:$0x3FAE] =	sst s8  }
0x11: {  	[smem:$0x3FAF] =	sst s9;
	s0 =	simm.s32 @!p0 $0x0  }
0x12: {  	s1 =	sld [smem:$0x3F95];
	s0 =	simm.s32 @p0 $0x1  }
0x13: {  	[smem:$0x3FB0] =	sst s0;
	s0 =	simm.s32 @!p1 $0x0  }
0x14: {  	s2 =	sld [smem:$0x3F94];
	s0 =	simm.s32 @p1 $0x1  }
0x15: {  	[smem:$0x3FB1] =	sst s0;
	s0 =	simm.s32 @!p2 $0x0  }
0x16: {  	s3 =	sld [smem:$0x3FDB];
	s0 =	simm.s32 @p2 $0x1  }
0x17: {  	s4 =	simm.s32 $0x1BF5;
	[smem:$0x3FB3] =	sst s0  }
0x18: {  	s0 =	sld [smem:$0x3F96];
	_ =	swait.ge [sflag:s4], $0x0  }
0x19: {  	s7 =	sld [smem:$0x3F97]  }
0x1a: {  	s8 =	sadd.s32 $0xFFFFE003, lr  }
0x1b: {  	s9 =	sadd.s32 $0xFFFFFEF7, lr;
	s5 =	simm.s32 $0xFFFFFFFF;
	p2 =	slt.u32 s8, $0xFFFFF086  }
0x1c: {  	p1 =	slt.u32 s9, $0xF7A;
	s5 =	simm.s32 @!p2 $0x0  }
0x1d: {  	s5 =	simm.s32 @p1 $0x1;
	p0 =	seq.s32 s7, s2  }
0x1e: {  	s7 =	smul.u32 @!p0 $0xF7A, s2;
	p2 =	seq.s32 @!p0 s5, $0x0  }
0x1f: {  	s9 =	smul.u32 $0xF7A, s1;
	s8 =	simm.s32 @!p0 $0x1BF5;
	p2 =	por !p2, p0  }
0x20: {  	[sflag:s8] =	ssyncset.s32 @!p0 $0xFFFFF086;
	s6 =	sadd.s32 @!p0 s3, s7;
	s7 =	simm.s32 @!p0 $0x108  }
0x21: {  	s3 =	sadd.s32 s3, s9;
	s6 =	sadd.s32 @!p0 $0x88, s6;
	s7 =	simm.s32 @p2 $0x1082  }
0x22: {  	[simem:s7], [sflag:s8] =	dma.local @!p0 [hbm:s6], $0xF7A  }
0x23: {  	s9 =	sor.u32 $0xD0000000, s2;
	s6 =	simm.s32 $0x108;
	_ =	swait.ge @!p0 [sflag:s8], $0x0  }
0x24: {  	s3 =	sadd.s32 $0x88, s3;
	s6 =	simm.s32 @!p1 $0x1082;
	[sflag:s4] =	ssyncset.s32 $0xFFFFF086  }
0x25: {  	[simem:s6], [sflag:s4] =	dma.local [hbm:s3], $0xF7A  }
0x26: {  	[smem:$0x3F97] =	sst s1;
	(tag) =	ssettag s2;
	_ =	strace s9  }
0x27: {  	s1 =	sld [smem:$0x3FA7]  }
0x28: {  	s2 =	sld [smem:$0x3FA8]  }
0x29: {  	s4 =	sld [smem:$0x3FAA]  }
0x2a: {  	p0 =	seq.s32 s5, $0x0;
	s5 =	sld [smem:$0x3FAB]  }
0x2b: {  	s6 =	sld [smem:$0x3FAC]  }
0x2c: {  	s7 =	sld [smem:$0x3FAD]  }
0x2d: {  	s3 =	simm.s32 $0x108;
	s8 =	sld [smem:$0x3FAE]  }
0x2e: {  	s3 =	simm.s32 @!p0 $0x1082;
	s9 =	sld [smem:$0x3FAF]  }
0x2f: {  	lr =	sadd.s32 s0, s3;
	s0 =	sld [smem:$0x3FA6]  }
0x30: {  	s3 =	sld [smem:$0x3FA9]  }
0x31: {  	[smem:$0x3FB2] =	sst s10  }
0x32: {  	s10 =	sld [smem:$0x3FB0];
	_ =	sdelay $0x3  }
0x33: {  	p0 =	seq.s32 s10, $0x1;
	s10 =	sld [smem:$0x3FB2];
	_ =	sdelay $0x3  }
0x34: {  	[smem:$0x3FB2] =	sst s10  }
0x35: {  	s10 =	sld [smem:$0x3FB1];
	_ =	sdelay $0x3  }
0x36: {  	p1 =	seq.s32 s10, $0x1;
	s10 =	sld [smem:$0x3FB2];
	_ =	sdelay $0x3  }
0x37: {  	[smem:$0x3FB2] =	sst s10  }
0x38: {  	s10 =	sld [smem:$0x3FB3]  }
0x39: {  	_ = 	snop;
	(pc) =	sbr.ind lr, $3  }
0x3a: {  	_ = 	snop  }
0x3b: {  	_ = 	snop  }
0x3c: {  	p2 =	seq.s32 s10, $0x1;
	s10 =	sld [smem:$0x3FB2]  }
0x3d: {  	_ =	shalt  }
0x3e: {  	_ =	shalt  }
0x3f: {  	_ =	shalt  }
0x40: {  	_ =	shalt  }
0x41: {  	_ =	shalt  }
0x42: {  	_ =	shalt  }
0x43: {  	_ =	shalt  }
0x44: {  	_ =	shalt  }
0x45: {  	_ =	shalt  }
0x46: {  	_ =	shalt  }
0x47: {  	_ =	shalt  }
0x48: {  	_ =	shalt  }
0x49: {  	_ =	shalt  }
0x4a: {  	_ =	shalt  }
0x4b: {  	_ =	shalt  }
0x4c: {  	_ =	shalt  }
0x4d: {  	_ =	shalt  }
0x4e: {  	_ =	shalt  }
0x4f: {  	_ =	shalt  }
0x50: {  	_ =	shalt  }
0x51: {  	_ =	shalt  }
0x52: {  	_ =	shalt  }
0x53: {  	_ =	shalt  }
0x54: {  	_ =	shalt  }
0x55: {  	_ =	shalt  }
0x56: {  	_ =	shalt  }
0x57: {  	_ =	shalt  }
0x58: {  	_ =	shalt  }
0x59: {  	_ =	shalt  }
0x5a: {  	_ =	shalt  }
0x5b: {  	_ =	shalt  }
0x5c: {  	_ =	shalt  }
0x5d: {  	_ =	shalt  }
0x5e: {  	_ =	shalt  }
0x5f: {  	_ =	shalt  }
0x60: {  	_ =	shalt  }
0x61: {  	_ =	shalt  }
0x62: {  	_ =	shalt  }
0x63: {  	_ =	shalt  }
0x64: {  	_ =	shalt  }
0x65: {  	_ =	shalt  }
0x66: {  	_ =	shalt  }
0x67: {  	_ =	shalt  }
0x68: {  	_ =	shalt  }
0x69: {  	_ =	shalt  }
0x6a: {  	_ =	shalt  }
0x6b: {  	_ =	shalt  }
0x6c: {  	_ =	shalt  }
0x6d: {  	_ =	shalt  }
0x6e: {  	_ =	shalt  }
0x6f: {  	_ =	shalt  }
0x70: {  	_ =	shalt  }
0x71: {  	_ =	shalt  }
0x72: {  	_ =	shalt  }
0x73: {  	_ =	shalt  }
0x74: {  	_ =	shalt  }
0x75: {  	_ =	shalt  }
0x76: {  	_ =	shalt  }
0x77: {  	_ =	shalt  }
0x78: {  	_ =	shalt  }
0x79: {  	_ =	shalt  }
0x7a: {  	_ =	shalt  }
0x7b: {  	_ =	shalt  }
0x7c: {  	_ =	shalt  }
0x7d: {  	_ =	shalt  }
0x7e: {  	_ =	shalt  }
0x7f: {  	_ =	shalt  }
0x80: {  	_ =	shalt  }
0x81: {  	_ =	shalt  }
0x82: {  	_ =	shalt  }
0x83: {  	_ =	shalt  }
0x84: {  	_ =	shalt  }
0x85: {  	_ =	shalt  }
0x86: {  	_ =	shalt  }
0x87: {  	_ =	shalt  }
.Lfunc_end0:
.L_simem_size_0:
called_computation_lowered:
.L_overlay_start_0:
0x88: {  	s2 =	sld [smem:$0x3FD9]  }
0x89: {  	s3 =	sld [smem:$0x3FFE];
	_ =	sdelay $0x1  }
0x8a: {  	s1 =	srdreg.scid  }
0x8b: {  	s0 =	sand.u32 $0x1, s1  }
0x8c: {  	s16 =	sshll.u32 s0, $0xA;
	s2 =	sadd.s32 s3, s2  }
0x8d: {  	s2 =	sadd.s32 s2, s16  }
0x8e: {  	[smem:$0x3FBE] =	sst s2  }
0x8f: {  	_ = 	snop  }
0x90: {  	(tm) =	ssettm $0x1  }
0x91: {  	s17 =	sld [smem:$0x3FFB];
	_ =	sdelay $0x3  }
0x92: {  	_ =	strace s17  }
0x93: {  	s2 =	sld [smem:$0x3FFC];
	_ =	sdelay $0x3  }
0x94: {  	_ =	strace s2  }
0x95: {  	s2 =	sld [smem:$0x3FFD];
	_ =	sdelay $0x3  }
0x96: {  	_ =	strace s2  }
0x97: {  	_ =	strace $0x8FFFFFFF  }
0x98: {  	s18 =	sld [smem:$0x3FDB];
	_ =	sdelay $0x1  }
0x99: {  	s19 =	simm.s32 $_scs_section_size  }
0x9a: {  	s4 =	simm.s32 $_size__tile_overlayer_lowered;
	s5 =	simm.s32 $_tile_overlayer_lowered  }
0x9b: {  	s22 =	simm.s32 $0x1BFF;
	s21 =	sshll.u32 s5, $0x1;
	s2 =	sadd.s32 s19, s18  }
0x9c: {  	s6 =	simm.s32 $0x0;
	s20 =	sshll.u32 s4, $0x1;
	s4 =	sadd.s32 s21, s2  }
0x9d: {  	[timem:s6], [sflag:s22] =	dma.local [hbm:s4], s20  }
0x9e: {  	_ =	swait.ge [sflag:s22], s20  }
0x9f: {  	s3 =	ssub.s32 $0x0, s20;
	[sflag:s22] =	ssyncset.done $0x0  }
0xa0: {  	[sflag:s22] =	ssyncadd.s32 s3;
	_ =	sdelay $0x1  }
0xa1: {  	s23 =	simm.s32 $0x1B8B  }
0xa2: {  	_ =	swait.ge [sflag:s23], $0x1  }
0xa3: {  	[sflag:s23] =	ssyncset.done $0x0  }
0xa4: {  	s25 =	simm.s32 $0x1B8E;
	s24 =	sld [smem:$0x3FFE];
	[sflag:s23] =	ssyncadd.s32 $0xFFFFFFFF  }
0xa5: {  	s26 =	simm.s32 $execute0_lowered;
	[smem:$0x3FD2] =	sst s25  }
0xa6: {  	s4 =	sshll.u32 s26, $0x1;
	_ =	strace $0x80000046;
	[dreg:$0x1] =	wrdreg $0xFFFFFFFF  }
0xa7: {  	s28 =	simm.s32 $_size_execute0_lowered;
	s2 =	sadd.s32 s2, s4;
	[dreg:$0x0] =	wrdreg $0x0  }
0xa8: {  	s4 =	sshll.u32 s28, $0x1;
	[dreg:$0x2] =	wrdreg s2  }
0xa9: {  	[dreg:$0x3] =	wrdreg s4  }
0xaa: {  	[dreg:$0x4] =	wrdreg $0xC0  }
0xab: {  	_ =	task [dreg:s6], $0x5FFFF  }
0xac: {  	[dreg:$0x1] =	wrdreg $0xFFFFFFFF  }
0xad: {  	[dreg:$0x0] =	wrdreg $0x60  }
0xae: {  	[dreg:$0x2] =	wrdreg s24  }
0xaf: {  	[dreg:$0x3] =	wrdreg $0x9  }
0xb0: {  	_ =	task.clear_ibuf [dreg:s6], $0x4FFFF;
	_ =	strace $0x90000046  }
0xb1: {  	s29 =	simm.s32 $0x9;
	_ =	strace $0x80000048  }
0xb2: {  	_ =	swait.ge [sflag:s29], $0x1  }
0xb3: {  	[sflag:s29] =	ssyncadd.s32 $0xFFFFFFFF  }
0xb4: {  	_ =	strace $0x90000048  }
0xb5: {  	_ =	sfence  }
0xb6: {  	s30 =	sld [smem:$0x0];
	_ =	sdelay $0x2  }
0xb7: {  	s31 =	sshll.u32 s1, $0xD;
	s1 =	sshrl.u32 s1, $0x2  }
0xb8: {  	s3 =	sand.u32 $0x4000, s31;
	s1 =	sadd.s32 s1, s30  }
0xb9: {  	s0 =	sor.u32 s3, s0;
	s1 =	sshll.u32 s1, $0x11  }
0xba: {  	s0 =	sor.u32 s1, s0  }
0xbb: {  	s0 =	sadd.s32 $0x8F2B, s0  }
0xbc: {  	[sflag:s0] =	ssyncadd.remote.s32 $0x1  }
0xbd: {  	_ =	sfence.sel $0xFFFF  }
0xbe: {  	[dreg:$0x0] =	wrdreg $0xFFFFFFFF;
	(pc) =	sbr.abs _section_cstart, $3  }
0xbf: {  	[dreg:$0x1] =	wrdreg $0xFFFFFFFF  }
0xc0: {  	_ =	task.clear_ibuf [dreg:s6], $0x2FFFF;
	_ =	strace $0x9FFFFFFF  }
0xc1: {  	(tm) =	ssettm $0x7FFFFFFF  }
tec
execute0_lowered:
.L_overlay_start_1:
0x0: {  	(tag) =	ssettag $0x1  }
0x1: {  	s0 =	srdreg.scid  }
0x2: {  	s4 =	rddreg [dreg:$0x0];
	s3 =	sand.u32 $0x1, s0  }
0x3: {  	s1 =	stileid.u32;
	s7 =	simm.s32 $0x2800;
	s2 =	sshll.u32 s3, $0x4  }
0x4: {  	s0 =	rddreg [dreg:$0x1];
	s3 =	ssub.s32 $0x2, s3;
	s5 =	sor.u32 s1, s2  }
0x5: {  	s2 =	simm.s32 $0x0;
	s6 =	sshrl.u32 s3, $0x1;
	s5 =	smul.u32 $0x500, s5  }
0x6: {  	s8 =	simm.s32 $0x0;
	[smem:$0x7FF] =	sst s2;
	s31 =	ssub.s32 s3, s6  }
0x7: {  	s6 =	simm.s32 $0x1;
	_ =	strace $0x80000047;
	s4 =	sadd.s32 s5, s4  }
0x8: {  	v0 =	vimm.f32 $0.0e+00;
	v1 =	vimm.f32 $1.000000000e+00;
	s5 =	smax.u32 s31, $0x1;
	s3 =	sadd.s32 $0x2400, s4;
	s4 =	sadd.s32 $0xC400, s4  }
.LBB2_1:
0x9: {  	[tilespmem:s2], [sflag:$0x1] =	stream.linear.gather [hbm4b:s3+s2], $0x2800, $0x38;
	[tilespmem:$0x5000] =	vst v63  }
0xa: {  	_ =	swait.ge [sflag:s6], $0x2800  }
0xb: {  	[sflag:s6] =	ssyncset.done $0x0  }
0xc: {  	s9 =	simm.s32 $0x0;
	[sflag:s6] =	ssyncadd.s32 $0xFFFFD800  }
.LBB2_2:
0xd: {  	p0 =	sne.s32 s9, $0x9FC0  }
.Ltmp0:
0xe: {  	_ = 	snop;
	(pc) =	sbr.rel @p0 .LBB2_2-.Ltmp0, $3  }
0xf: {  	_ =	sdelay $0x1  }
0x10: {  	s10 =	sshra.s32 s9, $0x2  }
0x11: {  	s9 =	sadd.s32 $0x40, s9;
	[tilespmem:s10+$0x2800] =	vst v0  }
0x12: {  	s9 =	simm.s32 $0x1C0  }
.LBB2_4:
0x13: {  	s10 =	sshra.s32 s9, $0x2  }
0x14: {  	v2 =	vld [tilespmem:s10+$0xFFFFFF90];
	_ =	sdelay $0x7  }
0x15: {  	[tilespmem:v2+s7+$0x0] =	vst.idx.add.f32.msk $0xffff, v1  }
0x16: {  	v2 =	vld [tilespmem:s10+$0xFFFFFFA0];
	_ =	sdelay $0x7  }
0x17: {  	[tilespmem:v2+s7+$0x0] =	vst.idx.add.f32.msk $0xffff, v1  }
0x18: {  	v2 =	vld [tilespmem:s10+$0xFFFFFFB0];
	_ =	sdelay $0x7  }
0x19: {  	[tilespmem:v2+s7+$0x0] =	vst.idx.add.f32.msk $0xffff, v1  }
0x1a: {  	v2 =	vld [tilespmem:s10+$0xFFFFFFC0];
	_ =	sdelay $0x7  }
0x1b: {  	[tilespmem:v2+s7+$0x0] =	vst.idx.add.f32.msk $0xffff, v1  }
0x1c: {  	v2 =	vld [tilespmem:s10+$0xFFFFFFD0];
	_ =	sdelay $0x7  }
0x1d: {  	[tilespmem:v2+s7+$0x0] =	vst.idx.add.f32.msk $0xffff, v1  }
0x1e: {  	v2 =	vld [tilespmem:s10+$0xFFFFFFE0];
	_ =	sdelay $0x7  }
0x1f: {  	[tilespmem:v2+s7+$0x0] =	vst.idx.add.f32.msk $0xffff, v1  }
0x20: {  	v2 =	vld [tilespmem:s10+$0xFFFFFFF0];
	_ =	sdelay $0x7  }
0x21: {  	[tilespmem:v2+s7+$0x0] =	vst.idx.add.f32.msk $0xffff, v1  }
0x22: {  	v2 =	vld [tilespmem:s10+$0x0];
	_ =	sdelay $0x2  }
0x23: {  	p0 =	sne.s32 s9, $0x9FC0  }
.Ltmp1:
0x24: {  	_ = 	snop;
	(pc) =	sbr.rel @p0 .LBB2_4-.Ltmp1, $2  }
0x25: {  	_ =	sdelay $0x2  }
0x26: {  	s9 =	sadd.s32 $0x200, s9;
	[tilespmem:v2+s7+$0x0] =	vst.idx.add.f32.msk $0xffff, v1  }
0x27: {  	s8 =	sadd.s32 $0x1, s8  }
0x28: {  	p0 =	sne.s32 s8, s5  }
.Ltmp2:
0x29: {  	_ = 	snop;
	(pc) =	sbr.rel @p0 .LBB2_1-.Ltmp2, $4  }
0x2a: {  	[hbm4b:s4+s2] =	stream.linear.scatter [tilespmem:s7], [sflag:$0x1], $0x2800, $0x38;
	[tilespmem:$0x5000] =	vst v63  }
0x2b: {  	_ =	swait.ge [sflag:s6], $0x2800  }
0x2c: {  	[sflag:s6] =	ssyncset.done $0x0  }
0x2d: {  	[sflag:s6] =	ssyncadd.s32 $0xFFFFD800  }
0x2e: {  	_ =	sfence.sel $0x180000  }
0x2f: {  	[bflag:$0x0] =	sbarrier.arrive $0xFFFF  }
0x30: {  	p0 =	sne.s32 s1, $0x0;
	_ =	strace $0x90000047  }
0x31: {  	s0 =	sadd.s32 @!p0 $0x100000, s0;
	[bflag:$0x2] =	sbarrier.arrive $0xFFFF  }
0x32: {  	[sflag:s0] =	ssyncadd.tile.s32 @!p0 $0x1;
	_ =	shalt  }
.Lfunc_end2:
_tile_overlayer_lowered:
.L_overlay_start_2:
0x33: {  	(tag) =	ssettag $0x2  }
0x34: {  	s0 =	rddreg [dreg:$0x0];
	s2 =	stileid.u32  }
0x35: {  	s1 =	rddreg [dreg:$0x1];
	p0 =	sne.s32 s2, $0x0  }
0x36: {  	s3 =	rddreg [dreg:$0x2];
	[bflag:$0x3] =	sbarrier.arrive $0xFFFF;
	s2 =	simm.s32 @!p0 $0x1C01  }
0x37: {  	[timem:s3], [sflag:s2] =	dma.local @!p0 [hbm:s0], s1  }
0x38: {  	s0 =	simm.s32 @!p0 $0x1  }
0x39: {  	_ =	swait.ge @!p0 [sflag:s0], s1  }
0x3a: {  	s1 =	ssub.s32 @!p0 $0x0, s1;
	[sflag:s0] =	ssyncset.done @!p0 $0x0  }
0x3b: {  	[sflag:s0] =	ssyncadd.s32 @!p0 s1  }
0x3c: {  	[bflag:$0x3] =	sbarrier.arrive $0xFFFF  }
0x3d: {  	_ =	shalt  }

</sc_bundles>
